<compile_context>
chip_gen: v7x
topology: tpu7x:2x2x1
jax: 0.10.2.dev20260603
libtpu: 0.0.44.dev20260713+nightly
codegen_flags: <defaults>
</compile_context>

<pallas_src>
import functools

import jax
import jax.numpy as jnp
from jax import lax
from jax.experimental import pallas as pl
from jax.experimental.pallas import tpu as pltpu
from jax.experimental.pallas import tpu_sc as plsc

N = 10000
E1 = 320000
E2 = 160000
D = 128
DE = 16

NC, NS, L = 2, 16, 16
NW = NC * NS

E1_W = E1 // NW
E2_W = E2 // NW
CH = 128
E1_WP = -(-E1_W // (2 * CH)) * (2 * CH)
E2_WP = -(-E2_W // (2 * CH)) * (2 * CH)
NCH1 = E1_WP // CH
NCH2 = E2_WP // CH
S1 = NW * E1_WP
S2 = NW * E2_WP
NP = 10240
ROWS_T = NP // NS

TOT = N + S1 + S2
SM_ROWS = 3920
TOTP = SM_ROWS * 128
SM_BLK = 784

BLK = 400
EBLK = 4096



def _dense_body(r_ref, o_ref, wst_ref, wrt_ref, wot_ref,
                aS_ref, aO1_ref, aO2_ref, aR1_ref, aR2_ref,
                rp_ref, op_ref, scal_ref):
    r = r_ref[...]
    o = o_ref[...]
    sr = jnp.dot(r, wst_ref[...], preferred_element_type=jnp.float32)
    rp = jnp.dot(r, wrt_ref[...], preferred_element_type=jnp.float32)
    op = jnp.dot(o, wot_ref[...], preferred_element_type=jnp.float32)
    rp_ref[...] = rp
    op_ref[...] = op
    s_self = jnp.dot(sr, aS_ref[...])
    l_self = jnp.where(s_self > 0, s_self, 0.2 * s_self)
    a_res = jnp.dot(sr, aO1_ref[...])
    p = jnp.dot(sr, aR1_ref[...])
    q = jnp.dot(rp, aR2_ref[...])
    c_op = jnp.dot(op, aO2_ref[...])
    z = jnp.zeros_like(s_self)
    scal_ref[...] = jnp.concatenate([l_self, a_res, p, q, c_op, z, z, z], axis=1)


def _dense_call(resources, operations, wst, wrt, wot, aS, aO1, aO2, aR1, aR2):
    nblk = N // BLK
    full = lambda s: pl.BlockSpec(s, lambda i: (0, 0))
    return pl.pallas_call(
        _dense_body,
        grid=(nblk,),
        in_specs=[
            pl.BlockSpec((BLK, D), lambda i: (i, 0)),
            pl.BlockSpec((BLK, D), lambda i: (i, 0)),
            full((D, D)), full((D, D)), full((D, D)),
            full((D, 1)), full((D, 1)), full((D, 1)), full((D, 1)), full((D, 1)),
        ],
        out_specs=[
            pl.BlockSpec((BLK, D), lambda i: (i, 0)),
            pl.BlockSpec((BLK, D), lambda i: (i, 0)),
            pl.BlockSpec((BLK, 8), lambda i: (i, 0)),
        ],
        out_shape=[
            jax.ShapeDtypeStruct((N, D), jnp.float32),
            jax.ShapeDtypeStruct((N, D), jnp.float32),
            jax.ShapeDtypeStruct((N, 8), jnp.float32),
        ],
    )(resources, operations, wst, wrt, wot, aS, aO1, aO2, aR1, aR2)



def _attr_body(attr_ref, wet_ref, aO2_ref, ap_ref, d_ref):
    ap = jnp.dot(attr_ref[...], wet_ref[...], preferred_element_type=jnp.float32)
    ap_ref[...] = ap
    d_ref[...] = jnp.dot(ap, aO2_ref[...])


def _attr_call(attrp, wet, aO2):
    return pl.pallas_call(
        _attr_body,
        grid=(S1 // EBLK,),
        in_specs=[
            pl.BlockSpec((EBLK, DE), lambda i: (i, 0)),
            pl.BlockSpec((DE, D), lambda i: (0, 0)),
            pl.BlockSpec((D, 1), lambda i: (0, 0)),
        ],
        out_specs=[
            pl.BlockSpec((EBLK, D), lambda i: (i, 0)),
            pl.BlockSpec((EBLK, 1), lambda i: (i, 0)),
        ],
        out_shape=[
            jax.ShapeDtypeStruct((S1, D), jnp.float32),
            jax.ShapeDtypeStruct((S1, 1), jnp.float32),
        ],
    )(attrp, wet, aO2)



_MESH = plsc.VectorSubcoreMesh(core_axis_name="c", subcore_axis_name="s")


@functools.partial(
    pl.kernel,
    mesh=_MESH,
    compiler_params=pltpu.CompilerParams(needs_layout_passes=False),
    out_type=[
        jax.ShapeDtypeStruct((S1,), jnp.float32),
        jax.ShapeDtypeStruct((S2,), jnp.float32),
    ],
    scratch_types=[
        pltpu.VMEM((N,), jnp.float32),
        pltpu.VMEM((N,), jnp.float32),
        pltpu.VMEM((N,), jnp.float32),
        pltpu.VMEM((N,), jnp.float32),
        pltpu.VMEM((CH,), jnp.int32),
        pltpu.VMEM((CH,), jnp.int32),
        pltpu.VMEM((CH,), jnp.float32),
        pltpu.VMEM((CH,), jnp.float32),
    ],
)
def _logits_kernel(ares_h, cop_h, p_h, q_h, de_h, src1_h, dst1_h, src2_h, dst2_h,
                   lop_h, lres_h,
                   ares_v, cop_v, p_v, q_v, si_v, di_v, dv_v, lb_v):
    cid = lax.axis_index("c")
    sid = lax.axis_index("s")
    wid = sid * NC + cid
    pltpu.sync_copy(ares_h, ares_v)
    pltpu.sync_copy(cop_h, cop_v)
    pltpu.sync_copy(p_h, p_v)
    pltpu.sync_copy(q_h, q_v)
    lanes = lax.iota(jnp.int32, L)

    def chunk_need(c, _):
        base = wid * E1_WP + c * CH
        pltpu.sync_copy(src1_h.at[pl.ds(base, CH)], si_v)
        pltpu.sync_copy(dst1_h.at[pl.ds(base, CH)], di_v)
        pltpu.sync_copy(de_h.at[pl.ds(base, CH)], dv_v)

        def g16(g, _):
            sl = pl.ds(g * L, L)
            x = (plsc.load_gather(ares_v, [di_v[sl]])
                 + plsc.load_gather(cop_v, [si_v[sl]])
                 + dv_v[sl])
            x = jnp.where(x > 0, x, 0.2 * x)
            pos = c * CH + g * L + lanes
            lb_v[sl] = jnp.where(pos < E1_W, x, -1e30)
            return 0

        lax.fori_loop(0, CH // L, g16, 0)
        pltpu.sync_copy(lb_v, lop_h.at[pl.ds(base, CH)])
        return 0

    lax.fori_loop(0, NCH1, chunk_need, 0)

    def chunk_same(c, _):
        base = wid * E2_WP + c * CH
        pltpu.sync_copy(src2_h.at[pl.ds(base, CH)], si_v)
        pltpu.sync_copy(dst2_h.at[pl.ds(base, CH)], di_v)

        def g16(g, _):
            sl = pl.ds(g * L, L)
            x = (plsc.load_gather(p_v, [di_v[sl]])
                 + plsc.load_gather(q_v, [si_v[sl]]))
            x = jnp.where(x > 0, x, 0.2 * x)
            pos = c * CH + g * L + lanes
            lb_v[sl] = jnp.where(pos < E2_W, x, -1e30)
            return 0

        lax.fori_loop(0, CH // L, g16, 0)
        pltpu.sync_copy(lb_v, lres_h.at[pl.ds(base, CH)])
        return 0

    lax.fori_loop(0, NCH2, chunk_same, 0)



def _max_body(x_ref, m_ref, acc):
    i = pl.program_id(0)

    @pl.when(i == 0)
    def _():
        acc[0, 0] = -jnp.inf

    acc[0, 0] = jnp.maximum(acc[0, 0], jnp.max(x_ref[...]))
    m_ref[0, 0] = acc[0, 0]


def _max_call(lpad):
    return pl.pallas_call(
        _max_body,
        grid=(SM_ROWS // SM_BLK,),
        in_specs=[pl.BlockSpec((SM_BLK, 128), lambda i: (i, 0))],
        out_specs=pl.BlockSpec((1, 1), lambda i: (0, 0), memory_space=pltpu.SMEM),
        out_shape=jax.ShapeDtypeStruct((1, 1), jnp.float32),
        scratch_shapes=[pltpu.SMEM((1, 1), jnp.float32)],
    )(lpad)


def _exp_body(x_ref, m_ref, w_ref, z_ref, acc):
    i = pl.program_id(0)

    @pl.when(i == 0)
    def _():
        acc[0, 0] = 0.0

    w = jnp.exp(x_ref[...] - m_ref[0, 0])
    w_ref[...] = w
    acc[0, 0] = acc[0, 0] + jnp.sum(w)
    z_ref[0, 0] = acc[0, 0]


def _exp_call(lpad, m):
    return pl.pallas_call(
        _exp_body,
        grid=(SM_ROWS // SM_BLK,),
        in_specs=[
            pl.BlockSpec((SM_BLK, 128), lambda i: (i, 0)),
            pl.BlockSpec((1, 1), lambda i: (0, 0), memory_space=pltpu.SMEM),
        ],
        out_specs=[
            pl.BlockSpec((SM_BLK, 128), lambda i: (i, 0)),
            pl.BlockSpec((1, 1), lambda i: (0, 0), memory_space=pltpu.SMEM),
        ],
        out_shape=[
            jax.ShapeDtypeStruct((SM_ROWS, 128), jnp.float32),
            jax.ShapeDtypeStruct((1, 1), jnp.float32),
        ],
        scratch_shapes=[pltpu.SMEM((1, 1), jnp.float32)],
    )(lpad, m)



@functools.partial(
    pl.kernel,
    mesh=_MESH,
    compiler_params=pltpu.CompilerParams(needs_layout_passes=False),
    out_type=[jax.ShapeDtypeStruct((NC, NP, D), jnp.float32)],
    scratch_types=[
        pltpu.VMEM_SHARED((NP, D), jnp.float32),
        pltpu.VMEM((CH, D), jnp.float32),
        pltpu.VMEM((CH, D), jnp.float32),
        pltpu.VMEM((NCH1, CH), jnp.int32),
        pltpu.VMEM((NCH2, CH), jnp.int32),
        pltpu.VMEM((CH,), jnp.int32),
        pltpu.VMEM((CH,), jnp.int32),
        pltpu.VMEM((CH,), jnp.float32),
        pltpu.VMEM((CH,), jnp.float32),
        pltpu.SemaphoreType.DMA,
        pltpu.SemaphoreType.DMA,
        pltpu.SemaphoreType.DMA,
        pltpu.SemaphoreType.DMA,
    ],
)
def _scatter_kernel(opj_h, rpj_h, aprj_h, src1_h, dst1_h, w1_h, src2_h, dst2_h, w2_h,
                    acc_h,
                    acc_sh, buf0, buf1, di1_a, di2_a, si0, si1, wv0, wv1,
                    sem0, sem1, ssem0, ssem1):
    cid = lax.axis_index("c")
    sid = lax.axis_index("s")
    wid = sid * NC + cid
    bufs, sis, wvs = (buf0, buf1), (si0, si1), (wv0, wv1)
    sems, ssems = (sem0, sem1), (ssem0, ssem1)

    pltpu.sync_copy(dst1_h.at[pl.ds(wid * NCH1, NCH1)], di1_a)
    pltpu.sync_copy(dst2_h.at[pl.ds(wid * NCH2, NCH2)], di2_a)

    def z_rows(t, _):
        buf0[t // 8, pl.ds((t % 8) * L, L)] = jnp.zeros((L,), jnp.float32)
        return 0

    lax.fori_loop(0, CH * 8, z_rows, 0)

    def z_acc(c, _):
        r0 = sid * ROWS_T + c * CH
        pltpu.sync_copy(buf0, acc_sh.at[pl.ds(r0, CH)])
        return 0

    lax.fori_loop(0, ROWS_T // CH, z_acc, 0)
    plsc.subcore_barrier()

    def run_edges(tbl_h, src_h, w_h, di_a, apr_h, nch, nch_rows_base):
        def issue(c, b, first):
            row = wid * nch_rows_base + c
            pltpu.sync_copy(src_h.at[row], sis[b])
            pltpu.sync_copy(w_h.at[row], wvs[b])
            if not first:
                pltpu.make_async_copy(bufs[b], acc_sh.at[di_a.at[c]], ssems[b]).wait()
            if apr_h is not None:
                pltpu.sync_copy(apr_h.at[pl.ds(row * CH, CH)], bufs[b])
                pltpu.async_copy(tbl_h.at[sis[b]], bufs[b], sems[b], add=True)
            else:
                pltpu.async_copy(tbl_h.at[sis[b]], bufs[b], sems[b])

        issue(0, 0, True)
        issue(1, 1, True)

        def outer(g, _):
            for b in range(2):
                c = 2 * g + b
                pltpu.make_async_copy(tbl_h.at[sis[b]], bufs[b], sems[b]).wait()

                def scale(i, _, b=b):
                    for u in range(2):
                        e = 2 * i + u
                        we = plsc.load_gather(wvs[b], [jnp.full((L,), e, jnp.int32)])
                        for j in range(D // L):
                            sl = pl.ds(j * L, L)
                            bufs[b][e, sl] = bufs[b][e, sl] * we
                    return 0

                lax.fori_loop(0, CH // 2, scale, 0)
                last = c + 2 >= nch

                @pl.when(jnp.logical_not(last))
                def _(c=c, b=b):
                    pltpu.async_copy(bufs[b], acc_sh.at[di_a.at[c]], ssems[b], add=True)
                    issue(c + 2, b, False)

                @pl.when(last)
                def _(c=c, b=b):
                    pltpu.sync_copy(bufs[b], acc_sh.at[di_a.at[c]], add=True)
            return 0

        lax.fori_loop(0, nch // 2, outer, 0)

    run_edges(opj_h, src1_h, w1_h, di1_a, aprj_h, NCH1, NCH1)
    run_edges(rpj_h, src2_h, w2_h, di2_a, None, NCH2, NCH2)
    plsc.subcore_barrier()

    r0 = sid * ROWS_T
    pltpu.sync_copy(acc_sh.at[pl.ds(r0, ROWS_T)], acc_h.at[cid, pl.ds(r0, ROWS_T)])



def _combine_body(r_ref, a0_ref, a1_ref, ws_ref, z_ref, o_ref):
    zinv = 1.0 / z_ref[0, 0]
    x = (r_ref[...] * (ws_ref[...] * zinv)
         + (a0_ref[...] + a1_ref[...]) * zinv)
    o_ref[...] = jnp.where(x > 0, x, jnp.exp(jnp.minimum(x, 0.0)) - 1.0)


def _combine_call(resources, a0, a1, ws, z):
    nblk = N // BLK
    return pl.pallas_call(
        _combine_body,
        grid=(nblk,),
        in_specs=[
            pl.BlockSpec((BLK, D), lambda i: (i, 0)),
            pl.BlockSpec((BLK, D), lambda i: (i, 0)),
            pl.BlockSpec((BLK, D), lambda i: (i, 0)),
            pl.BlockSpec((BLK, 1), lambda i: (i, 0)),
            pl.BlockSpec((1, 1), lambda i: (0, 0), memory_space=pltpu.SMEM),
        ],
        out_specs=pl.BlockSpec((BLK, D), lambda i: (i, 0)),
        out_shape=jax.ShapeDtypeStruct((N, D), jnp.float32),
    )(resources, a0, a1, ws, z)



def _pad_seg(x, ew, ewp):
    if x.ndim == 1:
        return jnp.pad(x.reshape(NW, ew), ((0, 0), (0, ewp - ew))).reshape(NW * ewp)
    return jnp.pad(x.reshape(NW, ew, x.shape[-1]),
                   ((0, 0), (0, ewp - ew), (0, 0))).reshape(NW * ewp, x.shape[-1])


def kernel(resources, operations, need_edge_index, need_edge_attr, same_edge_index,
           W_self, W_res, W_op, att_op, att_res, att_self):
    f32 = jnp.float32
    resources = resources.astype(f32)
    operations = operations.astype(f32)
    need_edge_attr = need_edge_attr.astype(f32)
    src1p = _pad_seg(need_edge_index[0].astype(jnp.int32), E1_W, E1_WP)
    dst1p = _pad_seg(need_edge_index[1].astype(jnp.int32), E1_W, E1_WP)
    src2p = _pad_seg(same_edge_index[0].astype(jnp.int32), E2_W, E2_WP)
    dst2p = _pad_seg(same_edge_index[1].astype(jnp.int32), E2_W, E2_WP)
    attrp = _pad_seg(need_edge_attr, E1_W, E1_WP)

    wst = W_self.T.astype(f32)
    wrt = W_res.T.astype(f32)
    wot = W_op[:, :D].T.astype(f32)
    wet = W_op[:, D:].T.astype(f32)
    aS = (att_self[:D] + att_self[D:]).astype(f32)
    aO1 = att_op[:D].astype(f32)
    aO2 = att_op[D:].astype(f32)
    aR1 = att_res[:D].astype(f32)
    aR2 = att_res[D:].astype(f32)

    res_proj, ops_proj, scal = _dense_call(resources, operations, wst, wrt, wot,
                                           aS, aO1, aO2, aR1, aR2)
    aprj, d_edge = _attr_call(attrp, wet, aO2)
    d_edge = d_edge[:, 0]

    l_self = scal[:, 0]
    a_res = scal[:, 1]
    p = scal[:, 2]
    q = scal[:, 3]
    c_op = scal[:, 4]

    l_op, l_res = _logits_kernel(a_res, c_op, p, q, d_edge,
                                 src1p, dst1p, src2p, dst2p)

    l_all = jnp.concatenate([l_self, l_op, l_res])
    lpad = jnp.pad(l_all, (0, TOTP - TOT), constant_values=-1e30).reshape(SM_ROWS, 128)
    m = _max_call(lpad)
    wpad, z = _exp_call(lpad, m)
    w_all = wpad.reshape(TOTP)
    w_self = w_all[:N]
    w1p = w_all[N:N + S1]
    w2p = w_all[N + S1:N + S1 + S2]

    (acc,) = _scatter_kernel(ops_proj, res_proj, aprj,
                             src1p.reshape(NW * NCH1, CH),
                             dst1p.reshape(NW * NCH1, CH),
                             w1p.reshape(NW * NCH1, CH),
                             src2p.reshape(NW * NCH2, CH),
                             dst2p.reshape(NW * NCH2, CH),
                             w2p.reshape(NW * NCH2, CH))

    return _combine_call(resources, acc[0, :N], acc[1, :N],
                         w_self.reshape(N, 1), z)

# --- scband reference (transcript-rebuilt; emitter-appended) ---
"""Pipeline reference for scband-resource-embedding-83623013253740 (READ-ONLY COPY).

The authoritative reference and input builder live on the scoring server;
editing this copy changes nothing except your own understanding.
"""

import jax, jax.numpy as jnp
import numpy as np

N_RES = 10000
N_OPS = 10000
E_NEED = 320000
E_SAME = 160000
D = 128            # resource_dimension == embedding_dimension (required for index_add_ into zeros_like(resources))
D_EDGE = 16
OP_DIM = 128 + D_EDGE  # operation_dimension = op feature dim + edge_attr dim


def _xavier(key, shape):
    fan_in, fan_out = shape[1], shape[0]
    std = 1.414 * np.sqrt(2.0 / (fan_in + fan_out))
    return jax.random.normal(key, shape, dtype=jnp.float32) * std


def setup_inputs(seed: int = 0) -> dict:
    key = jax.random.key(seed)
    ks = jax.random.split(key, 12)
    resources = jax.random.normal(ks[0], (N_RES, D), dtype=jnp.float32)
    operations = jax.random.normal(ks[1], (N_OPS, 128), dtype=jnp.float32)
    need_edge_index = jax.random.randint(ks[2], (2, E_NEED), 0, N_RES, dtype=jnp.int64 if jax.config.jax_enable_x64 else jnp.int32)
    need_edge_attr = jax.random.normal(ks[3], (E_NEED, D_EDGE), dtype=jnp.float32)
    same_edge_index = jax.random.randint(ks[4], (2, E_SAME), 0, N_RES, dtype=jnp.int64 if jax.config.jax_enable_x64 else jnp.int32)
    # learned parameters (torch Linear weight layout [out, in])
    W_self = _xavier(ks[5], (D, D))
    W_res = _xavier(ks[6], (D, D))
    W_op = _xavier(ks[7], (D, OP_DIM))
    att_op = _xavier(ks[8], (2 * D, 1))
    att_res = _xavier(ks[9], (2 * D, 1))
    att_self = _xavier(ks[10], (2 * D, 1))
    return {
        "resources": resources,
        "operations": operations,
        "need_edge_index": need_edge_index,
        "need_edge_attr": need_edge_attr,
        "same_edge_index": same_edge_index,
        "W_self": W_self,
        "W_res": W_res,
        "W_op": W_op,
        "att_op": att_op,
        "att_res": att_res,
        "att_self": att_self,
    }


def reference(resources, operations, need_edge_index, need_edge_attr, same_edge_index,
              W_self, W_res, W_op, att_op, att_res, att_self):
    lrelu = lambda x: jax.nn.leaky_relu(x, negative_slope=0.2)

    self_resources = resources @ W_self.T
    self_attention = lrelu(jnp.concatenate([self_resources, self_resources], axis=-1) @ att_self)  # [N,1]

    ops_by_need = jnp.concatenate([operations[need_edge_index[0]], need_edge_attr], axis=-1) @ W_op.T  # [E1,D]
    res_by_need = self_resources[need_edge_index[1]]
    op_cross = lrelu(jnp.concatenate([res_by_need, ops_by_need], axis=-1) @ att_op)  # [E1,1]

    res1_same = resources[same_edge_index[0]] @ W_res.T  # [E2,D]
    res2_same = self_resources[same_edge_index[1]]
    res_cross = lrelu(jnp.concatenate([res2_same, res1_same], axis=-1) @ att_res)  # [E2,1]

    normalizer = jax.nn.softmax(jnp.concatenate([self_attention, op_cross, res_cross], axis=0), axis=0)
    N = self_attention.shape[0]
    E1 = op_cross.shape[0]
    norm_self = normalizer[:N]
    norm_op = normalizer[N:N + E1]
    norm_res = normalizer[N + E1:]

    weighted_ops = norm_op * ops_by_need
    sum_ops = jnp.zeros_like(resources).at[need_edge_index[1]].add(weighted_ops)

    weighted_res = norm_res * res1_same
    sum_res = jnp.zeros_like(resources).at[same_edge_index[1]].add(weighted_res)

    embedding = jax.nn.elu(norm_self * resources + sum_ops + sum_res)
    return embedding

if __name__ == "__main__":
    import jax
    _d = setup_inputs()
    print(jax.jit(kernel)(*tuple(_d.values())))

</pallas_src>

<mosaic_0001>
#map = affine_map<(d0, d1) -> (0)>
module attributes {stable_mosaic.version = 14 : i64} {
  func.func @_logits_kernel(%arg0: i32, %arg1: i32, %arg2: memref<10000xf32, #tpu.memory_space<hbm>>, %arg3: memref<10000xf32, #tpu.memory_space<hbm>>, %arg4: memref<10000xf32, #tpu.memory_space<hbm>>, %arg5: memref<10000xf32, #tpu.memory_space<hbm>>, %arg6: memref<327680xf32, #tpu.memory_space<hbm>>, %arg7: memref<327680xi32, #tpu.memory_space<hbm>>, %arg8: memref<327680xi32, #tpu.memory_space<hbm>>, %arg9: memref<163840xi32, #tpu.memory_space<hbm>>, %arg10: memref<163840xi32, #tpu.memory_space<hbm>>, %arg11: memref<327680xf32, #tpu.memory_space<hbm>>, %arg12: memref<163840xf32, #tpu.memory_space<hbm>>, %arg13: memref<10000xf32, #tpu.memory_space<vmem>>, %arg14: memref<10000xf32, #tpu.memory_space<vmem>>, %arg15: memref<10000xf32, #tpu.memory_space<vmem>>, %arg16: memref<10000xf32, #tpu.memory_space<vmem>>, %arg17: memref<128xi32, #tpu.memory_space<vmem>>, %arg18: memref<128xi32, #tpu.memory_space<vmem>>, %arg19: memref<128xf32, #tpu.memory_space<vmem>>, %arg20: memref<128xf32, #tpu.memory_space<vmem>>) attributes {dimension_semantics = [#tpu.dimension_semantics<core_parallel>, #tpu.dimension_semantics<subcore_parallel>], iteration_bounds = array<i64: 2, 16>, scalar_prefetch = 0 : i64, scratch_operands = 8 : i64, tpu.core_type = #tpu.core_type<sc_vector_subcore>, window_params = [{transform_indices = #map}, {transform_indices = #map}, {transform_indices = #map}, {transform_indices = #map}, {transform_indices = #map}, {transform_indices = #map}, {transform_indices = #map}, {transform_indices = #map}, {transform_indices = #map}, {transform_indices = #map}, {transform_indices = #map}]} {
    %mul3A = arith.constant 2 : i32
    %mul3A_0 = arith.muli %arg1, %mul3A : i32
    %add3A = arith.addi %mul3A_0, %arg0 : i32
    "tpu.region"() ({
      %run_scoped3A = tpu.sem_alloc : memref<!tpu.dma_semaphore, #tpu.memory_space<semaphore_mem>>
      tpu.enqueue_dma source(%arg2 : memref<10000xf32, #tpu.memory_space<hbm>>) target(%arg13 : memref<10000xf32, #tpu.memory_space<vmem>>) target_semaphore(%run_scoped3A : memref<!tpu.dma_semaphore, #tpu.memory_space<semaphore_mem>>)
      tpu.wait_dma2 semaphore(%run_scoped3A : memref<!tpu.dma_semaphore, #tpu.memory_space<semaphore_mem>>) src(%arg2 : memref<10000xf32, #tpu.memory_space<hbm>>) dst(%arg13 : memref<10000xf32, #tpu.memory_space<vmem>>)
      tpu.yield
    }) : () -> ()
    "tpu.region"() ({
      %run_scoped3A = tpu.sem_alloc : memref<!tpu.dma_semaphore, #tpu.memory_space<semaphore_mem>>
      tpu.enqueue_dma source(%arg3 : memref<10000xf32, #tpu.memory_space<hbm>>) target(%arg14 : memref<10000xf32, #tpu.memory_space<vmem>>) target_semaphore(%run_scoped3A : memref<!tpu.dma_semaphore, #tpu.memory_space<semaphore_mem>>)
      tpu.wait_dma2 semaphore(%run_scoped3A : memref<!tpu.dma_semaphore, #tpu.memory_space<semaphore_mem>>) src(%arg3 : memref<10000xf32, #tpu.memory_space<hbm>>) dst(%arg14 : memref<10000xf32, #tpu.memory_space<vmem>>)
      tpu.yield
    }) : () -> ()
    "tpu.region"() ({
      %run_scoped3A = tpu.sem_alloc : memref<!tpu.dma_semaphore, #tpu.memory_space<semaphore_mem>>
      tpu.enqueue_dma source(%arg4 : memref<10000xf32, #tpu.memory_space<hbm>>) target(%arg15 : memref<10000xf32, #tpu.memory_space<vmem>>) target_semaphore(%run_scoped3A : memref<!tpu.dma_semaphore, #tpu.memory_space<semaphore_mem>>)
      tpu.wait_dma2 semaphore(%run_scoped3A : memref<!tpu.dma_semaphore, #tpu.memory_space<semaphore_mem>>) src(%arg4 : memref<10000xf32, #tpu.memory_space<hbm>>) dst(%arg15 : memref<10000xf32, #tpu.memory_space<vmem>>)
      tpu.yield
    }) : () -> ()
    "tpu.region"() ({
      %run_scoped3A = tpu.sem_alloc : memref<!tpu.dma_semaphore, #tpu.memory_space<semaphore_mem>>
      tpu.enqueue_dma source(%arg5 : memref<10000xf32, #tpu.memory_space<hbm>>) target(%arg16 : memref<10000xf32, #tpu.memory_space<vmem>>) target_semaphore(%run_scoped3A : memref<!tpu.dma_semaphore, #tpu.memory_space<semaphore_mem>>)
      tpu.wait_dma2 semaphore(%run_scoped3A : memref<!tpu.dma_semaphore, #tpu.memory_space<semaphore_mem>>) src(%arg5 : memref<10000xf32, #tpu.memory_space<hbm>>) dst(%arg16 : memref<10000xf32, #tpu.memory_space<vmem>>)
      tpu.yield
    }) : () -> ()
    %iota3A = tpu.iota {dimensions = array<i32: 0>} : vector<16xi32>
    %scan3A = arith.constant 0 : i32
    %scan3A_1 = arith.constant 0 : i32
    %scan3A_2 = arith.constant 80 : i32
    %scan3A_3 = arith.addi %scan3A_1, %scan3A_2 : i32
    %scan3A_4 = arith.constant 1 : i32
    %scan3A_5 = scf.for %scan3A_14 = %scan3A_1 to %scan3A_3 step %scan3A_4 iter_args(%scan3A_15 = %scan3A) -> (i32)  : i32 {
      %mul3A_16 = arith.constant 10240 : i32
      %mul3A_17 = arith.muli %add3A, %mul3A_16 : i32
      %mul3A_18 = arith.constant 128 : i32
      %mul3A_19 = arith.muli %scan3A_14, %mul3A_18 : i32
      %add3A_20 = arith.addi %mul3A_17, %mul3A_19 : i32
      "tpu.region"() ({
        %run_scoped3A = tpu.sem_alloc : memref<!tpu.dma_semaphore, #tpu.memory_space<semaphore_mem>>
        %dma_start3A = tpu.memref_slice %arg7[%add3A_20] : memref<327680xi32, #tpu.memory_space<hbm>> -> memref<128xi32, #tpu.memory_space<hbm>>
        %dma_start3A_29 = tpu.memref_slice %arg7[%add3A_20] : memref<327680xi32, #tpu.memory_space<hbm>> -> memref<128xi32, #tpu.memory_space<hbm>>
        tpu.enqueue_dma source(%dma_start3A_29 : memref<128xi32, #tpu.memory_space<hbm>>) target(%arg17 : memref<128xi32, #tpu.memory_space<vmem>>) target_semaphore(%run_scoped3A : memref<!tpu.dma_semaphore, #tpu.memory_space<semaphore_mem>>)
        %dma_wait3A = tpu.memref_slice %arg7[%add3A_20] : memref<327680xi32, #tpu.memory_space<hbm>> -> memref<128xi32, #tpu.memory_space<hbm>>
        %dma_wait3A_30 = tpu.memref_slice %arg7[%add3A_20] : memref<327680xi32, #tpu.memory_space<hbm>> -> memref<128xi32, #tpu.memory_space<hbm>>
        tpu.wait_dma2 semaphore(%run_scoped3A : memref<!tpu.dma_semaphore, #tpu.memory_space<semaphore_mem>>) src(%dma_wait3A_30 : memref<128xi32, #tpu.memory_space<hbm>>) dst(%arg17 : memref<128xi32, #tpu.memory_space<vmem>>)
        tpu.yield
      }) : () -> ()
      "tpu.region"() ({
        %run_scoped3A = tpu.sem_alloc : memref<!tpu.dma_semaphore, #tpu.memory_space<semaphore_mem>>
        %dma_start3A = tpu.memref_slice %arg8[%add3A_20] : memref<327680xi32, #tpu.memory_space<hbm>> -> memref<128xi32, #tpu.memory_space<hbm>>
        %dma_start3A_29 = tpu.memref_slice %arg8[%add3A_20] : memref<327680xi32, #tpu.memory_space<hbm>> -> memref<128xi32, #tpu.memory_space<hbm>>
        tpu.enqueue_dma source(%dma_start3A_29 : memref<128xi32, #tpu.memory_space<hbm>>) target(%arg18 : memref<128xi32, #tpu.memory_space<vmem>>) target_semaphore(%run_scoped3A : memref<!tpu.dma_semaphore, #tpu.memory_space<semaphore_mem>>)
        %dma_wait3A = tpu.memref_slice %arg8[%add3A_20] : memref<327680xi32, #tpu.memory_space<hbm>> -> memref<128xi32, #tpu.memory_space<hbm>>
        %dma_wait3A_30 = tpu.memref_slice %arg8[%add3A_20] : memref<327680xi32, #tpu.memory_space<hbm>> -> memref<128xi32, #tpu.memory_space<hbm>>
        tpu.wait_dma2 semaphore(%run_scoped3A : memref<!tpu.dma_semaphore, #tpu.memory_space<semaphore_mem>>) src(%dma_wait3A_30 : memref<128xi32, #tpu.memory_space<hbm>>) dst(%arg18 : memref<128xi32, #tpu.memory_space<vmem>>)
        tpu.yield
      }) : () -> ()
      "tpu.region"() ({
        %run_scoped3A = tpu.sem_alloc : memref<!tpu.dma_semaphore, #tpu.memory_space<semaphore_mem>>
        %dma_start3A = tpu.memref_slice %arg6[%add3A_20] : memref<327680xf32, #tpu.memory_space<hbm>> -> memref<128xf32, #tpu.memory_space<hbm>>
        %dma_start3A_29 = tpu.memref_slice %arg6[%add3A_20] : memref<327680xf32, #tpu.memory_space<hbm>> -> memref<128xf32, #tpu.memory_space<hbm>>
        tpu.enqueue_dma source(%dma_start3A_29 : memref<128xf32, #tpu.memory_space<hbm>>) target(%arg19 : memref<128xf32, #tpu.memory_space<vmem>>) target_semaphore(%run_scoped3A : memref<!tpu.dma_semaphore, #tpu.memory_space<semaphore_mem>>)
        %dma_wait3A = tpu.memref_slice %arg6[%add3A_20] : memref<327680xf32, #tpu.memory_space<hbm>> -> memref<128xf32, #tpu.memory_space<hbm>>
        %dma_wait3A_30 = tpu.memref_slice %arg6[%add3A_20] : memref<327680xf32, #tpu.memory_space<hbm>> -> memref<128xf32, #tpu.memory_space<hbm>>
        tpu.wait_dma2 semaphore(%run_scoped3A : memref<!tpu.dma_semaphore, #tpu.memory_space<semaphore_mem>>) src(%dma_wait3A_30 : memref<128xf32, #tpu.memory_space<hbm>>) dst(%arg19 : memref<128xf32, #tpu.memory_space<vmem>>)
        tpu.yield
      }) : () -> ()
      %scan3A_21 = arith.constant 0 : i32
      %scan3A_22 = arith.constant 0 : i32
      %scan3A_23 = arith.constant 8 : i32
      %scan3A_24 = arith.addi %scan3A_22, %scan3A_23 : i32
      %scan3A_25 = arith.constant 1 : i32
      %scan3A_26 = scf.for %scan3A_29 = %scan3A_22 to %scan3A_24 step %scan3A_25 iter_args(%scan3A_30 = %scan3A_21) -> (i32)  : i32 {
        %mul3A_31 = arith.constant 16 : i32
        %mul3A_32 = arith.muli %scan3A_29, %mul3A_31 : i32
        %get3A = arith.index_cast %mul3A_32 : i32 to index
        %get3A_33 = tpu.vector_load %arg18[%get3A] {strides = array<i32>} : memref<128xi32, #tpu.memory_space<vmem>>, vector<16xi32>,
        %gather3A = tpu.vector_load_idx %arg13[%get3A_33] : memref<10000xf32, #tpu.memory_space<vmem>>[vector<16xi32>], vector<16xf32>,
        %get3A_34 = arith.index_cast %mul3A_32 : i32 to index
        %get3A_35 = tpu.vector_load %arg17[%get3A_34] {strides = array<i32>} : memref<128xi32, #tpu.memory_space<vmem>>, vector<16xi32>,
        %gather3A_36 = tpu.vector_load_idx %arg14[%get3A_35] : memref<10000xf32, #tpu.memory_space<vmem>>[vector<16xi32>], vector<16xf32>,
        %add3A_37 = arith.addf %gather3A, %gather3A_36 : vector<16xf32>
        %get3A_38 = arith.index_cast %mul3A_32 : i32 to index
        %get3A_39 = tpu.vector_load %arg19[%get3A_38] {strides = array<i32>} : memref<128xf32, #tpu.memory_space<vmem>>, vector<16xf32>,
        %add3A_40 = arith.addf %add3A_37, %get3A_39 : vector<16xf32>
        %gt3A = arith.constant 0.000000e+00 : f32
        %gt3A_41 = vector.broadcast %gt3A : f32 to vector<16xf32>
        %gt3A_42 = arith.cmpf ogt, %add3A_40, %gt3A_41 : vector<16xf32>
        %mul3A_43 = arith.constant 2.000000e-01 : f32
        %mul3A_44 = vector.broadcast %mul3A_43 : f32 to vector<16xf32>
        %mul3A_45 = arith.mulf %mul3A_44, %add3A_40 : vector<16xf32>
        %select_n3A = arith.select %gt3A_42, %add3A_40, %mul3A_45 : vector<16xi1>, vector<16xf32>
        %mul3A_46 = arith.constant 128 : i32
        %mul3A_47 = arith.muli %scan3A_14, %mul3A_46 : i32
        %mul3A_48 = arith.constant 16 : i32
        %mul3A_49 = arith.muli %scan3A_29, %mul3A_48 : i32
        %add3A_50 = arith.addi %mul3A_47, %mul3A_49 : i32
        %add3A_51 = vector.broadcast %add3A_50 : i32 to vector<16xi32>
        %add3A_52 = arith.addi %add3A_51, %iota3A : vector<16xi32>
        %lt3A = arith.constant 10000 : i32
        %lt3A_53 = vector.broadcast %lt3A : i32 to vector<16xi32>
        %lt3A_54 = arith.cmpi slt, %add3A_52, %lt3A_53 : vector<16xi32>
        %jit3A = arith.constant -1.000000e+30 : f32
        %broadcast_in_dim3A = vector.broadcast %jit3A : f32 to vector<16xf32>
        %select_n3A_55 = arith.select %lt3A_54, %select_n3A, %broadcast_in_dim3A : vector<16xi1>, vector<16xf32>
        %swap3A = arith.index_cast %mul3A_32 : i32 to index
        %swap3A_56 = tpu.vector_load %arg20[%swap3A] {strides = array<i32>} : memref<128xf32, #tpu.memory_space<vmem>>, vector<16xf32>,
        tpu.vector_store %arg20[%swap3A], %select_n3A_55 {strides = array<i32>} : memref<128xf32, #tpu.memory_space<vmem>>, vector<16xf32>,
        %scan3A_57 = arith.constant 0 : i32
        scf.yield %scan3A_57 : i32
      }
      %scan3A_27 = arith.constant 8 : i32
      "tpu.region"() ({
        %run_scoped3A = tpu.sem_alloc : memref<!tpu.dma_semaphore, #tpu.memory_space<semaphore_mem>>
        %dma_start3A = tpu.memref_slice %arg11[%add3A_20] : memref<327680xf32, #tpu.memory_space<hbm>> -> memref<128xf32, #tpu.memory_space<hbm>>
        %dma_start3A_29 = tpu.memref_slice %arg11[%add3A_20] : memref<327680xf32, #tpu.memory_space<hbm>> -> memref<128xf32, #tpu.memory_space<hbm>>
        tpu.enqueue_dma source(%arg20 : memref<128xf32, #tpu.memory_space<vmem>>) target(%dma_start3A_29 : memref<128xf32, #tpu.memory_space<hbm>>) target_semaphore(%run_scoped3A : memref<!tpu.dma_semaphore, #tpu.memory_space<semaphore_mem>>)
        %dma_wait3A = tpu.memref_slice %arg11[%add3A_20] : memref<327680xf32, #tpu.memory_space<hbm>> -> memref<128xf32, #tpu.memory_space<hbm>>
        %dma_wait3A_30 = tpu.memref_slice %arg11[%add3A_20] : memref<327680xf32, #tpu.memory_space<hbm>> -> memref<128xf32, #tpu.memory_space<hbm>>
        tpu.wait_dma2 semaphore(%run_scoped3A : memref<!tpu.dma_semaphore, #tpu.memory_space<semaphore_mem>>) src(%arg20 : memref<128xf32, #tpu.memory_space<vmem>>) dst(%dma_wait3A_30 : memref<128xf32, #tpu.memory_space<hbm>>)
        tpu.yield
      }) : () -> ()
      %scan3A_28 = arith.constant 0 : i32
      scf.yield %scan3A_28 : i32
    }
    %scan3A_6 = arith.constant 80 : i32
    %scan3A_7 = arith.constant 0 : i32
    %scan3A_8 = arith.constant 0 : i32
    %scan3A_9 = arith.constant 40 : i32
    %scan3A_10 = arith.addi %scan3A_8, %scan3A_9 : i32
    %scan3A_11 = arith.constant 1 : i32
    %scan3A_12 = scf.for %scan3A_14 = %scan3A_8 to %scan3A_10 step %scan3A_11 iter_args(%scan3A_15 = %scan3A_7) -> (i32)  : i32 {
      %mul3A_16 = arith.constant 5120 : i32
      %mul3A_17 = arith.muli %add3A, %mul3A_16 : i32
      %mul3A_18 = arith.constant 128 : i32
      %mul3A_19 = arith.muli %scan3A_14, %mul3A_18 : i32
      %add3A_20 = arith.addi %mul3A_17, %mul3A_19 : i32
      "tpu.region"() ({
        %run_scoped3A = tpu.sem_alloc : memref<!tpu.dma_semaphore, #tpu.memory_space<semaphore_mem>>
        %dma_start3A = tpu.memref_slice %arg9[%add3A_20] : memref<163840xi32, #tpu.memory_space<hbm>> -> memref<128xi32, #tpu.memory_space<hbm>>
        %dma_start3A_29 = tpu.memref_slice %arg9[%add3A_20] : memref<163840xi32, #tpu.memory_space<hbm>> -> memref<128xi32, #tpu.memory_space<hbm>>
        tpu.enqueue_dma source(%dma_start3A_29 : memref<128xi32, #tpu.memory_space<hbm>>) target(%arg17 : memref<128xi32, #tpu.memory_space<vmem>>) target_semaphore(%run_scoped3A : memref<!tpu.dma_semaphore, #tpu.memory_space<semaphore_mem>>)
        %dma_wait3A = tpu.memref_slice %arg9[%add3A_20] : memref<163840xi32, #tpu.memory_space<hbm>> -> memref<128xi32, #tpu.memory_space<hbm>>
        %dma_wait3A_30 = tpu.memref_slice %arg9[%add3A_20] : memref<163840xi32, #tpu.memory_space<hbm>> -> memref<128xi32, #tpu.memory_space<hbm>>
        tpu.wait_dma2 semaphore(%run_scoped3A : memref<!tpu.dma_semaphore, #tpu.memory_space<semaphore_mem>>) src(%dma_wait3A_30 : memref<128xi32, #tpu.memory_space<hbm>>) dst(%arg17 : memref<128xi32, #tpu.memory_space<vmem>>)
        tpu.yield
      }) : () -> ()
      "tpu.region"() ({
        %run_scoped3A = tpu.sem_alloc : memref<!tpu.dma_semaphore, #tpu.memory_space<semaphore_mem>>
        %dma_start3A = tpu.memref_slice %arg10[%add3A_20] : memref<163840xi32, #tpu.memory_space<hbm>> -> memref<128xi32, #tpu.memory_space<hbm>>
        %dma_start3A_29 = tpu.memref_slice %arg10[%add3A_20] : memref<163840xi32, #tpu.memory_space<hbm>> -> memref<128xi32, #tpu.memory_space<hbm>>
        tpu.enqueue_dma source(%dma_start3A_29 : memref<128xi32, #tpu.memory_space<hbm>>) target(%arg18 : memref<128xi32, #tpu.memory_space<vmem>>) target_semaphore(%run_scoped3A : memref<!tpu.dma_semaphore, #tpu.memory_space<semaphore_mem>>)
        %dma_wait3A = tpu.memref_slice %arg10[%add3A_20] : memref<163840xi32, #tpu.memory_space<hbm>> -> memref<128xi32, #tpu.memory_space<hbm>>
        %dma_wait3A_30 = tpu.memref_slice %arg10[%add3A_20] : memref<163840xi32, #tpu.memory_space<hbm>> -> memref<128xi32, #tpu.memory_space<hbm>>
        tpu.wait_dma2 semaphore(%run_scoped3A : memref<!tpu.dma_semaphore, #tpu.memory_space<semaphore_mem>>) src(%dma_wait3A_30 : memref<128xi32, #tpu.memory_space<hbm>>) dst(%arg18 : memref<128xi32, #tpu.memory_space<vmem>>)
        tpu.yield
      }) : () -> ()
      %scan3A_21 = arith.constant 0 : i32
      %scan3A_22 = arith.constant 0 : i32
      %scan3A_23 = arith.constant 8 : i32
      %scan3A_24 = arith.addi %scan3A_22, %scan3A_23 : i32
      %scan3A_25 = arith.constant 1 : i32
      %scan3A_26 = scf.for %scan3A_29 = %scan3A_22 to %scan3A_24 step %scan3A_25 iter_args(%scan3A_30 = %scan3A_21) -> (i32)  : i32 {
        %mul3A_31 = arith.constant 16 : i32
        %mul3A_32 = arith.muli %scan3A_29, %mul3A_31 : i32
        %get3A = arith.index_cast %mul3A_32 : i32 to index
        %get3A_33 = tpu.vector_load %arg18[%get3A] {strides = array<i32>} : memref<128xi32, #tpu.memory_space<vmem>>, vector<16xi32>,
        %gather3A = tpu.vector_load_idx %arg15[%get3A_33] : memref<10000xf32, #tpu.memory_space<vmem>>[vector<16xi32>], vector<16xf32>,
        %get3A_34 = arith.index_cast %mul3A_32 : i32 to index
        %get3A_35 = tpu.vector_load %arg17[%get3A_34] {strides = array<i32>} : memref<128xi32, #tpu.memory_space<vmem>>, vector<16xi32>,
        %gather3A_36 = tpu.vector_load_idx %arg16[%get3A_35] : memref<10000xf32, #tpu.memory_space<vmem>>[vector<16xi32>], vector<16xf32>,
        %add3A_37 = arith.addf %gather3A, %gather3A_36 : vector<16xf32>
        %gt3A = arith.constant 0.000000e+00 : f32
        %gt3A_38 = vector.broadcast %gt3A : f32 to vector<16xf32>
        %gt3A_39 = arith.cmpf ogt, %add3A_37, %gt3A_38 : vector<16xf32>
        %mul3A_40 = arith.constant 2.000000e-01 : f32
        %mul3A_41 = vector.broadcast %mul3A_40 : f32 to vector<16xf32>
        %mul3A_42 = arith.mulf %mul3A_41, %add3A_37 : vector<16xf32>
        %select_n3A = arith.select %gt3A_39, %add3A_37, %mul3A_42 : vector<16xi1>, vector<16xf32>
        %mul3A_43 = arith.constant 128 : i32
        %mul3A_44 = arith.muli %scan3A_14, %mul3A_43 : i32
        %mul3A_45 = arith.constant 16 : i32
        %mul3A_46 = arith.muli %scan3A_29, %mul3A_45 : i32
        %add3A_47 = arith.addi %mul3A_44, %mul3A_46 : i32
        %add3A_48 = vector.broadcast %add3A_47 : i32 to vector<16xi32>
        %add3A_49 = arith.addi %add3A_48, %iota3A : vector<16xi32>
        %lt3A = arith.constant 5000 : i32
        %lt3A_50 = vector.broadcast %lt3A : i32 to vector<16xi32>
        %lt3A_51 = arith.cmpi slt, %add3A_49, %lt3A_50 : vector<16xi32>
        %jit3A = arith.constant -1.000000e+30 : f32
        %broadcast_in_dim3A = vector.broadcast %jit3A : f32 to vector<16xf32>
        %select_n3A_52 = arith.select %lt3A_51, %select_n3A, %broadcast_in_dim3A : vector<16xi1>, vector<16xf32>
        %swap3A = arith.index_cast %mul3A_32 : i32 to index
        %swap3A_53 = tpu.vector_load %arg20[%swap3A] {strides = array<i32>} : memref<128xf32, #tpu.memory_space<vmem>>, vector<16xf32>,
        tpu.vector_store %arg20[%swap3A], %select_n3A_52 {strides = array<i32>} : memref<128xf32, #tpu.memory_space<vmem>>, vector<16xf32>,
        %scan3A_54 = arith.constant 0 : i32
        scf.yield %scan3A_54 : i32
      }
      %scan3A_27 = arith.constant 8 : i32
      "tpu.region"() ({
        %run_scoped3A = tpu.sem_alloc : memref<!tpu.dma_semaphore, #tpu.memory_space<semaphore_mem>>
        %dma_start3A = tpu.memref_slice %arg12[%add3A_20] : memref<163840xf32, #tpu.memory_space<hbm>> -> memref<128xf32, #tpu.memory_space<hbm>>
        %dma_start3A_29 = tpu.memref_slice %arg12[%add3A_20] : memref<163840xf32, #tpu.memory_space<hbm>> -> memref<128xf32, #tpu.memory_space<hbm>>
        tpu.enqueue_dma source(%arg20 : memref<128xf32, #tpu.memory_space<vmem>>) target(%dma_start3A_29 : memref<128xf32, #tpu.memory_space<hbm>>) target_semaphore(%run_scoped3A : memref<!tpu.dma_semaphore, #tpu.memory_space<semaphore_mem>>)
        %dma_wait3A = tpu.memref_slice %arg12[%add3A_20] : memref<163840xf32, #tpu.memory_space<hbm>> -> memref<128xf32, #tpu.memory_space<hbm>>
        %dma_wait3A_30 = tpu.memref_slice %arg12[%add3A_20] : memref<163840xf32, #tpu.memory_space<hbm>> -> memref<128xf32, #tpu.memory_space<hbm>>
        tpu.wait_dma2 semaphore(%run_scoped3A : memref<!tpu.dma_semaphore, #tpu.memory_space<semaphore_mem>>) src(%arg20 : memref<128xf32, #tpu.memory_space<vmem>>) dst(%dma_wait3A_30 : memref<128xf32, #tpu.memory_space<hbm>>)
        tpu.yield
      }) : () -> ()
      %scan3A_28 = arith.constant 0 : i32
      scf.yield %scan3A_28 : i32
    }
    %scan3A_13 = arith.constant 40 : i32
    return
  }
}

#map = affine_map<(d0, d1) -> (0, 0)>
#map1 = affine_map<(d0, d1) -> (0, 0, 0)>
module attributes {stable_mosaic.version = 14 : i64} {
  func.func @_scatter_kernel(%arg0: i32, %arg1: i32, %arg2: memref<10000x128xf32, #tpu.memory_space<hbm>>, %arg3: memref<10000x128xf32, #tpu.memory_space<hbm>>, %arg4: memref<327680x128xf32, #tpu.memory_space<hbm>>, %arg5: memref<2560x128xi32, #tpu.memory_space<hbm>>, %arg6: memref<2560x128xi32, #tpu.memory_space<hbm>>, %arg7: memref<2560x128xf32, #tpu.memory_space<hbm>>, %arg8: memref<1280x128xi32, #tpu.memory_space<hbm>>, %arg9: memref<1280x128xi32, #tpu.memory_space<hbm>>, %arg10: memref<1280x128xf32, #tpu.memory_space<hbm>>, %arg11: memref<2x10240x128xf32, #tpu.memory_space<hbm>>, %arg12: memref<10240x128xf32, #tpu.memory_space<vmem_shared>>, %arg13: memref<128x128xf32, #tpu.memory_space<vmem>>, %arg14: memref<128x128xf32, #tpu.memory_space<vmem>>, %arg15: memref<80x128xi32, #tpu.memory_space<vmem>>, %arg16: memref<40x128xi32, #tpu.memory_space<vmem>>, %arg17: memref<128xi32, #tpu.memory_space<vmem>>, %arg18: memref<128xi32, #tpu.memory_space<vmem>>, %arg19: memref<128xf32, #tpu.memory_space<vmem>>, %arg20: memref<128xf32, #tpu.memory_space<vmem>>, %arg21: memref<!tpu.dma_semaphore, #tpu.memory_space<semaphore_mem>>, %arg22: memref<!tpu.dma_semaphore, #tpu.memory_space<semaphore_mem>>, %arg23: memref<!tpu.dma_semaphore, #tpu.memory_space<semaphore_mem>>, %arg24: memref<!tpu.dma_semaphore, #tpu.memory_space<semaphore_mem>>) attributes {dimension_semantics = [#tpu.dimension_semantics<core_parallel>, #tpu.dimension_semantics<subcore_parallel>], iteration_bounds = array<i64: 2, 16>, scalar_prefetch = 0 : i64, scratch_operands = 13 : i64, tpu.core_type = #tpu.core_type<sc_vector_subcore>, window_params = [{transform_indices = #map}, {transform_indices = #map}, {transform_indices = #map}, {transform_indices = #map}, {transform_indices = #map}, {transform_indices = #map}, {transform_indices = #map}, {transform_indices = #map}, {transform_indices = #map}, {transform_indices = #map1}]} {
    %mul3A = arith.constant 2 : i32
    %mul3A_0 = arith.muli %arg1, %mul3A : i32
    %add3A = arith.addi %mul3A_0, %arg0 : i32
    %mul3A_1 = arith.constant 80 : i32
    %mul3A_2 = arith.muli %add3A, %mul3A_1 : i32
    "tpu.region"() ({
      %run_scoped3A = tpu.sem_alloc : memref<!tpu.dma_semaphore, #tpu.memory_space<semaphore_mem>>
      %dma_start3A_66 = arith.constant 0 : i32
      %dma_start3A_67 = tpu.memref_slice %arg6[%mul3A_2, %dma_start3A_66] : memref<2560x128xi32, #tpu.memory_space<hbm>> -> memref<80x128xi32, #tpu.memory_space<hbm>>
      %dma_start3A_68 = arith.constant 0 : i32
      %dma_start3A_69 = tpu.memref_slice %arg6[%mul3A_2, %dma_start3A_68] : memref<2560x128xi32, #tpu.memory_space<hbm>> -> memref<80x128xi32, #tpu.memory_space<hbm>>
      tpu.enqueue_dma source(%dma_start3A_69 : memref<80x128xi32, #tpu.memory_space<hbm>>) target(%arg15 : memref<80x128xi32, #tpu.memory_space<vmem>>) target_semaphore(%run_scoped3A : memref<!tpu.dma_semaphore, #tpu.memory_space<semaphore_mem>>)
      %dma_wait3A = arith.constant 0 : i32
      %dma_wait3A_70 = tpu.memref_slice %arg6[%mul3A_2, %dma_wait3A] : memref<2560x128xi32, #tpu.memory_space<hbm>> -> memref<80x128xi32, #tpu.memory_space<hbm>>
      %dma_wait3A_71 = arith.constant 0 : i32
      %dma_wait3A_72 = tpu.memref_slice %arg6[%mul3A_2, %dma_wait3A_71] : memref<2560x128xi32, #tpu.memory_space<hbm>> -> memref<80x128xi32, #tpu.memory_space<hbm>>
      tpu.wait_dma2 semaphore(%run_scoped3A : memref<!tpu.dma_semaphore, #tpu.memory_space<semaphore_mem>>) src(%dma_wait3A_72 : memref<80x128xi32, #tpu.memory_space<hbm>>) dst(%arg15 : memref<80x128xi32, #tpu.memory_space<vmem>>)
      tpu.yield
    }) : () -> ()
    %mul3A_3 = arith.constant 40 : i32
    %mul3A_4 = arith.muli %add3A, %mul3A_3 : i32
    "tpu.region"() ({
      %run_scoped3A = tpu.sem_alloc : memref<!tpu.dma_semaphore, #tpu.memory_space<semaphore_mem>>
      %dma_start3A_66 = arith.constant 0 : i32
      %dma_start3A_67 = tpu.memref_slice %arg9[%mul3A_4, %dma_start3A_66] : memref<1280x128xi32, #tpu.memory_space<hbm>> -> memref<40x128xi32, #tpu.memory_space<hbm>>
      %dma_start3A_68 = arith.constant 0 : i32
      %dma_start3A_69 = tpu.memref_slice %arg9[%mul3A_4, %dma_start3A_68] : memref<1280x128xi32, #tpu.memory_space<hbm>> -> memref<40x128xi32, #tpu.memory_space<hbm>>
      tpu.enqueue_dma source(%dma_start3A_69 : memref<40x128xi32, #tpu.memory_space<hbm>>) target(%arg16 : memref<40x128xi32, #tpu.memory_space<vmem>>) target_semaphore(%run_scoped3A : memref<!tpu.dma_semaphore, #tpu.memory_space<semaphore_mem>>)
      %dma_wait3A = arith.constant 0 : i32
      %dma_wait3A_70 = tpu.memref_slice %arg9[%mul3A_4, %dma_wait3A] : memref<1280x128xi32, #tpu.memory_space<hbm>> -> memref<40x128xi32, #tpu.memory_space<hbm>>
      %dma_wait3A_71 = arith.constant 0 : i32
      %dma_wait3A_72 = tpu.memref_slice %arg9[%mul3A_4, %dma_wait3A_71] : memref<1280x128xi32, #tpu.memory_space<hbm>> -> memref<40x128xi32, #tpu.memory_space<hbm>>
      tpu.wait_dma2 semaphore(%run_scoped3A : memref<!tpu.dma_semaphore, #tpu.memory_space<semaphore_mem>>) src(%dma_wait3A_72 : memref<40x128xi32, #tpu.memory_space<hbm>>) dst(%arg16 : memref<40x128xi32, #tpu.memory_space<vmem>>)
      tpu.yield
    }) : () -> ()
    %scan3A = arith.constant 0 : i32
    %scan3A_5 = arith.constant 0 : i32
    %scan3A_6 = arith.constant 1024 : i32
    %scan3A_7 = arith.addi %scan3A_5, %scan3A_6 : i32
    %scan3A_8 = arith.constant 1 : i32
    %scan3A_9 = scf.for %scan3A_66 = %scan3A_5 to %scan3A_7 step %scan3A_8 iter_args(%scan3A_67 = %scan3A) -> (i32)  : i32 {
      %broadcast_in_dim3A = arith.constant 0.000000e+00 : f32
      %broadcast_in_dim3A_68 = vector.broadcast %broadcast_in_dim3A : f32 to vector<16xf32>
      %jit3A = arith.constant 8 : i32
      %div3A = arith.divsi %scan3A_66, %jit3A : i32
      %sign3A = arith.constant 0 : i32
      %sign3A_69 = arith.cmpi sgt, %scan3A_66, %sign3A : i32
      %sign3A_70 = arith.extui %sign3A_69 : i1 to i32
      %sign3A_71 = arith.constant 0 : i32
      %sign3A_72 = arith.cmpi slt, %scan3A_66, %sign3A_71 : i32
      %sign3A_73 = arith.extui %sign3A_72 : i1 to i32
      %sign3A_74 = arith.subi %sign3A_70, %sign3A_73 : i32
      %sign3A_75 = arith.constant 0 : i32
      %sign3A_76 = arith.cmpi sgt, %jit3A, %sign3A_75 : i32
      %sign3A_77 = arith.extui %sign3A_76 : i1 to i32
      %sign3A_78 = arith.constant 0 : i32
      %sign3A_79 = arith.cmpi slt, %jit3A, %sign3A_78 : i32
      %sign3A_80 = arith.extui %sign3A_79 : i1 to i32
      %sign3A_81 = arith.subi %sign3A_77, %sign3A_80 : i32
      %ne3A = arith.cmpi ne, %sign3A_74, %sign3A_81 : i32
      %rem3A = arith.remsi %scan3A_66, %jit3A : i32
      %ne3A_82 = arith.constant 0 : i32
      %ne3A_83 = arith.cmpi ne, %rem3A, %ne3A_82 : i32
      %and3A = arith.andi %ne3A, %ne3A_83 : i1
      %sub3A = arith.constant 1 : i32
      %sub3A_84 = arith.subi %div3A, %sub3A : i32
      %select_n3A = arith.select %and3A, %sub3A_84, %div3A : i32
      %jit3A_85 = arith.constant 8 : i32
      %eq3A = arith.constant 0 : i32
      %eq3A_86 = arith.cmpi eq, %jit3A_85, %eq3A : i32
      %jit3A_87 = arith.constant 1 : i32
      %select_n3A_88 = arith.select %eq3A_86, %jit3A_87, %jit3A_85 : i32
      %rem3A_89 = arith.remsi %scan3A_66, %select_n3A_88 : i32
      %ne3A_90 = arith.constant 0 : i32
      %ne3A_91 = arith.cmpi ne, %rem3A_89, %ne3A_90 : i32
      %lt3A = arith.constant 0 : i32
      %lt3A_92 = arith.cmpi slt, %rem3A_89, %lt3A : i32
      %lt3A_93 = arith.constant 0 : i32
      %lt3A_94 = arith.cmpi slt, %select_n3A_88, %lt3A_93 : i32
      %ne3A_95 = arith.xori %lt3A_92, %lt3A_94 : i1
      %and3A_96 = arith.andi %ne3A_95, %ne3A_91 : i1
      %add3A_97 = arith.addi %rem3A_89, %select_n3A_88 : i32
      %select_n3A_98 = arith.select %and3A_96, %add3A_97, %rem3A_89 : i32
      %mul3A_99 = arith.constant 16 : i32
      %mul3A_100 = arith.muli %select_n3A_98, %mul3A_99 : i32
      %swap3A = arith.index_cast %select_n3A : i32 to index
      %swap3A_101 = arith.index_cast %mul3A_100 : i32 to index
      %swap3A_102 = tpu.vector_load %arg13[%swap3A, %swap3A_101] {strides = array<i32>} : memref<128x128xf32, #tpu.memory_space<vmem>>, vector<16xf32>,
      tpu.vector_store %arg13[%swap3A, %swap3A_101], %broadcast_in_dim3A_68 {strides = array<i32>} : memref<128x128xf32, #tpu.memory_space<vmem>>, vector<16xf32>,
      %scan3A_103 = arith.constant 0 : i32
      scf.yield %scan3A_103 : i32
    }
    %scan3A_10 = arith.constant 1024 : i32
    %scan3A_11 = arith.constant 0 : i32
    %scan3A_12 = arith.constant 0 : i32
    %scan3A_13 = arith.constant 5 : i32
    %scan3A_14 = arith.addi %scan3A_12, %scan3A_13 : i32
    %scan3A_15 = arith.constant 1 : i32
    %scan3A_16 = scf.for %scan3A_66 = %scan3A_12 to %scan3A_14 step %scan3A_15 iter_args(%scan3A_67 = %scan3A_11) -> (i32)  : i32 {
      %mul3A_68 = arith.constant 640 : i32
      %mul3A_69 = arith.muli %arg1, %mul3A_68 : i32
      %mul3A_70 = arith.constant 128 : i32
      %mul3A_71 = arith.muli %scan3A_66, %mul3A_70 : i32
      %add3A_72 = arith.addi %mul3A_69, %mul3A_71 : i32
      "tpu.region"() ({
        %run_scoped3A = tpu.sem_alloc : memref<!tpu.dma_semaphore, #tpu.memory_space<semaphore_mem>>
        %dma_start3A_74 = arith.constant 0 : i32
        %dma_start3A_75 = tpu.memref_slice %arg12[%add3A_72, %dma_start3A_74] : memref<10240x128xf32, #tpu.memory_space<vmem_shared>> -> memref<128x128xf32, #tpu.memory_space<vmem_shared>>
        %dma_start3A_76 = arith.constant 0 : i32
        %dma_start3A_77 = tpu.memref_slice %arg12[%add3A_72, %dma_start3A_76] : memref<10240x128xf32, #tpu.memory_space<vmem_shared>> -> memref<128x128xf32, #tpu.memory_space<vmem_shared>>
        tpu.enqueue_dma source(%arg13 : memref<128x128xf32, #tpu.memory_space<vmem>>) target(%dma_start3A_77 : memref<128x128xf32, #tpu.memory_space<vmem_shared>>) target_semaphore(%run_scoped3A : memref<!tpu.dma_semaphore, #tpu.memory_space<semaphore_mem>>)
        %dma_wait3A = arith.constant 0 : i32
        %dma_wait3A_78 = tpu.memref_slice %arg12[%add3A_72, %dma_wait3A] : memref<10240x128xf32, #tpu.memory_space<vmem_shared>> -> memref<128x128xf32, #tpu.memory_space<vmem_shared>>
        %dma_wait3A_79 = arith.constant 0 : i32
        %dma_wait3A_80 = tpu.memref_slice %arg12[%add3A_72, %dma_wait3A_79] : memref<10240x128xf32, #tpu.memory_space<vmem_shared>> -> memref<128x128xf32, #tpu.memory_space<vmem_shared>>
        tpu.wait_dma2 semaphore(%run_scoped3A : memref<!tpu.dma_semaphore, #tpu.memory_space<semaphore_mem>>) src(%arg13 : memref<128x128xf32, #tpu.memory_space<vmem>>) dst(%dma_wait3A_80 : memref<128x128xf32, #tpu.memory_space<vmem_shared>>)
        tpu.yield
      }) : () -> ()
      %scan3A_73 = arith.constant 0 : i32
      scf.yield %scan3A_73 : i32
    }
    %scan3A_17 = arith.constant 5 : i32
    %barrier3A = arith.constant 0 : index
    tpu.barrier barrier_id(%barrier3A)
    %mul3A_18 = arith.constant 80 : i32
    %mul3A_19 = arith.muli %add3A, %mul3A_18 : i32
    %add3A_20 = arith.constant 0 : i32
    %add3A_21 = arith.addi %mul3A_19, %add3A_20 : i32
    "tpu.region"() ({
      %run_scoped3A = tpu.sem_alloc : memref<!tpu.dma_semaphore, #tpu.memory_space<semaphore_mem>>
      %dma_start3A_66 = arith.constant 0 : i32
      %dma_start3A_67 = tpu.memref_slice %arg5[%add3A_21, %dma_start3A_66] : memref<2560x128xi32, #tpu.memory_space<hbm>> -> memref<1x128xi32, #tpu.memory_space<hbm>>
      %dma_start3A_68 = tpu.memref_squeeze %dma_start3A_67 : memref<1x128xi32, #tpu.memory_space<hbm>> -> memref<128xi32, #tpu.memory_space<hbm>>
      %dma_start3A_69 = arith.constant 0 : i32
      %dma_start3A_70 = tpu.memref_slice %arg5[%add3A_21, %dma_start3A_69] : memref<2560x128xi32, #tpu.memory_space<hbm>> -> memref<1x128xi32, #tpu.memory_space<hbm>>
      %dma_start3A_71 = tpu.memref_squeeze %dma_start3A_70 : memref<1x128xi32, #tpu.memory_space<hbm>> -> memref<128xi32, #tpu.memory_space<hbm>>
      tpu.enqueue_dma source(%dma_start3A_71 : memref<128xi32, #tpu.memory_space<hbm>>) target(%arg17 : memref<128xi32, #tpu.memory_space<vmem>>) target_semaphore(%run_scoped3A : memref<!tpu.dma_semaphore, #tpu.memory_space<semaphore_mem>>)
      %dma_wait3A = arith.constant 0 : i32
      %dma_wait3A_72 = tpu.memref_slice %arg5[%add3A_21, %dma_wait3A] : memref<2560x128xi32, #tpu.memory_space<hbm>> -> memref<1x128xi32, #tpu.memory_space<hbm>>
      %dma_wait3A_73 = tpu.memref_squeeze %dma_wait3A_72 : memref<1x128xi32, #tpu.memory_space<hbm>> -> memref<128xi32, #tpu.memory_space<hbm>>
      %dma_wait3A_74 = arith.constant 0 : i32
      %dma_wait3A_75 = tpu.memref_slice %arg5[%add3A_21, %dma_wait3A_74] : memref<2560x128xi32, #tpu.memory_space<hbm>> -> memref<1x128xi32, #tpu.memory_space<hbm>>
      %dma_wait3A_76 = tpu.memref_squeeze %dma_wait3A_75 : memref<1x128xi32, #tpu.memory_space<hbm>> -> memref<128xi32, #tpu.memory_space<hbm>>
      tpu.wait_dma2 semaphore(%run_scoped3A : memref<!tpu.dma_semaphore, #tpu.memory_space<semaphore_mem>>) src(%dma_wait3A_76 : memref<128xi32, #tpu.memory_space<hbm>>) dst(%arg17 : memref<128xi32, #tpu.memory_space<vmem>>)
      tpu.yield
    }) : () -> ()
    "tpu.region"() ({
      %run_scoped3A = tpu.sem_alloc : memref<!tpu.dma_semaphore, #tpu.memory_space<semaphore_mem>>
      %dma_start3A_66 = arith.constant 0 : i32
      %dma_start3A_67 = tpu.memref_slice %arg7[%add3A_21, %dma_start3A_66] : memref<2560x128xf32, #tpu.memory_space<hbm>> -> memref<1x128xf32, #tpu.memory_space<hbm>>
      %dma_start3A_68 = tpu.memref_squeeze %dma_start3A_67 : memref<1x128xf32, #tpu.memory_space<hbm>> -> memref<128xf32, #tpu.memory_space<hbm>>
      %dma_start3A_69 = arith.constant 0 : i32
      %dma_start3A_70 = tpu.memref_slice %arg7[%add3A_21, %dma_start3A_69] : memref<2560x128xf32, #tpu.memory_space<hbm>> -> memref<1x128xf32, #tpu.memory_space<hbm>>
      %dma_start3A_71 = tpu.memref_squeeze %dma_start3A_70 : memref<1x128xf32, #tpu.memory_space<hbm>> -> memref<128xf32, #tpu.memory_space<hbm>>
      tpu.enqueue_dma source(%dma_start3A_71 : memref<128xf32, #tpu.memory_space<hbm>>) target(%arg19 : memref<128xf32, #tpu.memory_space<vmem>>) target_semaphore(%run_scoped3A : memref<!tpu.dma_semaphore, #tpu.memory_space<semaphore_mem>>)
      %dma_wait3A = arith.constant 0 : i32
      %dma_wait3A_72 = tpu.memref_slice %arg7[%add3A_21, %dma_wait3A] : memref<2560x128xf32, #tpu.memory_space<hbm>> -> memref<1x128xf32, #tpu.memory_space<hbm>>
      %dma_wait3A_73 = tpu.memref_squeeze %dma_wait3A_72 : memref<1x128xf32, #tpu.memory_space<hbm>> -> memref<128xf32, #tpu.memory_space<hbm>>
      %dma_wait3A_74 = arith.constant 0 : i32
      %dma_wait3A_75 = tpu.memref_slice %arg7[%add3A_21, %dma_wait3A_74] : memref<2560x128xf32, #tpu.memory_space<hbm>> -> memref<1x128xf32, #tpu.memory_space<hbm>>
      %dma_wait3A_76 = tpu.memref_squeeze %dma_wait3A_75 : memref<1x128xf32, #tpu.memory_space<hbm>> -> memref<128xf32, #tpu.memory_space<hbm>>
      tpu.wait_dma2 semaphore(%run_scoped3A : memref<!tpu.dma_semaphore, #tpu.memory_space<semaphore_mem>>) src(%dma_wait3A_76 : memref<128xf32, #tpu.memory_space<hbm>>) dst(%arg19 : memref<128xf32, #tpu.memory_space<vmem>>)
      tpu.yield
    }) : () -> ()
    %mul3A_22 = arith.constant 128 : i32
    %mul3A_23 = arith.muli %add3A_21, %mul3A_22 : i32
    "tpu.region"() ({
      %run_scoped3A = tpu.sem_alloc : memref<!tpu.dma_semaphore, #tpu.memory_space<semaphore_mem>>
      %dma_start3A_66 = arith.constant 0 : i32
      %dma_start3A_67 = tpu.memref_slice %arg4[%mul3A_23, %dma_start3A_66] : memref<327680x128xf32, #tpu.memory_space<hbm>> -> memref<128x128xf32, #tpu.memory_space<hbm>>
      %dma_start3A_68 = arith.constant 0 : i32
      %dma_start3A_69 = tpu.memref_slice %arg4[%mul3A_23, %dma_start3A_68] : memref<327680x128xf32, #tpu.memory_space<hbm>> -> memref<128x128xf32, #tpu.memory_space<hbm>>
      tpu.enqueue_dma source(%dma_start3A_69 : memref<128x128xf32, #tpu.memory_space<hbm>>) target(%arg13 : memref<128x128xf32, #tpu.memory_space<vmem>>) target_semaphore(%run_scoped3A : memref<!tpu.dma_semaphore, #tpu.memory_space<semaphore_mem>>)
      %dma_wait3A = arith.constant 0 : i32
      %dma_wait3A_70 = tpu.memref_slice %arg4[%mul3A_23, %dma_wait3A] : memref<327680x128xf32, #tpu.memory_space<hbm>> -> memref<128x128xf32, #tpu.memory_space<hbm>>
      %dma_wait3A_71 = arith.constant 0 : i32
      %dma_wait3A_72 = tpu.memref_slice %arg4[%mul3A_23, %dma_wait3A_71] : memref<327680x128xf32, #tpu.memory_space<hbm>> -> memref<128x128xf32, #tpu.memory_space<hbm>>
      tpu.wait_dma2 semaphore(%run_scoped3A : memref<!tpu.dma_semaphore, #tpu.memory_space<semaphore_mem>>) src(%dma_wait3A_72 : memref<128x128xf32, #tpu.memory_space<hbm>>) dst(%arg13 : memref<128x128xf32, #tpu.memory_space<vmem>>)
      tpu.yield
    }) : () -> ()
    %dma_start3A = arith.constant 0 : i32
    %dma_start3A_24 = arith.constant 0 : i32
    %dma_start3A_25 = tpu.memref_slice %arg2[%dma_start3A, %dma_start3A_24] : memref<10000x128xf32, #tpu.memory_space<hbm>> -> memref<10000x128xf32, #tpu.memory_space<hbm>>
    tpu.enqueue_indirect_dma source(%dma_start3A_25 : memref<10000x128xf32, #tpu.memory_space<hbm>>) target(%arg13 : memref<128x128xf32, #tpu.memory_space<vmem>>) offsets(%arg17 : memref<128xi32, #tpu.memory_space<vmem>>) semaphore(%arg21 : memref<!tpu.dma_semaphore, #tpu.memory_space<semaphore_mem>>) {add = true}
    %mul3A_26 = arith.constant 80 : i32
    %mul3A_27 = arith.muli %add3A, %mul3A_26 : i32
    %add3A_28 = arith.constant 1 : i32
    %add3A_29 = arith.addi %mul3A_27, %add3A_28 : i32
    "tpu.region"() ({
      %run_scoped3A = tpu.sem_alloc : memref<!tpu.dma_semaphore, #tpu.memory_space<semaphore_mem>>
      %dma_start3A_66 = arith.constant 0 : i32
      %dma_start3A_67 = tpu.memref_slice %arg5[%add3A_29, %dma_start3A_66] : memref<2560x128xi32, #tpu.memory_space<hbm>> -> memref<1x128xi32, #tpu.memory_space<hbm>>
      %dma_start3A_68 = tpu.memref_squeeze %dma_start3A_67 : memref<1x128xi32, #tpu.memory_space<hbm>> -> memref<128xi32, #tpu.memory_space<hbm>>
      %dma_start3A_69 = arith.constant 0 : i32
      %dma_start3A_70 = tpu.memref_slice %arg5[%add3A_29, %dma_start3A_69] : memref<2560x128xi32, #tpu.memory_space<hbm>> -> memref<1x128xi32, #tpu.memory_space<hbm>>
      %dma_start3A_71 = tpu.memref_squeeze %dma_start3A_70 : memref<1x128xi32, #tpu.memory_space<hbm>> -> memref<128xi32, #tpu.memory_space<hbm>>
      tpu.enqueue_dma source(%dma_start3A_71 : memref<128xi32, #tpu.memory_space<hbm>>) target(%arg18 : memref<128xi32, #tpu.memory_space<vmem>>) target_semaphore(%run_scoped3A : memref<!tpu.dma_semaphore, #tpu.memory_space<semaphore_mem>>)
      %dma_wait3A = arith.constant 0 : i32
      %dma_wait3A_72 = tpu.memref_slice %arg5[%add3A_29, %dma_wait3A] : memref<2560x128xi32, #tpu.memory_space<hbm>> -> memref<1x128xi32, #tpu.memory_space<hbm>>
      %dma_wait3A_73 = tpu.memref_squeeze %dma_wait3A_72 : memref<1x128xi32, #tpu.memory_space<hbm>> -> memref<128xi32, #tpu.memory_space<hbm>>
      %dma_wait3A_74 = arith.constant 0 : i32
      %dma_wait3A_75 = tpu.memref_slice %arg5[%add3A_29, %dma_wait3A_74] : memref<2560x128xi32, #tpu.memory_space<hbm>> -> memref<1x128xi32, #tpu.memory_space<hbm>>
      %dma_wait3A_76 = tpu.memref_squeeze %dma_wait3A_75 : memref<1x128xi32, #tpu.memory_space<hbm>> -> memref<128xi32, #tpu.memory_space<hbm>>
      tpu.wait_dma2 semaphore(%run_scoped3A : memref<!tpu.dma_semaphore, #tpu.memory_space<semaphore_mem>>) src(%dma_wait3A_76 : memref<128xi32, #tpu.memory_space<hbm>>) dst(%arg18 : memref<128xi32, #tpu.memory_space<vmem>>)
      tpu.yield
    }) : () -> ()
    "tpu.region"() ({
      %run_scoped3A = tpu.sem_alloc : memref<!tpu.dma_semaphore, #tpu.memory_space<semaphore_mem>>
      %dma_start3A_66 = arith.constant 0 : i32
      %dma_start3A_67 = tpu.memref_slice %arg7[%add3A_29, %dma_start3A_66] : memref<2560x128xf32, #tpu.memory_space<hbm>> -> memref<1x128xf32, #tpu.memory_space<hbm>>
      %dma_start3A_68 = tpu.memref_squeeze %dma_start3A_67 : memref<1x128xf32, #tpu.memory_space<hbm>> -> memref<128xf32, #tpu.memory_space<hbm>>
      %dma_start3A_69 = arith.constant 0 : i32
      %dma_start3A_70 = tpu.memref_slice %arg7[%add3A_29, %dma_start3A_69] : memref<2560x128xf32, #tpu.memory_space<hbm>> -> memref<1x128xf32, #tpu.memory_space<hbm>>
      %dma_start3A_71 = tpu.memref_squeeze %dma_start3A_70 : memref<1x128xf32, #tpu.memory_space<hbm>> -> memref<128xf32, #tpu.memory_space<hbm>>
      tpu.enqueue_dma source(%dma_start3A_71 : memref<128xf32, #tpu.memory_space<hbm>>) target(%arg20 : memref<128xf32, #tpu.memory_space<vmem>>) target_semaphore(%run_scoped3A : memref<!tpu.dma_semaphore, #tpu.memory_space<semaphore_mem>>)
      %dma_wait3A = arith.constant 0 : i32
      %dma_wait3A_72 = tpu.memref_slice %arg7[%add3A_29, %dma_wait3A] : memref<2560x128xf32, #tpu.memory_space<hbm>> -> memref<1x128xf32, #tpu.memory_space<hbm>>
      %dma_wait3A_73 = tpu.memref_squeeze %dma_wait3A_72 : memref<1x128xf32, #tpu.memory_space<hbm>> -> memref<128xf32, #tpu.memory_space<hbm>>
      %dma_wait3A_74 = arith.constant 0 : i32
      %dma_wait3A_75 = tpu.memref_slice %arg7[%add3A_29, %dma_wait3A_74] : memref<2560x128xf32, #tpu.memory_space<hbm>> -> memref<1x128xf32, #tpu.memory_space<hbm>>
      %dma_wait3A_76 = tpu.memref_squeeze %dma_wait3A_75 : memref<1x128xf32, #tpu.memory_space<hbm>> -> memref<128xf32, #tpu.memory_space<hbm>>
      tpu.wait_dma2 semaphore(%run_scoped3A : memref<!tpu.dma_semaphore, #tpu.memory_space<semaphore_mem>>) src(%dma_wait3A_76 : memref<128xf32, #tpu.memory_space<hbm>>) dst(%arg20 : memref<128xf32, #tpu.memory_space<vmem>>)
      tpu.yield
    }) : () -> ()
    %mul3A_30 = arith.constant 128 : i32
    %mul3A_31 = arith.muli %add3A_29, %mul3A_30 : i32
    "tpu.region"() ({
      %run_scoped3A = tpu.sem_alloc : memref<!tpu.dma_semaphore, #tpu.memory_space<semaphore_mem>>
      %dma_start3A_66 = arith.constant 0 : i32
      %dma_start3A_67 = tpu.memref_slice %arg4[%mul3A_31, %dma_start3A_66] : memref<327680x128xf32, #tpu.memory_space<hbm>> -> memref<128x128xf32, #tpu.memory_space<hbm>>
      %dma_start3A_68 = arith.constant 0 : i32
      %dma_start3A_69 = tpu.memref_slice %arg4[%mul3A_31, %dma_start3A_68] : memref<327680x128xf32, #tpu.memory_space<hbm>> -> memref<128x128xf32, #tpu.memory_space<hbm>>
      tpu.enqueue_dma source(%dma_start3A_69 : memref<128x128xf32, #tpu.memory_space<hbm>>) target(%arg14 : memref<128x128xf32, #tpu.memory_space<vmem>>) target_semaphore(%run_scoped3A : memref<!tpu.dma_semaphore, #tpu.memory_space<semaphore_mem>>)
      %dma_wait3A = arith.constant 0 : i32
      %dma_wait3A_70 = tpu.memref_slice %arg4[%mul3A_31, %dma_wait3A] : memref<327680x128xf32, #tpu.memory_space<hbm>> -> memref<128x128xf32, #tpu.memory_space<hbm>>
      %dma_wait3A_71 = arith.constant 0 : i32
      %dma_wait3A_72 = tpu.memref_slice %arg4[%mul3A_31, %dma_wait3A_71] : memref<327680x128xf32, #tpu.memory_space<hbm>> -> memref<128x128xf32, #tpu.memory_space<hbm>>
      tpu.wait_dma2 semaphore(%run_scoped3A : memref<!tpu.dma_semaphore, #tpu.memory_space<semaphore_mem>>) src(%dma_wait3A_72 : memref<128x128xf32, #tpu.memory_space<hbm>>) dst(%arg14 : memref<128x128xf32, #tpu.memory_space<vmem>>)
      tpu.yield
    }) : () -> ()
    %dma_start3A_32 = arith.constant 0 : i32
    %dma_start3A_33 = arith.constant 0 : i32
    %dma_start3A_34 = tpu.memref_slice %arg2[%dma_start3A_32, %dma_start3A_33] : memref<10000x128xf32, #tpu.memory_space<hbm>> -> memref<10000x128xf32, #tpu.memory_space<hbm>>
    tpu.enqueue_indirect_dma source(%dma_start3A_34 : memref<10000x128xf32, #tpu.memory_space<hbm>>) target(%arg14 : memref<128x128xf32, #tpu.memory_space<vmem>>) offsets(%arg18 : memref<128xi32, #tpu.memory_space<vmem>>) semaphore(%arg22 : memref<!tpu.dma_semaphore, #tpu.memory_space<semaphore_mem>>) {add = true}
    %scan3A_35 = arith.constant 0 : i32
    %scan3A_36 = arith.constant 0 : i32
    %scan3A_37 = arith.constant 40 : i32
    %scan3A_38 = arith.addi %scan3A_36, %scan3A_37 : i32
    %scan3A_39 = arith.constant 1 : i32
    %scan3A_40 = scf.for %scan3A_66 = %scan3A_36 to %scan3A_38 step %scan3A_39 iter_args(%scan3A_67 = %scan3A_35) -> (i32)  : i32 {
      %mul3A_68 = arith.constant 2 : i32
      %mul3A_69 = arith.muli %mul3A_68, %scan3A_66 : i32
      %add3A_70 = arith.constant 0 : i32
      %add3A_71 = arith.addi %mul3A_69, %add3A_70 : i32
      %dma_wait3A = arith.constant 0 : i32
      %dma_wait3A_72 = arith.constant 0 : i32
      %dma_wait3A_73 = tpu.memref_slice %arg2[%dma_wait3A, %dma_wait3A_72] : memref<10000x128xf32, #tpu.memory_space<hbm>> -> memref<10000x128xf32, #tpu.memory_space<hbm>>
      tpu.wait_indirect_dma semaphore(%arg21 : memref<!tpu.dma_semaphore, #tpu.memory_space<semaphore_mem>>) src(%dma_wait3A_73 : memref<10000x128xf32, #tpu.memory_space<hbm>>) dst(%arg13 : memref<128x128xf32, #tpu.memory_space<vmem>>)
      %scan3A_74 = arith.constant 0 : i32
      %scan3A_75 = arith.constant 0 : i32
      %scan3A_76 = arith.constant 64 : i32
      %scan3A_77 = arith.addi %scan3A_75, %scan3A_76 : i32
      %scan3A_78 = arith.constant 1 : i32
      %scan3A_79 = scf.for %scan3A_116 = %scan3A_75 to %scan3A_77 step %scan3A_78 iter_args(%scan3A_117 = %scan3A_74) -> (i32)  : i32 {
        %mul3A_118 = arith.constant 2 : i32
        %mul3A_119 = arith.muli %mul3A_118, %scan3A_116 : i32
        %add3A_120 = arith.constant 0 : i32
        %add3A_121 = arith.addi %mul3A_119, %add3A_120 : i32
        %broadcast_in_dim3A = vector.broadcast %add3A_121 : i32 to vector<16xi32>
        %gather3A = tpu.vector_load_idx %arg19[%broadcast_in_dim3A] : memref<128xf32, #tpu.memory_space<vmem>>[vector<16xi32>], vector<16xf32>,
        %get3A = arith.index_cast %add3A_121 : i32 to index
        %get3A_122 = arith.constant 0 : index
        %get3A_123 = tpu.vector_load %arg13[%get3A, %get3A_122] {strides = array<i32>} : memref<128x128xf32, #tpu.memory_space<vmem>>, vector<16xf32>,
        %mul3A_124 = arith.mulf %get3A_123, %gather3A : vector<16xf32>
        %swap3A = arith.index_cast %add3A_121 : i32 to index
        %swap3A_125 = arith.constant 0 : index
        %swap3A_126 = tpu.vector_load %arg13[%swap3A, %swap3A_125] {strides = array<i32>} : memref<128x128xf32, #tpu.memory_space<vmem>>, vector<16xf32>,
        tpu.vector_store %arg13[%swap3A, %swap3A_125], %mul3A_124 {strides = array<i32>} : memref<128x128xf32, #tpu.memory_space<vmem>>, vector<16xf32>,
        %get3A_127 = arith.index_cast %add3A_121 : i32 to index
        %get3A_128 = arith.constant 16 : index
        %get3A_129 = tpu.vector_load %arg13[%get3A_127, %get3A_128] {strides = array<i32>} : memref<128x128xf32, #tpu.memory_space<vmem>>, vector<16xf32>,
        %mul3A_130 = arith.mulf %get3A_129, %gather3A : vector<16xf32>
        %swap3A_131 = arith.index_cast %add3A_121 : i32 to index
        %swap3A_132 = arith.constant 16 : index
        %swap3A_133 = tpu.vector_load %arg13[%swap3A_131, %swap3A_132] {strides = array<i32>} : memref<128x128xf32, #tpu.memory_space<vmem>>, vector<16xf32>,
        tpu.vector_store %arg13[%swap3A_131, %swap3A_132], %mul3A_130 {strides = array<i32>} : memref<128x128xf32, #tpu.memory_space<vmem>>, vector<16xf32>,
        %get3A_134 = arith.index_cast %add3A_121 : i32 to index
        %get3A_135 = arith.constant 32 : index
        %get3A_136 = tpu.vector_load %arg13[%get3A_134, %get3A_135] {strides = array<i32>} : memref<128x128xf32, #tpu.memory_space<vmem>>, vector<16xf32>,
        %mul3A_137 = arith.mulf %get3A_136, %gather3A : vector<16xf32>
        %swap3A_138 = arith.index_cast %add3A_121 : i32 to index
        %swap3A_139 = arith.constant 32 : index
        %swap3A_140 = tpu.vector_load %arg13[%swap3A_138, %swap3A_139] {strides = array<i32>} : memref<128x128xf32, #tpu.memory_space<vmem>>, vector<16xf32>,
        tpu.vector_store %arg13[%swap3A_138, %swap3A_139], %mul3A_137 {strides = array<i32>} : memref<128x128xf32, #tpu.memory_space<vmem>>, vector<16xf32>,
        %get3A_141 = arith.index_cast %add3A_121 : i32 to index
        %get3A_142 = arith.constant 48 : index
        %get3A_143 = tpu.vector_load %arg13[%get3A_141, %get3A_142] {strides = array<i32>} : memref<128x128xf32, #tpu.memory_space<vmem>>, vector<16xf32>,
        %mul3A_144 = arith.mulf %get3A_143, %gather3A : vector<16xf32>
        %swap3A_145 = arith.index_cast %add3A_121 : i32 to index
        %swap3A_146 = arith.constant 48 : index
        %swap3A_147 = tpu.vector_load %arg13[%swap3A_145, %swap3A_146] {strides = array<i32>} : memref<128x128xf32, #tpu.memory_space<vmem>>, vector<16xf32>,
        tpu.vector_store %arg13[%swap3A_145, %swap3A_146], %mul3A_144 {strides = array<i32>} : memref<128x128xf32, #tpu.memory_space<vmem>>, vector<16xf32>,
        %get3A_148 = arith.index_cast %add3A_121 : i32 to index
        %get3A_149 = arith.constant 64 : index
        %get3A_150 = tpu.vector_load %arg13[%get3A_148, %get3A_149] {strides = array<i32>} : memref<128x128xf32, #tpu.memory_space<vmem>>, vector<16xf32>,
        %mul3A_151 = arith.mulf %get3A_150, %gather3A : vector<16xf32>
        %swap3A_152 = arith.index_cast %add3A_121 : i32 to index
        %swap3A_153 = arith.constant 64 : index
        %swap3A_154 = tpu.vector_load %arg13[%swap3A_152, %swap3A_153] {strides = array<i32>} : memref<128x128xf32, #tpu.memory_space<vmem>>, vector<16xf32>,
        tpu.vector_store %arg13[%swap3A_152, %swap3A_153], %mul3A_151 {strides = array<i32>} : memref<128x128xf32, #tpu.memory_space<vmem>>, vector<16xf32>,
        %get3A_155 = arith.index_cast %add3A_121 : i32 to index
        %get3A_156 = arith.constant 80 : index
        %get3A_157 = tpu.vector_load %arg13[%get3A_155, %get3A_156] {strides = array<i32>} : memref<128x128xf32, #tpu.memory_space<vmem>>, vector<16xf32>,
        %mul3A_158 = arith.mulf %get3A_157, %gather3A : vector<16xf32>
        %swap3A_159 = arith.index_cast %add3A_121 : i32 to index
        %swap3A_160 = arith.constant 80 : index
        %swap3A_161 = tpu.vector_load %arg13[%swap3A_159, %swap3A_160] {strides = array<i32>} : memref<128x128xf32, #tpu.memory_space<vmem>>, vector<16xf32>,
        tpu.vector_store %arg13[%swap3A_159, %swap3A_160], %mul3A_158 {strides = array<i32>} : memref<128x128xf32, #tpu.memory_space<vmem>>, vector<16xf32>,
        %get3A_162 = arith.index_cast %add3A_121 : i32 to index
        %get3A_163 = arith.constant 96 : index
        %get3A_164 = tpu.vector_load %arg13[%get3A_162, %get3A_163] {strides = array<i32>} : memref<128x128xf32, #tpu.memory_space<vmem>>, vector<16xf32>,
        %mul3A_165 = arith.mulf %get3A_164, %gather3A : vector<16xf32>
        %swap3A_166 = arith.index_cast %add3A_121 : i32 to index
        %swap3A_167 = arith.constant 96 : index
        %swap3A_168 = tpu.vector_load %arg13[%swap3A_166, %swap3A_167] {strides = array<i32>} : memref<128x128xf32, #tpu.memory_space<vmem>>, vector<16xf32>,
        tpu.vector_store %arg13[%swap3A_166, %swap3A_167], %mul3A_165 {strides = array<i32>} : memref<128x128xf32, #tpu.memory_space<vmem>>, vector<16xf32>,
        %get3A_169 = arith.index_cast %add3A_121 : i32 to index
        %get3A_170 = arith.constant 112 : index
        %get3A_171 = tpu.vector_load %arg13[%get3A_169, %get3A_170] {strides = array<i32>} : memref<128x128xf32, #tpu.memory_space<vmem>>, vector<16xf32>,
        %mul3A_172 = arith.mulf %get3A_171, %gather3A : vector<16xf32>
        %swap3A_173 = arith.index_cast %add3A_121 : i32 to index
        %swap3A_174 = arith.constant 112 : index
        %swap3A_175 = tpu.vector_load %arg13[%swap3A_173, %swap3A_174] {strides = array<i32>} : memref<128x128xf32, #tpu.memory_space<vmem>>, vector<16xf32>,
        tpu.vector_store %arg13[%swap3A_173, %swap3A_174], %mul3A_172 {strides = array<i32>} : memref<128x128xf32, #tpu.memory_space<vmem>>, vector<16xf32>,
        %mul3A_176 = arith.constant 2 : i32
        %mul3A_177 = arith.muli %mul3A_176, %scan3A_116 : i32
        %add3A_178 = arith.constant 1 : i32
        %add3A_179 = arith.addi %mul3A_177, %add3A_178 : i32
        %broadcast_in_dim3A_180 = vector.broadcast %add3A_179 : i32 to vector<16xi32>
        %gather3A_181 = tpu.vector_load_idx %arg19[%broadcast_in_dim3A_180] : memref<128xf32, #tpu.memory_space<vmem>>[vector<16xi32>], vector<16xf32>,
        %get3A_182 = arith.index_cast %add3A_179 : i32 to index
        %get3A_183 = arith.constant 0 : index
        %get3A_184 = tpu.vector_load %arg13[%get3A_182, %get3A_183] {strides = array<i32>} : memref<128x128xf32, #tpu.memory_space<vmem>>, vector<16xf32>,
        %mul3A_185 = arith.mulf %get3A_184, %gather3A_181 : vector<16xf32>
        %swap3A_186 = arith.index_cast %add3A_179 : i32 to index
        %swap3A_187 = arith.constant 0 : index
        %swap3A_188 = tpu.vector_load %arg13[%swap3A_186, %swap3A_187] {strides = array<i32>} : memref<128x128xf32, #tpu.memory_space<vmem>>, vector<16xf32>,
        tpu.vector_store %arg13[%swap3A_186, %swap3A_187], %mul3A_185 {strides = array<i32>} : memref<128x128xf32, #tpu.memory_space<vmem>>, vector<16xf32>,
        %get3A_189 = arith.index_cast %add3A_179 : i32 to index
        %get3A_190 = arith.constant 16 : index
        %get3A_191 = tpu.vector_load %arg13[%get3A_189, %get3A_190] {strides = array<i32>} : memref<128x128xf32, #tpu.memory_space<vmem>>, vector<16xf32>,
        %mul3A_192 = arith.mulf %get3A_191, %gather3A_181 : vector<16xf32>
        %swap3A_193 = arith.index_cast %add3A_179 : i32 to index
        %swap3A_194 = arith.constant 16 : index
        %swap3A_195 = tpu.vector_load %arg13[%swap3A_193, %swap3A_194] {strides = array<i32>} : memref<128x128xf32, #tpu.memory_space<vmem>>, vector<16xf32>,
        tpu.vector_store %arg13[%swap3A_193, %swap3A_194], %mul3A_192 {strides = array<i32>} : memref<128x128xf32, #tpu.memory_space<vmem>>, vector<16xf32>,
        %get3A_196 = arith.index_cast %add3A_179 : i32 to index
        %get3A_197 = arith.constant 32 : index
        %get3A_198 = tpu.vector_load %arg13[%get3A_196, %get3A_197] {strides = array<i32>} : memref<128x128xf32, #tpu.memory_space<vmem>>, vector<16xf32>,
        %mul3A_199 = arith.mulf %get3A_198, %gather3A_181 : vector<16xf32>
        %swap3A_200 = arith.index_cast %add3A_179 : i32 to index
        %swap3A_201 = arith.constant 32 : index
        %swap3A_202 = tpu.vector_load %arg13[%swap3A_200, %swap3A_201] {strides = array<i32>} : memref<128x128xf32, #tpu.memory_space<vmem>>, vector<16xf32>,
        tpu.vector_store %arg13[%swap3A_200, %swap3A_201], %mul3A_199 {strides = array<i32>} : memref<128x128xf32, #tpu.memory_space<vmem>>, vector<16xf32>,
        %get3A_203 = arith.index_cast %add3A_179 : i32 to index
        %get3A_204 = arith.constant 48 : index
        %get3A_205 = tpu.vector_load %arg13[%get3A_203, %get3A_204] {strides = array<i32>} : memref<128x128xf32, #tpu.memory_space<vmem>>, vector<16xf32>,
        %mul3A_206 = arith.mulf %get3A_205, %gather3A_181 : vector<16xf32>
        %swap3A_207 = arith.index_cast %add3A_179 : i32 to index
        %swap3A_208 = arith.constant 48 : index
        %swap3A_209 = tpu.vector_load %arg13[%swap3A_207, %swap3A_208] {strides = array<i32>} : memref<128x128xf32, #tpu.memory_space<vmem>>, vector<16xf32>,
        tpu.vector_store %arg13[%swap3A_207, %swap3A_208], %mul3A_206 {strides = array<i32>} : memref<128x128xf32, #tpu.memory_space<vmem>>, vector<16xf32>,
        %get3A_210 = arith.index_cast %add3A_179 : i32 to index
        %get3A_211 = arith.constant 64 : index
        %get3A_212 = tpu.vector_load %arg13[%get3A_210, %get3A_211] {strides = array<i32>} : memref<128x128xf32, #tpu.memory_space<vmem>>, vector<16xf32>,
        %mul3A_213 = arith.mulf %get3A_212, %gather3A_181 : vector<16xf32>
        %swap3A_214 = arith.index_cast %add3A_179 : i32 to index
        %swap3A_215 = arith.constant 64 : index
        %swap3A_216 = tpu.vector_load %arg13[%swap3A_214, %swap3A_215] {strides = array<i32>} : memref<128x128xf32, #tpu.memory_space<vmem>>, vector<16xf32>,
        tpu.vector_store %arg13[%swap3A_214, %swap3A_215], %mul3A_213 {strides = array<i32>} : memref<128x128xf32, #tpu.memory_space<vmem>>, vector<16xf32>,
        %get3A_217 = arith.index_cast %add3A_179 : i32 to index
        %get3A_218 = arith.constant 80 : index
        %get3A_219 = tpu.vector_load %arg13[%get3A_217, %get3A_218] {strides = array<i32>} : memref<128x128xf32, #tpu.memory_space<vmem>>, vector<16xf32>,
        %mul3A_220 = arith.mulf %get3A_219, %gather3A_181 : vector<16xf32>
        %swap3A_221 = arith.index_cast %add3A_179 : i32 to index
        %swap3A_222 = arith.constant 80 : index
        %swap3A_223 = tpu.vector_load %arg13[%swap3A_221, %swap3A_222] {strides = array<i32>} : memref<128x128xf32, #tpu.memory_space<vmem>>, vector<16xf32>,
        tpu.vector_store %arg13[%swap3A_221, %swap3A_222], %mul3A_220 {strides = array<i32>} : memref<128x128xf32, #tpu.memory_space<vmem>>, vector<16xf32>,
        %get3A_224 = arith.index_cast %add3A_179 : i32 to index
        %get3A_225 = arith.constant 96 : index
        %get3A_226 = tpu.vector_load %arg13[%get3A_224, %get3A_225] {strides = array<i32>} : memref<128x128xf32, #tpu.memory_space<vmem>>, vector<16xf32>,
        %mul3A_227 = arith.mulf %get3A_226, %gather3A_181 : vector<16xf32>
        %swap3A_228 = arith.index_cast %add3A_179 : i32 to index
        %swap3A_229 = arith.constant 96 : index
        %swap3A_230 = tpu.vector_load %arg13[%swap3A_228, %swap3A_229] {strides = array<i32>} : memref<128x128xf32, #tpu.memory_space<vmem>>, vector<16xf32>,
        tpu.vector_store %arg13[%swap3A_228, %swap3A_229], %mul3A_227 {strides = array<i32>} : memref<128x128xf32, #tpu.memory_space<vmem>>, vector<16xf32>,
        %get3A_231 = arith.index_cast %add3A_179 : i32 to index
        %get3A_232 = arith.constant 112 : index
        %get3A_233 = tpu.vector_load %arg13[%get3A_231, %get3A_232] {strides = array<i32>} : memref<128x128xf32, #tpu.memory_space<vmem>>, vector<16xf32>,
        %mul3A_234 = arith.mulf %get3A_233, %gather3A_181 : vector<16xf32>
        %swap3A_235 = arith.index_cast %add3A_179 : i32 to index
        %swap3A_236 = arith.constant 112 : index
        %swap3A_237 = tpu.vector_load %arg13[%swap3A_235, %swap3A_236] {strides = array<i32>} : memref<128x128xf32, #tpu.memory_space<vmem>>, vector<16xf32>,
        tpu.vector_store %arg13[%swap3A_235, %swap3A_236], %mul3A_234 {strides = array<i32>} : memref<128x128xf32, #tpu.memory_space<vmem>>, vector<16xf32>,
        %scan3A_238 = arith.constant 0 : i32
        scf.yield %scan3A_238 : i32
      }
      %scan3A_80 = arith.constant 64 : i32
      %add3A_81 = arith.constant 2 : i32
      %add3A_82 = arith.addi %add3A_71, %add3A_81 : i32
      %ge3A = arith.constant 80 : i32
      %ge3A_83 = arith.cmpi sge, %add3A_82, %ge3A : i32
      %not3A = arith.constant true
      %not3A_84 = arith.xori %ge3A_83, %not3A : i1
      %convert_element_type3A = arith.extui %not3A_84 : i1 to i32
      %cond3A = arith.constant 0 : i32
      %cond3A_85 = arith.cmpi ne, %convert_element_type3A, %cond3A : i32
      scf.if %cond3A_85 {
        %dma_start3A_116 = arith.constant 0 : i32
        %dma_start3A_117 = tpu.memref_slice %arg15[%add3A_71, %dma_start3A_116] : memref<80x128xi32, #tpu.memory_space<vmem>> -> memref<1x128xi32, #tpu.memory_space<vmem>>
        %dma_start3A_118 = tpu.memref_squeeze %dma_start3A_117 : memref<1x128xi32, #tpu.memory_space<vmem>> -> memref<128xi32, #tpu.memory_space<vmem>>
        %dma_start3A_119 = arith.constant 0 : i32
        %dma_start3A_120 = arith.constant 0 : i32
        %dma_start3A_121 = tpu.memref_slice %arg12[%dma_start3A_119, %dma_start3A_120] : memref<10240x128xf32, #tpu.memory_space<vmem_shared>> -> memref<10240x128xf32, #tpu.memory_space<vmem_shared>>
        tpu.enqueue_indirect_dma source(%arg13 : memref<128x128xf32, #tpu.memory_space<vmem>>) target(%dma_start3A_121 : memref<10240x128xf32, #tpu.memory_space<vmem_shared>>) offsets(%dma_start3A_118 : memref<128xi32, #tpu.memory_space<vmem>>) semaphore(%arg23 : memref<!tpu.dma_semaphore, #tpu.memory_space<semaphore_mem>>) {add = true}
        %add3A_122 = arith.constant 2 : i32
        %add3A_123 = arith.addi %add3A_71, %add3A_122 : i32
        %mul3A_124 = arith.constant 80 : i32
        %mul3A_125 = arith.muli %add3A, %mul3A_124 : i32
        %add3A_126 = arith.addi %mul3A_125, %add3A_123 : i32
        "tpu.region"() ({
          %run_scoped3A = tpu.sem_alloc : memref<!tpu.dma_semaphore, #tpu.memory_space<semaphore_mem>>
          %dma_start3A_138 = arith.constant 0 : i32
          %dma_start3A_139 = tpu.memref_slice %arg5[%add3A_126, %dma_start3A_138] : memref<2560x128xi32, #tpu.memory_space<hbm>> -> memref<1x128xi32, #tpu.memory_space<hbm>>
          %dma_start3A_140 = tpu.memref_squeeze %dma_start3A_139 : memref<1x128xi32, #tpu.memory_space<hbm>> -> memref<128xi32, #tpu.memory_space<hbm>>
          %dma_start3A_141 = arith.constant 0 : i32
          %dma_start3A_142 = tpu.memref_slice %arg5[%add3A_126, %dma_start3A_141] : memref<2560x128xi32, #tpu.memory_space<hbm>> -> memref<1x128xi32, #tpu.memory_space<hbm>>
          %dma_start3A_143 = tpu.memref_squeeze %dma_start3A_142 : memref<1x128xi32, #tpu.memory_space<hbm>> -> memref<128xi32, #tpu.memory_space<hbm>>
          tpu.enqueue_dma source(%dma_start3A_143 : memref<128xi32, #tpu.memory_space<hbm>>) target(%arg17 : memref<128xi32, #tpu.memory_space<vmem>>) target_semaphore(%run_scoped3A : memref<!tpu.dma_semaphore, #tpu.memory_space<semaphore_mem>>)
          %dma_wait3A_144 = arith.constant 0 : i32
          %dma_wait3A_145 = tpu.memref_slice %arg5[%add3A_126, %dma_wait3A_144] : memref<2560x128xi32, #tpu.memory_space<hbm>> -> memref<1x128xi32, #tpu.memory_space<hbm>>
          %dma_wait3A_146 = tpu.memref_squeeze %dma_wait3A_145 : memref<1x128xi32, #tpu.memory_space<hbm>> -> memref<128xi32, #tpu.memory_space<hbm>>
          %dma_wait3A_147 = arith.constant 0 : i32
          %dma_wait3A_148 = tpu.memref_slice %arg5[%add3A_126, %dma_wait3A_147] : memref<2560x128xi32, #tpu.memory_space<hbm>> -> memref<1x128xi32, #tpu.memory_space<hbm>>
          %dma_wait3A_149 = tpu.memref_squeeze %dma_wait3A_148 : memref<1x128xi32, #tpu.memory_space<hbm>> -> memref<128xi32, #tpu.memory_space<hbm>>
          tpu.wait_dma2 semaphore(%run_scoped3A : memref<!tpu.dma_semaphore, #tpu.memory_space<semaphore_mem>>) src(%dma_wait3A_149 : memref<128xi32, #tpu.memory_space<hbm>>) dst(%arg17 : memref<128xi32, #tpu.memory_space<vmem>>)
          tpu.yield
        }) : () -> ()
        "tpu.region"() ({
          %run_scoped3A = tpu.sem_alloc : memref<!tpu.dma_semaphore, #tpu.memory_space<semaphore_mem>>
          %dma_start3A_138 = arith.constant 0 : i32
          %dma_start3A_139 = tpu.memref_slice %arg7[%add3A_126, %dma_start3A_138] : memref<2560x128xf32, #tpu.memory_space<hbm>> -> memref<1x128xf32, #tpu.memory_space<hbm>>
          %dma_start3A_140 = tpu.memref_squeeze %dma_start3A_139 : memref<1x128xf32, #tpu.memory_space<hbm>> -> memref<128xf32, #tpu.memory_space<hbm>>
          %dma_start3A_141 = arith.constant 0 : i32
          %dma_start3A_142 = tpu.memref_slice %arg7[%add3A_126, %dma_start3A_141] : memref<2560x128xf32, #tpu.memory_space<hbm>> -> memref<1x128xf32, #tpu.memory_space<hbm>>
          %dma_start3A_143 = tpu.memref_squeeze %dma_start3A_142 : memref<1x128xf32, #tpu.memory_space<hbm>> -> memref<128xf32, #tpu.memory_space<hbm>>
          tpu.enqueue_dma source(%dma_start3A_143 : memref<128xf32, #tpu.memory_space<hbm>>) target(%arg19 : memref<128xf32, #tpu.memory_space<vmem>>) target_semaphore(%run_scoped3A : memref<!tpu.dma_semaphore, #tpu.memory_space<semaphore_mem>>)
          %dma_wait3A_144 = arith.constant 0 : i32
          %dma_wait3A_145 = tpu.memref_slice %arg7[%add3A_126, %dma_wait3A_144] : memref<2560x128xf32, #tpu.memory_space<hbm>> -> memref<1x128xf32, #tpu.memory_space<hbm>>
          %dma_wait3A_146 = tpu.memref_squeeze %dma_wait3A_145 : memref<1x128xf32, #tpu.memory_space<hbm>> -> memref<128xf32, #tpu.memory_space<hbm>>
          %dma_wait3A_147 = arith.constant 0 : i32
          %dma_wait3A_148 = tpu.memref_slice %arg7[%add3A_126, %dma_wait3A_147] : memref<2560x128xf32, #tpu.memory_space<hbm>> -> memref<1x128xf32, #tpu.memory_space<hbm>>
          %dma_wait3A_149 = tpu.memref_squeeze %dma_wait3A_148 : memref<1x128xf32, #tpu.memory_space<hbm>> -> memref<128xf32, #tpu.memory_space<hbm>>
          tpu.wait_dma2 semaphore(%run_scoped3A : memref<!tpu.dma_semaphore, #tpu.memory_space<semaphore_mem>>) src(%dma_wait3A_149 : memref<128xf32, #tpu.memory_space<hbm>>) dst(%arg19 : memref<128xf32, #tpu.memory_space<vmem>>)
          tpu.yield
        }) : () -> ()
        %dma_wait3A_127 = arith.constant 0 : i32
        %dma_wait3A_128 = tpu.memref_slice %arg15[%add3A_123, %dma_wait3A_127] : memref<80x128xi32, #tpu.memory_space<vmem>> -> memref<1x128xi32, #tpu.memory_space<vmem>>
        %dma_wait3A_129 = tpu.memref_squeeze %dma_wait3A_128 : memref<1x128xi32, #tpu.memory_space<vmem>> -> memref<128xi32, #tpu.memory_space<vmem>>
        %dma_wait3A_130 = arith.constant 0 : i32
        %dma_wait3A_131 = arith.constant 0 : i32
        %dma_wait3A_132 = tpu.memref_slice %arg12[%dma_wait3A_130, %dma_wait3A_131] : memref<10240x128xf32, #tpu.memory_space<vmem_shared>> -> memref<10240x128xf32, #tpu.memory_space<vmem_shared>>
        tpu.wait_indirect_dma semaphore(%arg23 : memref<!tpu.dma_semaphore, #tpu.memory_space<semaphore_mem>>) src(%arg13 : memref<128x128xf32, #tpu.memory_space<vmem>>) dst(%dma_wait3A_132 : memref<10240x128xf32, #tpu.memory_space<vmem_shared>>)
        %mul3A_133 = arith.constant 128 : i32
        %mul3A_134 = arith.muli %add3A_126, %mul3A_133 : i32
        "tpu.region"() ({
          %run_scoped3A = tpu.sem_alloc : memref<!tpu.dma_semaphore, #tpu.memory_space<semaphore_mem>>
          %dma_start3A_138 = arith.constant 0 : i32
          %dma_start3A_139 = tpu.memref_slice %arg4[%mul3A_134, %dma_start3A_138] : memref<327680x128xf32, #tpu.memory_space<hbm>> -> memref<128x128xf32, #tpu.memory_space<hbm>>
          %dma_start3A_140 = arith.constant 0 : i32
          %dma_start3A_141 = tpu.memref_slice %arg4[%mul3A_134, %dma_start3A_140] : memref<327680x128xf32, #tpu.memory_space<hbm>> -> memref<128x128xf32, #tpu.memory_space<hbm>>
          tpu.enqueue_dma source(%dma_start3A_141 : memref<128x128xf32, #tpu.memory_space<hbm>>) target(%arg13 : memref<128x128xf32, #tpu.memory_space<vmem>>) target_semaphore(%run_scoped3A : memref<!tpu.dma_semaphore, #tpu.memory_space<semaphore_mem>>)
          %dma_wait3A_142 = arith.constant 0 : i32
          %dma_wait3A_143 = tpu.memref_slice %arg4[%mul3A_134, %dma_wait3A_142] : memref<327680x128xf32, #tpu.memory_space<hbm>> -> memref<128x128xf32, #tpu.memory_space<hbm>>
          %dma_wait3A_144 = arith.constant 0 : i32
          %dma_wait3A_145 = tpu.memref_slice %arg4[%mul3A_134, %dma_wait3A_144] : memref<327680x128xf32, #tpu.memory_space<hbm>> -> memref<128x128xf32, #tpu.memory_space<hbm>>
          tpu.wait_dma2 semaphore(%run_scoped3A : memref<!tpu.dma_semaphore, #tpu.memory_space<semaphore_mem>>) src(%dma_wait3A_145 : memref<128x128xf32, #tpu.memory_space<hbm>>) dst(%arg13 : memref<128x128xf32, #tpu.memory_space<vmem>>)
          tpu.yield
        }) : () -> ()
        %dma_start3A_135 = arith.constant 0 : i32
        %dma_start3A_136 = arith.constant 0 : i32
        %dma_start3A_137 = tpu.memref_slice %arg2[%dma_start3A_135, %dma_start3A_136] : memref<10000x128xf32, #tpu.memory_space<hbm>> -> memref<10000x128xf32, #tpu.memory_space<hbm>>
        tpu.enqueue_indirect_dma source(%dma_start3A_137 : memref<10000x128xf32, #tpu.memory_space<hbm>>) target(%arg13 : memref<128x128xf32, #tpu.memory_space<vmem>>) offsets(%arg17 : memref<128xi32, #tpu.memory_space<vmem>>) semaphore(%arg21 : memref<!tpu.dma_semaphore, #tpu.memory_space<semaphore_mem>>) {add = true}
      } else {
      }
      %convert_element_type3A_86 = arith.extui %ge3A_83 : i1 to i32
      %cond3A_87 = arith.constant 0 : i32
      %cond3A_88 = arith.cmpi ne, %convert_element_type3A_86, %cond3A_87 : i32
      scf.if %cond3A_88 {
        "tpu.region"() ({
          %run_scoped3A = tpu.sem_alloc : memref<!tpu.dma_semaphore, #tpu.memory_space<semaphore_mem>>
          %dma_start3A_116 = arith.constant 0 : i32
          %dma_start3A_117 = tpu.memref_slice %arg15[%add3A_71, %dma_start3A_116] : memref<80x128xi32, #tpu.memory_space<vmem>> -> memref<1x128xi32, #tpu.memory_space<vmem>>
          %dma_start3A_118 = tpu.memref_squeeze %dma_start3A_117 : memref<1x128xi32, #tpu.memory_space<vmem>> -> memref<128xi32, #tpu.memory_space<vmem>>
          %dma_start3A_119 = arith.constant 0 : i32
          %dma_start3A_120 = arith.constant 0 : i32
          %dma_start3A_121 = tpu.memref_slice %arg12[%dma_start3A_119, %dma_start3A_120] : memref<10240x128xf32, #tpu.memory_space<vmem_shared>> -> memref<10240x128xf32, #tpu.memory_space<vmem_shared>>
          tpu.enqueue_indirect_dma source(%arg13 : memref<128x128xf32, #tpu.memory_space<vmem>>) target(%dma_start3A_121 : memref<10240x128xf32, #tpu.memory_space<vmem_shared>>) offsets(%dma_start3A_118 : memref<128xi32, #tpu.memory_space<vmem>>) semaphore(%run_scoped3A : memref<!tpu.dma_semaphore, #tpu.memory_space<semaphore_mem>>) {add = true}
          %dma_wait3A_122 = arith.constant 0 : i32
          %dma_wait3A_123 = tpu.memref_slice %arg15[%add3A_71, %dma_wait3A_122] : memref<80x128xi32, #tpu.memory_space<vmem>> -> memref<1x128xi32, #tpu.memory_space<vmem>>
          %dma_wait3A_124 = tpu.memref_squeeze %dma_wait3A_123 : memref<1x128xi32, #tpu.memory_space<vmem>> -> memref<128xi32, #tpu.memory_space<vmem>>
          %dma_wait3A_125 = arith.constant 0 : i32
          %dma_wait3A_126 = arith.constant 0 : i32
          %dma_wait3A_127 = tpu.memref_slice %arg12[%dma_wait3A_125, %dma_wait3A_126] : memref<10240x128xf32, #tpu.memory_space<vmem_shared>> -> memref<10240x128xf32, #tpu.memory_space<vmem_shared>>
          tpu.wait_indirect_dma semaphore(%run_scoped3A : memref<!tpu.dma_semaphore, #tpu.memory_space<semaphore_mem>>) src(%arg13 : memref<128x128xf32, #tpu.memory_space<vmem>>) dst(%dma_wait3A_127 : memref<10240x128xf32, #tpu.memory_space<vmem_shared>>)
          tpu.yield
        }) : () -> ()
      } else {
      }
      %mul3A_89 = arith.constant 2 : i32
      %mul3A_90 = arith.muli %mul3A_89, %scan3A_66 : i32
      %add3A_91 = arith.constant 1 : i32
      %add3A_92 = arith.addi %mul3A_90, %add3A_91 : i32
      %dma_wait3A_93 = arith.constant 0 : i32
      %dma_wait3A_94 = arith.constant 0 : i32
      %dma_wait3A_95 = tpu.memref_slice %arg2[%dma_wait3A_93, %dma_wait3A_94] : memref<10000x128xf32, #tpu.memory_space<hbm>> -> memref<10000x128xf32, #tpu.memory_space<hbm>>
      tpu.wait_indirect_dma semaphore(%arg22 : memref<!tpu.dma_semaphore, #tpu.memory_space<semaphore_mem>>) src(%dma_wait3A_95 : memref<10000x128xf32, #tpu.memory_space<hbm>>) dst(%arg14 : memref<128x128xf32, #tpu.memory_space<vmem>>)
      %scan3A_96 = arith.constant 0 : i32
      %scan3A_97 = arith.constant 0 : i32
      %scan3A_98 = arith.constant 64 : i32
      %scan3A_99 = arith.addi %scan3A_97, %scan3A_98 : i32
      %scan3A_100 = arith.constant 1 : i32
      %scan3A_101 = scf.for %scan3A_116 = %scan3A_97 to %scan3A_99 step %scan3A_100 iter_args(%scan3A_117 = %scan3A_96) -> (i32)  : i32 {
        %mul3A_118 = arith.constant 2 : i32
        %mul3A_119 = arith.muli %mul3A_118, %scan3A_116 : i32
        %add3A_120 = arith.constant 0 : i32
        %add3A_121 = arith.addi %mul3A_119, %add3A_120 : i32
        %broadcast_in_dim3A = vector.broadcast %add3A_121 : i32 to vector<16xi32>
        %gather3A = tpu.vector_load_idx %arg20[%broadcast_in_dim3A] : memref<128xf32, #tpu.memory_space<vmem>>[vector<16xi32>], vector<16xf32>,
        %get3A = arith.index_cast %add3A_121 : i32 to index
        %get3A_122 = arith.constant 0 : index
        %get3A_123 = tpu.vector_load %arg14[%get3A, %get3A_122] {strides = array<i32>} : memref<128x128xf32, #tpu.memory_space<vmem>>, vector<16xf32>,
        %mul3A_124 = arith.mulf %get3A_123, %gather3A : vector<16xf32>
        %swap3A = arith.index_cast %add3A_121 : i32 to index
        %swap3A_125 = arith.constant 0 : index
        %swap3A_126 = tpu.vector_load %arg14[%swap3A, %swap3A_125] {strides = array<i32>} : memref<128x128xf32, #tpu.memory_space<vmem>>, vector<16xf32>,
        tpu.vector_store %arg14[%swap3A, %swap3A_125], %mul3A_124 {strides = array<i32>} : memref<128x128xf32, #tpu.memory_space<vmem>>, vector<16xf32>,
        %get3A_127 = arith.index_cast %add3A_121 : i32 to index
        %get3A_128 = arith.constant 16 : index
        %get3A_129 = tpu.vector_load %arg14[%get3A_127, %get3A_128] {strides = array<i32>} : memref<128x128xf32, #tpu.memory_space<vmem>>, vector<16xf32>,
        %mul3A_130 = arith.mulf %get3A_129, %gather3A : vector<16xf32>
        %swap3A_131 = arith.index_cast %add3A_121 : i32 to index
        %swap3A_132 = arith.constant 16 : index
        %swap3A_133 = tpu.vector_load %arg14[%swap3A_131, %swap3A_132] {strides = array<i32>} : memref<128x128xf32, #tpu.memory_space<vmem>>, vector<16xf32>,
        tpu.vector_store %arg14[%swap3A_131, %swap3A_132], %mul3A_130 {strides = array<i32>} : memref<128x128xf32, #tpu.memory_space<vmem>>, vector<16xf32>,
        %get3A_134 = arith.index_cast %add3A_121 : i32 to index
        %get3A_135 = arith.constant 32 : index
        %get3A_136 = tpu.vector_load %arg14[%get3A_134, %get3A_135] {strides = array<i32>} : memref<128x128xf32, #tpu.memory_space<vmem>>, vector<16xf32>,
        %mul3A_137 = arith.mulf %get3A_136, %gather3A : vector<16xf32>
        %swap3A_138 = arith.index_cast %add3A_121 : i32 to index
        %swap3A_139 = arith.constant 32 : index
        %swap3A_140 = tpu.vector_load %arg14[%swap3A_138, %swap3A_139] {strides = array<i32>} : memref<128x128xf32, #tpu.memory_space<vmem>>, vector<16xf32>,
        tpu.vector_store %arg14[%swap3A_138, %swap3A_139], %mul3A_137 {strides = array<i32>} : memref<128x128xf32, #tpu.memory_space<vmem>>, vector<16xf32>,
        %get3A_141 = arith.index_cast %add3A_121 : i32 to index
        %get3A_142 = arith.constant 48 : index
        %get3A_143 = tpu.vector_load %arg14[%get3A_141, %get3A_142] {strides = array<i32>} : memref<128x128xf32, #tpu.memory_space<vmem>>, vector<16xf32>,
        %mul3A_144 = arith.mulf %get3A_143, %gather3A : vector<16xf32>
        %swap3A_145 = arith.index_cast %add3A_121 : i32 to index
        %swap3A_146 = arith.constant 48 : index
        %swap3A_147 = tpu.vector_load %arg14[%swap3A_145, %swap3A_146] {strides = array<i32>} : memref<128x128xf32, #tpu.memory_space<vmem>>, vector<16xf32>,
        tpu.vector_store %arg14[%swap3A_145, %swap3A_146], %mul3A_144 {strides = array<i32>} : memref<128x128xf32, #tpu.memory_space<vmem>>, vector<16xf32>,
        %get3A_148 = arith.index_cast %add3A_121 : i32 to index
        %get3A_149 = arith.constant 64 : index
        %get3A_150 = tpu.vector_load %arg14[%get3A_148, %get3A_149] {strides = array<i32>} : memref<128x128xf32, #tpu.memory_space<vmem>>, vector<16xf32>,
        %mul3A_151 = arith.mulf %get3A_150, %gather3A : vector<16xf32>
        %swap3A_152 = arith.index_cast %add3A_121 : i32 to index
        %swap3A_153 = arith.constant 64 : index
        %swap3A_154 = tpu.vector_load %arg14[%swap3A_152, %swap3A_153] {strides = array<i32>} : memref<128x128xf32, #tpu.memory_space<vmem>>, vector<16xf32>,
        tpu.vector_store %arg14[%swap3A_152, %swap3A_153], %mul3A_151 {strides = array<i32>} : memref<128x128xf32, #tpu.memory_space<vmem>>, vector<16xf32>,
        %get3A_155 = arith.index_cast %add3A_121 : i32 to index
        %get3A_156 = arith.constant 80 : index
        %get3A_157 = tpu.vector_load %arg14[%get3A_155, %get3A_156] {strides = array<i32>} : memref<128x128xf32, #tpu.memory_space<vmem>>, vector<16xf32>,
        %mul3A_158 = arith.mulf %get3A_157, %gather3A : vector<16xf32>
        %swap3A_159 = arith.index_cast %add3A_121 : i32 to index
        %swap3A_160 = arith.constant 80 : index
        %swap3A_161 = tpu.vector_load %arg14[%swap3A_159, %swap3A_160] {strides = array<i32>} : memref<128x128xf32, #tpu.memory_space<vmem>>, vector<16xf32>,
        tpu.vector_store %arg14[%swap3A_159, %swap3A_160], %mul3A_158 {strides = array<i32>} : memref<128x128xf32, #tpu.memory_space<vmem>>, vector<16xf32>,
        %get3A_162 = arith.index_cast %add3A_121 : i32 to index
        %get3A_163 = arith.constant 96 : index
        %get3A_164 = tpu.vector_load %arg14[%get3A_162, %get3A_163] {strides = array<i32>} : memref<128x128xf32, #tpu.memory_space<vmem>>, vector<16xf32>,
        %mul3A_165 = arith.mulf %get3A_164, %gather3A : vector<16xf32>
        %swap3A_166 = arith.index_cast %add3A_121 : i32 to index
        %swap3A_167 = arith.constant 96 : index
        %swap3A_168 = tpu.vector_load %arg14[%swap3A_166, %swap3A_167] {strides = array<i32>} : memref<128x128xf32, #tpu.memory_space<vmem>>, vector<16xf32>,
        tpu.vector_store %arg14[%swap3A_166, %swap3A_167], %mul3A_165 {strides = array<i32>} : memref<128x128xf32, #tpu.memory_space<vmem>>, vector<16xf32>,
        %get3A_169 = arith.index_cast %add3A_121 : i32 to index
        %get3A_170 = arith.constant 112 : index
        %get3A_171 = tpu.vector_load %arg14[%get3A_169, %get3A_170] {strides = array<i32>} : memref<128x128xf32, #tpu.memory_space<vmem>>, vector<16xf32>,
        %mul3A_172 = arith.mulf %get3A_171, %gather3A : vector<16xf32>
        %swap3A_173 = arith.index_cast %add3A_121 : i32 to index
        %swap3A_174 = arith.constant 112 : index
        %swap3A_175 = tpu.vector_load %arg14[%swap3A_173, %swap3A_174] {strides = array<i32>} : memref<128x128xf32, #tpu.memory_space<vmem>>, vector<16xf32>,
        tpu.vector_store %arg14[%swap3A_173, %swap3A_174], %mul3A_172 {strides = array<i32>} : memref<128x128xf32, #tpu.memory_space<vmem>>, vector<16xf32>,
        %mul3A_176 = arith.constant 2 : i32
        %mul3A_177 = arith.muli %mul3A_176, %scan3A_116 : i32
        %add3A_178 = arith.constant 1 : i32
        %add3A_179 = arith.addi %mul3A_177, %add3A_178 : i32
        %broadcast_in_dim3A_180 = vector.broadcast %add3A_179 : i32 to vector<16xi32>
        %gather3A_181 = tpu.vector_load_idx %arg20[%broadcast_in_dim3A_180] : memref<128xf32, #tpu.memory_space<vmem>>[vector<16xi32>], vector<16xf32>,
        %get3A_182 = arith.index_cast %add3A_179 : i32 to index
        %get3A_183 = arith.constant 0 : index
        %get3A_184 = tpu.vector_load %arg14[%get3A_182, %get3A_183] {strides = array<i32>} : memref<128x128xf32, #tpu.memory_space<vmem>>, vector<16xf32>,
        %mul3A_185 = arith.mulf %get3A_184, %gather3A_181 : vector<16xf32>
        %swap3A_186 = arith.index_cast %add3A_179 : i32 to index
        %swap3A_187 = arith.constant 0 : index
        %swap3A_188 = tpu.vector_load %arg14[%swap3A_186, %swap3A_187] {strides = array<i32>} : memref<128x128xf32, #tpu.memory_space<vmem>>, vector<16xf32>,
        tpu.vector_store %arg14[%swap3A_186, %swap3A_187], %mul3A_185 {strides = array<i32>} : memref<128x128xf32, #tpu.memory_space<vmem>>, vector<16xf32>,
        %get3A_189 = arith.index_cast %add3A_179 : i32 to index
        %get3A_190 = arith.constant 16 : index
        %get3A_191 = tpu.vector_load %arg14[%get3A_189, %get3A_190] {strides = array<i32>} : memref<128x128xf32, #tpu.memory_space<vmem>>, vector<16xf32>,
        %mul3A_192 = arith.mulf %get3A_191, %gather3A_181 : vector<16xf32>
        %swap3A_193 = arith.index_cast %add3A_179 : i32 to index
        %swap3A_194 = arith.constant 16 : index
        %swap3A_195 = tpu.vector_load %arg14[%swap3A_193, %swap3A_194] {strides = array<i32>} : memref<128x128xf32, #tpu.memory_space<vmem>>, vector<16xf32>,
        tpu.vector_store %arg14[%swap3A_193, %swap3A_194], %mul3A_192 {strides = array<i32>} : memref<128x128xf32, #tpu.memory_space<vmem>>, vector<16xf32>,
        %get3A_196 = arith.index_cast %add3A_179 : i32 to index
        %get3A_197 = arith.constant 32 : index
        %get3A_198 = tpu.vector_load %arg14[%get3A_196, %get3A_197] {strides = array<i32>} : memref<128x128xf32, #tpu.memory_space<vmem>>, vector<16xf32>,
        %mul3A_199 = arith.mulf %get3A_198, %gather3A_181 : vector<16xf32>
        %swap3A_200 = arith.index_cast %add3A_179 : i32 to index
        %swap3A_201 = arith.constant 32 : index
        %swap3A_202 = tpu.vector_load %arg14[%swap3A_200, %swap3A_201] {strides = array<i32>} : memref<128x128xf32, #tpu.memory_space<vmem>>, vector<16xf32>,
        tpu.vector_store %arg14[%swap3A_200, %swap3A_201], %mul3A_199 {strides = array<i32>} : memref<128x128xf32, #tpu.memory_space<vmem>>, vector<16xf32>,
        %get3A_203 = arith.index_cast %add3A_179 : i32 to index
        %get3A_204 = arith.constant 48 : index
        %get3A_205 = tpu.vector_load %arg14[%get3A_203, %get3A_204] {strides = array<i32>} : memref<128x128xf32, #tpu.memory_space<vmem>>, vector<16xf32>,
        %mul3A_206 = arith.mulf %get3A_205, %gather3A_181 : vector<16xf32>
        %swap3A_207 = arith.index_cast %add3A_179 : i32 to index
        %swap3A_208 = arith.constant 48 : index
        %swap3A_209 = tpu.vector_load %arg14[%swap3A_207, %swap3A_208] {strides = array<i32>} : memref<128x128xf32, #tpu.memory_space<vmem>>, vector<16xf32>,
        tpu.vector_store %arg14[%swap3A_207, %swap3A_208], %mul3A_206 {strides = array<i32>} : memref<128x128xf32, #tpu.memory_space<vmem>>, vector<16xf32>,
        %get3A_210 = arith.index_cast %add3A_179 : i32 to index
        %get3A_211 = arith.constant 64 : index
        %get3A_212 = tpu.vector_load %arg14[%get3A_210, %get3A_211] {strides = array<i32>} : memref<128x128xf32, #tpu.memory_space<vmem>>, vector<16xf32>,
        %mul3A_213 = arith.mulf %get3A_212, %gather3A_181 : vector<16xf32>
        %swap3A_214 = arith.index_cast %add3A_179 : i32 to index
        %swap3A_215 = arith.constant 64 : index
        %swap3A_216 = tpu.vector_load %arg14[%swap3A_214, %swap3A_215] {strides = array<i32>} : memref<128x128xf32, #tpu.memory_space<vmem>>, vector<16xf32>,
        tpu.vector_store %arg14[%swap3A_214, %swap3A_215], %mul3A_213 {strides = array<i32>} : memref<128x128xf32, #tpu.memory_space<vmem>>, vector<16xf32>,
        %get3A_217 = arith.index_cast %add3A_179 : i32 to index
        %get3A_218 = arith.constant 80 : index
        %get3A_219 = tpu.vector_load %arg14[%get3A_217, %get3A_218] {strides = array<i32>} : memref<128x128xf32, #tpu.memory_space<vmem>>, vector<16xf32>,
        %mul3A_220 = arith.mulf %get3A_219, %gather3A_181 : vector<16xf32>
        %swap3A_221 = arith.index_cast %add3A_179 : i32 to index
        %swap3A_222 = arith.constant 80 : index
        %swap3A_223 = tpu.vector_load %arg14[%swap3A_221, %swap3A_222] {strides = array<i32>} : memref<128x128xf32, #tpu.memory_space<vmem>>, vector<16xf32>,
        tpu.vector_store %arg14[%swap3A_221, %swap3A_222], %mul3A_220 {strides = array<i32>} : memref<128x128xf32, #tpu.memory_space<vmem>>, vector<16xf32>,
        %get3A_224 = arith.index_cast %add3A_179 : i32 to index
        %get3A_225 = arith.constant 96 : index
        %get3A_226 = tpu.vector_load %arg14[%get3A_224, %get3A_225] {strides = array<i32>} : memref<128x128xf32, #tpu.memory_space<vmem>>, vector<16xf32>,
        %mul3A_227 = arith.mulf %get3A_226, %gather3A_181 : vector<16xf32>
        %swap3A_228 = arith.index_cast %add3A_179 : i32 to index
        %swap3A_229 = arith.constant 96 : index
        %swap3A_230 = tpu.vector_load %arg14[%swap3A_228, %swap3A_229] {strides = array<i32>} : memref<128x128xf32, #tpu.memory_space<vmem>>, vector<16xf32>,
        tpu.vector_store %arg14[%swap3A_228, %swap3A_229], %mul3A_227 {strides = array<i32>} : memref<128x128xf32, #tpu.memory_space<vmem>>, vector<16xf32>,
        %get3A_231 = arith.index_cast %add3A_179 : i32 to index
        %get3A_232 = arith.constant 112 : index
        %get3A_233 = tpu.vector_load %arg14[%get3A_231, %get3A_232] {strides = array<i32>} : memref<128x128xf32, #tpu.memory_space<vmem>>, vector<16xf32>,
        %mul3A_234 = arith.mulf %get3A_233, %gather3A_181 : vector<16xf32>
        %swap3A_235 = arith.index_cast %add3A_179 : i32 to index
        %swap3A_236 = arith.constant 112 : index
        %swap3A_237 = tpu.vector_load %arg14[%swap3A_235, %swap3A_236] {strides = array<i32>} : memref<128x128xf32, #tpu.memory_space<vmem>>, vector<16xf32>,
        tpu.vector_store %arg14[%swap3A_235, %swap3A_236], %mul3A_234 {strides = array<i32>} : memref<128x128xf32, #tpu.memory_space<vmem>>, vector<16xf32>,
        %scan3A_238 = arith.constant 0 : i32
        scf.yield %scan3A_238 : i32
      }
      %scan3A_102 = arith.constant 64 : i32
      %add3A_103 = arith.constant 2 : i32
      %add3A_104 = arith.addi %add3A_92, %add3A_103 : i32
      %ge3A_105 = arith.constant 80 : i32
      %ge3A_106 = arith.cmpi sge, %add3A_104, %ge3A_105 : i32
      %not3A_107 = arith.constant true
      %not3A_108 = arith.xori %ge3A_106, %not3A_107 : i1
      %convert_element_type3A_109 = arith.extui %not3A_108 : i1 to i32
      %cond3A_110 = arith.constant 0 : i32
      %cond3A_111 = arith.cmpi ne, %convert_element_type3A_109, %cond3A_110 : i32
      scf.if %cond3A_111 {
        %dma_start3A_116 = arith.constant 0 : i32
        %dma_start3A_117 = tpu.memref_slice %arg15[%add3A_92, %dma_start3A_116] : memref<80x128xi32, #tpu.memory_space<vmem>> -> memref<1x128xi32, #tpu.memory_space<vmem>>
        %dma_start3A_118 = tpu.memref_squeeze %dma_start3A_117 : memref<1x128xi32, #tpu.memory_space<vmem>> -> memref<128xi32, #tpu.memory_space<vmem>>
        %dma_start3A_119 = arith.constant 0 : i32
        %dma_start3A_120 = arith.constant 0 : i32
        %dma_start3A_121 = tpu.memref_slice %arg12[%dma_start3A_119, %dma_start3A_120] : memref<10240x128xf32, #tpu.memory_space<vmem_shared>> -> memref<10240x128xf32, #tpu.memory_space<vmem_shared>>
        tpu.enqueue_indirect_dma source(%arg14 : memref<128x128xf32, #tpu.memory_space<vmem>>) target(%dma_start3A_121 : memref<10240x128xf32, #tpu.memory_space<vmem_shared>>) offsets(%dma_start3A_118 : memref<128xi32, #tpu.memory_space<vmem>>) semaphore(%arg24 : memref<!tpu.dma_semaphore, #tpu.memory_space<semaphore_mem>>) {add = true}
        %add3A_122 = arith.constant 2 : i32
        %add3A_123 = arith.addi %add3A_92, %add3A_122 : i32
        %mul3A_124 = arith.constant 80 : i32
        %mul3A_125 = arith.muli %add3A, %mul3A_124 : i32
        %add3A_126 = arith.addi %mul3A_125, %add3A_123 : i32
        "tpu.region"() ({
          %run_scoped3A = tpu.sem_alloc : memref<!tpu.dma_semaphore, #tpu.memory_space<semaphore_mem>>
          %dma_start3A_138 = arith.constant 0 : i32
          %dma_start3A_139 = tpu.memref_slice %arg5[%add3A_126, %dma_start3A_138] : memref<2560x128xi32, #tpu.memory_space<hbm>> -> memref<1x128xi32, #tpu.memory_space<hbm>>
          %dma_start3A_140 = tpu.memref_squeeze %dma_start3A_139 : memref<1x128xi32, #tpu.memory_space<hbm>> -> memref<128xi32, #tpu.memory_space<hbm>>
          %dma_start3A_141 = arith.constant 0 : i32
          %dma_start3A_142 = tpu.memref_slice %arg5[%add3A_126, %dma_start3A_141] : memref<2560x128xi32, #tpu.memory_space<hbm>> -> memref<1x128xi32, #tpu.memory_space<hbm>>
          %dma_start3A_143 = tpu.memref_squeeze %dma_start3A_142 : memref<1x128xi32, #tpu.memory_space<hbm>> -> memref<128xi32, #tpu.memory_space<hbm>>
          tpu.enqueue_dma source(%dma_start3A_143 : memref<128xi32, #tpu.memory_space<hbm>>) target(%arg18 : memref<128xi32, #tpu.memory_space<vmem>>) target_semaphore(%run_scoped3A : memref<!tpu.dma_semaphore, #tpu.memory_space<semaphore_mem>>)
          %dma_wait3A_144 = arith.constant 0 : i32
          %dma_wait3A_145 = tpu.memref_slice %arg5[%add3A_126, %dma_wait3A_144] : memref<2560x128xi32, #tpu.memory_space<hbm>> -> memref<1x128xi32, #tpu.memory_space<hbm>>
          %dma_wait3A_146 = tpu.memref_squeeze %dma_wait3A_145 : memref<1x128xi32, #tpu.memory_space<hbm>> -> memref<128xi32, #tpu.memory_space<hbm>>
          %dma_wait3A_147 = arith.constant 0 : i32
          %dma_wait3A_148 = tpu.memref_slice %arg5[%add3A_126, %dma_wait3A_147] : memref<2560x128xi32, #tpu.memory_space<hbm>> -> memref<1x128xi32, #tpu.memory_space<hbm>>
          %dma_wait3A_149 = tpu.memref_squeeze %dma_wait3A_148 : memref<1x128xi32, #tpu.memory_space<hbm>> -> memref<128xi32, #tpu.memory_space<hbm>>
          tpu.wait_dma2 semaphore(%run_scoped3A : memref<!tpu.dma_semaphore, #tpu.memory_space<semaphore_mem>>) src(%dma_wait3A_149 : memref<128xi32, #tpu.memory_space<hbm>>) dst(%arg18 : memref<128xi32, #tpu.memory_space<vmem>>)
          tpu.yield
        }) : () -> ()
        "tpu.region"() ({
          %run_scoped3A = tpu.sem_alloc : memref<!tpu.dma_semaphore, #tpu.memory_space<semaphore_mem>>
          %dma_start3A_138 = arith.constant 0 : i32
          %dma_start3A_139 = tpu.memref_slice %arg7[%add3A_126, %dma_start3A_138] : memref<2560x128xf32, #tpu.memory_space<hbm>> -> memref<1x128xf32, #tpu.memory_space<hbm>>
          %dma_start3A_140 = tpu.memref_squeeze %dma_start3A_139 : memref<1x128xf32, #tpu.memory_space<hbm>> -> memref<128xf32, #tpu.memory_space<hbm>>
          %dma_start3A_141 = arith.constant 0 : i32
          %dma_start3A_142 = tpu.memref_slice %arg7[%add3A_126, %dma_start3A_141] : memref<2560x128xf32, #tpu.memory_space<hbm>> -> memref<1x128xf32, #tpu.memory_space<hbm>>
          %dma_start3A_143 = tpu.memref_squeeze %dma_start3A_142 : memref<1x128xf32, #tpu.memory_space<hbm>> -> memref<128xf32, #tpu.memory_space<hbm>>
          tpu.enqueue_dma source(%dma_start3A_143 : memref<128xf32, #tpu.memory_space<hbm>>) target(%arg20 : memref<128xf32, #tpu.memory_space<vmem>>) target_semaphore(%run_scoped3A : memref<!tpu.dma_semaphore, #tpu.memory_space<semaphore_mem>>)
          %dma_wait3A_144 = arith.constant 0 : i32
          %dma_wait3A_145 = tpu.memref_slice %arg7[%add3A_126, %dma_wait3A_144] : memref<2560x128xf32, #tpu.memory_space<hbm>> -> memref<1x128xf32, #tpu.memory_space<hbm>>
          %dma_wait3A_146 = tpu.memref_squeeze %dma_wait3A_145 : memref<1x128xf32, #tpu.memory_space<hbm>> -> memref<128xf32, #tpu.memory_space<hbm>>
          %dma_wait3A_147 = arith.constant 0 : i32
          %dma_wait3A_148 = tpu.memref_slice %arg7[%add3A_126, %dma_wait3A_147] : memref<2560x128xf32, #tpu.memory_space<hbm>> -> memref<1x128xf32, #tpu.memory_space<hbm>>
          %dma_wait3A_149 = tpu.memref_squeeze %dma_wait3A_148 : memref<1x128xf32, #tpu.memory_space<hbm>> -> memref<128xf32, #tpu.memory_space<hbm>>
          tpu.wait_dma2 semaphore(%run_scoped3A : memref<!tpu.dma_semaphore, #tpu.memory_space<semaphore_mem>>) src(%dma_wait3A_149 : memref<128xf32, #tpu.memory_space<hbm>>) dst(%arg20 : memref<128xf32, #tpu.memory_space<vmem>>)
          tpu.yield
        }) : () -> ()
        %dma_wait3A_127 = arith.constant 0 : i32
        %dma_wait3A_128 = tpu.memref_slice %arg15[%add3A_123, %dma_wait3A_127] : memref<80x128xi32, #tpu.memory_space<vmem>> -> memref<1x128xi32, #tpu.memory_space<vmem>>
        %dma_wait3A_129 = tpu.memref_squeeze %dma_wait3A_128 : memref<1x128xi32, #tpu.memory_space<vmem>> -> memref<128xi32, #tpu.memory_space<vmem>>
        %dma_wait3A_130 = arith.constant 0 : i32
        %dma_wait3A_131 = arith.constant 0 : i32
        %dma_wait3A_132 = tpu.memref_slice %arg12[%dma_wait3A_130, %dma_wait3A_131] : memref<10240x128xf32, #tpu.memory_space<vmem_shared>> -> memref<10240x128xf32, #tpu.memory_space<vmem_shared>>
        tpu.wait_indirect_dma semaphore(%arg24 : memref<!tpu.dma_semaphore, #tpu.memory_space<semaphore_mem>>) src(%arg14 : memref<128x128xf32, #tpu.memory_space<vmem>>) dst(%dma_wait3A_132 : memref<10240x128xf32, #tpu.memory_space<vmem_shared>>)
        %mul3A_133 = arith.constant 128 : i32
        %mul3A_134 = arith.muli %add3A_126, %mul3A_133 : i32
        "tpu.region"() ({
          %run_scoped3A = tpu.sem_alloc : memref<!tpu.dma_semaphore, #tpu.memory_space<semaphore_mem>>
          %dma_start3A_138 = arith.constant 0 : i32
          %dma_start3A_139 = tpu.memref_slice %arg4[%mul3A_134, %dma_start3A_138] : memref<327680x128xf32, #tpu.memory_space<hbm>> -> memref<128x128xf32, #tpu.memory_space<hbm>>
          %dma_start3A_140 = arith.constant 0 : i32
          %dma_start3A_141 = tpu.memref_slice %arg4[%mul3A_134, %dma_start3A_140] : memref<327680x128xf32, #tpu.memory_space<hbm>> -> memref<128x128xf32, #tpu.memory_space<hbm>>
          tpu.enqueue_dma source(%dma_start3A_141 : memref<128x128xf32, #tpu.memory_space<hbm>>) target(%arg14 : memref<128x128xf32, #tpu.memory_space<vmem>>) target_semaphore(%run_scoped3A : memref<!tpu.dma_semaphore, #tpu.memory_space<semaphore_mem>>)
          %dma_wait3A_142 = arith.constant 0 : i32
          %dma_wait3A_143 = tpu.memref_slice %arg4[%mul3A_134, %dma_wait3A_142] : memref<327680x128xf32, #tpu.memory_space<hbm>> -> memref<128x128xf32, #tpu.memory_space<hbm>>
          %dma_wait3A_144 = arith.constant 0 : i32
          %dma_wait3A_145 = tpu.memref_slice %arg4[%mul3A_134, %dma_wait3A_144] : memref<327680x128xf32, #tpu.memory_space<hbm>> -> memref<128x128xf32, #tpu.memory_space<hbm>>
          tpu.wait_dma2 semaphore(%run_scoped3A : memref<!tpu.dma_semaphore, #tpu.memory_space<semaphore_mem>>) src(%dma_wait3A_145 : memref<128x128xf32, #tpu.memory_space<hbm>>) dst(%arg14 : memref<128x128xf32, #tpu.memory_space<vmem>>)
          tpu.yield
        }) : () -> ()
        %dma_start3A_135 = arith.constant 0 : i32
        %dma_start3A_136 = arith.constant 0 : i32
        %dma_start3A_137 = tpu.memref_slice %arg2[%dma_start3A_135, %dma_start3A_136] : memref<10000x128xf32, #tpu.memory_space<hbm>> -> memref<10000x128xf32, #tpu.memory_space<hbm>>
        tpu.enqueue_indirect_dma source(%dma_start3A_137 : memref<10000x128xf32, #tpu.memory_space<hbm>>) target(%arg14 : memref<128x128xf32, #tpu.memory_space<vmem>>) offsets(%arg18 : memref<128xi32, #tpu.memory_space<vmem>>) semaphore(%arg22 : memref<!tpu.dma_semaphore, #tpu.memory_space<semaphore_mem>>) {add = true}
      } else {
      }
      %convert_element_type3A_112 = arith.extui %ge3A_106 : i1 to i32
      %cond3A_113 = arith.constant 0 : i32
      %cond3A_114 = arith.cmpi ne, %convert_element_type3A_112, %cond3A_113 : i32
      scf.if %cond3A_114 {
        "tpu.region"() ({
          %run_scoped3A = tpu.sem_alloc : memref<!tpu.dma_semaphore, #tpu.memory_space<semaphore_mem>>
          %dma_start3A_116 = arith.constant 0 : i32
          %dma_start3A_117 = tpu.memref_slice %arg15[%add3A_92, %dma_start3A_116] : memref<80x128xi32, #tpu.memory_space<vmem>> -> memref<1x128xi32, #tpu.memory_space<vmem>>
          %dma_start3A_118 = tpu.memref_squeeze %dma_start3A_117 : memref<1x128xi32, #tpu.memory_space<vmem>> -> memref<128xi32, #tpu.memory_space<vmem>>
          %dma_start3A_119 = arith.constant 0 : i32
          %dma_start3A_120 = arith.constant 0 : i32
          %dma_start3A_121 = tpu.memref_slice %arg12[%dma_start3A_119, %dma_start3A_120] : memref<10240x128xf32, #tpu.memory_space<vmem_shared>> -> memref<10240x128xf32, #tpu.memory_space<vmem_shared>>
          tpu.enqueue_indirect_dma source(%arg14 : memref<128x128xf32, #tpu.memory_space<vmem>>) target(%dma_start3A_121 : memref<10240x128xf32, #tpu.memory_space<vmem_shared>>) offsets(%dma_start3A_118 : memref<128xi32, #tpu.memory_space<vmem>>) semaphore(%run_scoped3A : memref<!tpu.dma_semaphore, #tpu.memory_space<semaphore_mem>>) {add = true}
          %dma_wait3A_122 = arith.constant 0 : i32
          %dma_wait3A_123 = tpu.memref_slice %arg15[%add3A_92, %dma_wait3A_122] : memref<80x128xi32, #tpu.memory_space<vmem>> -> memref<1x128xi32, #tpu.memory_space<vmem>>
          %dma_wait3A_124 = tpu.memref_squeeze %dma_wait3A_123 : memref<1x128xi32, #tpu.memory_space<vmem>> -> memref<128xi32, #tpu.memory_space<vmem>>
          %dma_wait3A_125 = arith.constant 0 : i32
          %dma_wait3A_126 = arith.constant 0 : i32
          %dma_wait3A_127 = tpu.memref_slice %arg12[%dma_wait3A_125, %dma_wait3A_126] : memref<10240x128xf32, #tpu.memory_space<vmem_shared>> -> memref<10240x128xf32, #tpu.memory_space<vmem_shared>>
          tpu.wait_indirect_dma semaphore(%run_scoped3A : memref<!tpu.dma_semaphore, #tpu.memory_space<semaphore_mem>>) src(%arg14 : memref<128x128xf32, #tpu.memory_space<vmem>>) dst(%dma_wait3A_127 : memref<10240x128xf32, #tpu.memory_space<vmem_shared>>)
          tpu.yield
        }) : () -> ()
      } else {
      }
      %scan3A_115 = arith.constant 0 : i32
      scf.yield %scan3A_115 : i32
    }
    %scan3A_41 = arith.constant 40 : i32
    %mul3A_42 = arith.constant 40 : i32
    %mul3A_43 = arith.muli %add3A, %mul3A_42 : i32
    %add3A_44 = arith.constant 0 : i32
    %add3A_45 = arith.addi %mul3A_43, %add3A_44 : i32
    "tpu.region"() ({
      %run_scoped3A = tpu.sem_alloc : memref<!tpu.dma_semaphore, #tpu.memory_space<semaphore_mem>>
      %dma_start3A_66 = arith.constant 0 : i32
      %dma_start3A_67 = tpu.memref_slice %arg8[%add3A_45, %dma_start3A_66] : memref<1280x128xi32, #tpu.memory_space<hbm>> -> memref<1x128xi32, #tpu.memory_space<hbm>>
      %dma_start3A_68 = tpu.memref_squeeze %dma_start3A_67 : memref<1x128xi32, #tpu.memory_space<hbm>> -> memref<128xi32, #tpu.memory_space<hbm>>
      %dma_start3A_69 = arith.constant 0 : i32
      %dma_start3A_70 = tpu.memref_slice %arg8[%add3A_45, %dma_start3A_69] : memref<1280x128xi32, #tpu.memory_space<hbm>> -> memref<1x128xi32, #tpu.memory_space<hbm>>
      %dma_start3A_71 = tpu.memref_squeeze %dma_start3A_70 : memref<1x128xi32, #tpu.memory_space<hbm>> -> memref<128xi32, #tpu.memory_space<hbm>>
      tpu.enqueue_dma source(%dma_start3A_71 : memref<128xi32, #tpu.memory_space<hbm>>) target(%arg17 : memref<128xi32, #tpu.memory_space<vmem>>) target_semaphore(%run_scoped3A : memref<!tpu.dma_semaphore, #tpu.memory_space<semaphore_mem>>)
      %dma_wait3A = arith.constant 0 : i32
      %dma_wait3A_72 = tpu.memref_slice %arg8[%add3A_45, %dma_wait3A] : memref<1280x128xi32, #tpu.memory_space<hbm>> -> memref<1x128xi32, #tpu.memory_space<hbm>>
      %dma_wait3A_73 = tpu.memref_squeeze %dma_wait3A_72 : memref<1x128xi32, #tpu.memory_space<hbm>> -> memref<128xi32, #tpu.memory_space<hbm>>
      %dma_wait3A_74 = arith.constant 0 : i32
      %dma_wait3A_75 = tpu.memref_slice %arg8[%add3A_45, %dma_wait3A_74] : memref<1280x128xi32, #tpu.memory_space<hbm>> -> memref<1x128xi32, #tpu.memory_space<hbm>>
      %dma_wait3A_76 = tpu.memref_squeeze %dma_wait3A_75 : memref<1x128xi32, #tpu.memory_space<hbm>> -> memref<128xi32, #tpu.memory_space<hbm>>
      tpu.wait_dma2 semaphore(%run_scoped3A : memref<!tpu.dma_semaphore, #tpu.memory_space<semaphore_mem>>) src(%dma_wait3A_76 : memref<128xi32, #tpu.memory_space<hbm>>) dst(%arg17 : memref<128xi32, #tpu.memory_space<vmem>>)
      tpu.yield
    }) : () -> ()
    "tpu.region"() ({
      %run_scoped3A = tpu.sem_alloc : memref<!tpu.dma_semaphore, #tpu.memory_space<semaphore_mem>>
      %dma_start3A_66 = arith.constant 0 : i32
      %dma_start3A_67 = tpu.memref_slice %arg10[%add3A_45, %dma_start3A_66] : memref<1280x128xf32, #tpu.memory_space<hbm>> -> memref<1x128xf32, #tpu.memory_space<hbm>>
      %dma_start3A_68 = tpu.memref_squeeze %dma_start3A_67 : memref<1x128xf32, #tpu.memory_space<hbm>> -> memref<128xf32, #tpu.memory_space<hbm>>
      %dma_start3A_69 = arith.constant 0 : i32
      %dma_start3A_70 = tpu.memref_slice %arg10[%add3A_45, %dma_start3A_69] : memref<1280x128xf32, #tpu.memory_space<hbm>> -> memref<1x128xf32, #tpu.memory_space<hbm>>
      %dma_start3A_71 = tpu.memref_squeeze %dma_start3A_70 : memref<1x128xf32, #tpu.memory_space<hbm>> -> memref<128xf32, #tpu.memory_space<hbm>>
      tpu.enqueue_dma source(%dma_start3A_71 : memref<128xf32, #tpu.memory_space<hbm>>) target(%arg19 : memref<128xf32, #tpu.memory_space<vmem>>) target_semaphore(%run_scoped3A : memref<!tpu.dma_semaphore, #tpu.memory_space<semaphore_mem>>)
      %dma_wait3A = arith.constant 0 : i32
      %dma_wait3A_72 = tpu.memref_slice %arg10[%add3A_45, %dma_wait3A] : memref<1280x128xf32, #tpu.memory_space<hbm>> -> memref<1x128xf32, #tpu.memory_space<hbm>>
      %dma_wait3A_73 = tpu.memref_squeeze %dma_wait3A_72 : memref<1x128xf32, #tpu.memory_space<hbm>> -> memref<128xf32, #tpu.memory_space<hbm>>
      %dma_wait3A_74 = arith.constant 0 : i32
      %dma_wait3A_75 = tpu.memref_slice %arg10[%add3A_45, %dma_wait3A_74] : memref<1280x128xf32, #tpu.memory_space<hbm>> -> memref<1x128xf32, #tpu.memory_space<hbm>>
      %dma_wait3A_76 = tpu.memref_squeeze %dma_wait3A_75 : memref<1x128xf32, #tpu.memory_space<hbm>> -> memref<128xf32, #tpu.memory_space<hbm>>
      tpu.wait_dma2 semaphore(%run_scoped3A : memref<!tpu.dma_semaphore, #tpu.memory_space<semaphore_mem>>) src(%dma_wait3A_76 : memref<128xf32, #tpu.memory_space<hbm>>) dst(%arg19 : memref<128xf32, #tpu.memory_space<vmem>>)
      tpu.yield
    }) : () -> ()
    %dma_start3A_46 = arith.constant 0 : i32
    %dma_start3A_47 = arith.constant 0 : i32
    %dma_start3A_48 = tpu.memref_slice %arg3[%dma_start3A_46, %dma_start3A_47] : memref<10000x128xf32, #tpu.memory_space<hbm>> -> memref<10000x128xf32, #tpu.memory_space<hbm>>
    tpu.enqueue_indirect_dma source(%dma_start3A_48 : memref<10000x128xf32, #tpu.memory_space<hbm>>) target(%arg13 : memref<128x128xf32, #tpu.memory_space<vmem>>) offsets(%arg17 : memref<128xi32, #tpu.memory_space<vmem>>) semaphore(%arg21 : memref<!tpu.dma_semaphore, #tpu.memory_space<semaphore_mem>>)
    %mul3A_49 = arith.constant 40 : i32
    %mul3A_50 = arith.muli %add3A, %mul3A_49 : i32
    %add3A_51 = arith.constant 1 : i32
    %add3A_52 = arith.addi %mul3A_50, %add3A_51 : i32
    "tpu.region"() ({
      %run_scoped3A = tpu.sem_alloc : memref<!tpu.dma_semaphore, #tpu.memory_space<semaphore_mem>>
      %dma_start3A_66 = arith.constant 0 : i32
      %dma_start3A_67 = tpu.memref_slice %arg8[%add3A_52, %dma_start3A_66] : memref<1280x128xi32, #tpu.memory_space<hbm>> -> memref<1x128xi32, #tpu.memory_space<hbm>>
      %dma_start3A_68 = tpu.memref_squeeze %dma_start3A_67 : memref<1x128xi32, #tpu.memory_space<hbm>> -> memref<128xi32, #tpu.memory_space<hbm>>
      %dma_start3A_69 = arith.constant 0 : i32
      %dma_start3A_70 = tpu.memref_slice %arg8[%add3A_52, %dma_start3A_69] : memref<1280x128xi32, #tpu.memory_space<hbm>> -> memref<1x128xi32, #tpu.memory_space<hbm>>
      %dma_start3A_71 = tpu.memref_squeeze %dma_start3A_70 : memref<1x128xi32, #tpu.memory_space<hbm>> -> memref<128xi32, #tpu.memory_space<hbm>>
      tpu.enqueue_dma source(%dma_start3A_71 : memref<128xi32, #tpu.memory_space<hbm>>) target(%arg18 : memref<128xi32, #tpu.memory_space<vmem>>) target_semaphore(%run_scoped3A : memref<!tpu.dma_semaphore, #tpu.memory_space<semaphore_mem>>)
      %dma_wait3A = arith.constant 0 : i32
      %dma_wait3A_72 = tpu.memref_slice %arg8[%add3A_52, %dma_wait3A] : memref<1280x128xi32, #tpu.memory_space<hbm>> -> memref<1x128xi32, #tpu.memory_space<hbm>>
      %dma_wait3A_73 = tpu.memref_squeeze %dma_wait3A_72 : memref<1x128xi32, #tpu.memory_space<hbm>> -> memref<128xi32, #tpu.memory_space<hbm>>
      %dma_wait3A_74 = arith.constant 0 : i32
      %dma_wait3A_75 = tpu.memref_slice %arg8[%add3A_52, %dma_wait3A_74] : memref<1280x128xi32, #tpu.memory_space<hbm>> -> memref<1x128xi32, #tpu.memory_space<hbm>>
      %dma_wait3A_76 = tpu.memref_squeeze %dma_wait3A_75 : memref<1x128xi32, #tpu.memory_space<hbm>> -> memref<128xi32, #tpu.memory_space<hbm>>
      tpu.wait_dma2 semaphore(%run_scoped3A : memref<!tpu.dma_semaphore, #tpu.memory_space<semaphore_mem>>) src(%dma_wait3A_76 : memref<128xi32, #tpu.memory_space<hbm>>) dst(%arg18 : memref<128xi32, #tpu.memory_space<vmem>>)
      tpu.yield
    }) : () -> ()
    "tpu.region"() ({
      %run_scoped3A = tpu.sem_alloc : memref<!tpu.dma_semaphore, #tpu.memory_space<semaphore_mem>>
      %dma_start3A_66 = arith.constant 0 : i32
      %dma_start3A_67 = tpu.memref_slice %arg10[%add3A_52, %dma_start3A_66] : memref<1280x128xf32, #tpu.memory_space<hbm>> -> memref<1x128xf32, #tpu.memory_space<hbm>>
      %dma_start3A_68 = tpu.memref_squeeze %dma_start3A_67 : memref<1x128xf32, #tpu.memory_space<hbm>> -> memref<128xf32, #tpu.memory_space<hbm>>
      %dma_start3A_69 = arith.constant 0 : i32
      %dma_start3A_70 = tpu.memref_slice %arg10[%add3A_52, %dma_start3A_69] : memref<1280x128xf32, #tpu.memory_space<hbm>> -> memref<1x128xf32, #tpu.memory_space<hbm>>
      %dma_start3A_71 = tpu.memref_squeeze %dma_start3A_70 : memref<1x128xf32, #tpu.memory_space<hbm>> -> memref<128xf32, #tpu.memory_space<hbm>>
      tpu.enqueue_dma source(%dma_start3A_71 : memref<128xf32, #tpu.memory_space<hbm>>) target(%arg20 : memref<128xf32, #tpu.memory_space<vmem>>) target_semaphore(%run_scoped3A : memref<!tpu.dma_semaphore, #tpu.memory_space<semaphore_mem>>)
      %dma_wait3A = arith.constant 0 : i32
      %dma_wait3A_72 = tpu.memref_slice %arg10[%add3A_52, %dma_wait3A] : memref<1280x128xf32, #tpu.memory_space<hbm>> -> memref<1x128xf32, #tpu.memory_space<hbm>>
      %dma_wait3A_73 = tpu.memref_squeeze %dma_wait3A_72 : memref<1x128xf32, #tpu.memory_space<hbm>> -> memref<128xf32, #tpu.memory_space<hbm>>
      %dma_wait3A_74 = arith.constant 0 : i32
      %dma_wait3A_75 = tpu.memref_slice %arg10[%add3A_52, %dma_wait3A_74] : memref<1280x128xf32, #tpu.memory_space<hbm>> -> memref<1x128xf32, #tpu.memory_space<hbm>>
      %dma_wait3A_76 = tpu.memref_squeeze %dma_wait3A_75 : memref<1x128xf32, #tpu.memory_space<hbm>> -> memref<128xf32, #tpu.memory_space<hbm>>
      tpu.wait_dma2 semaphore(%run_scoped3A : memref<!tpu.dma_semaphore, #tpu.memory_space<semaphore_mem>>) src(%dma_wait3A_76 : memref<128xf32, #tpu.memory_space<hbm>>) dst(%arg20 : memref<128xf32, #tpu.memory_space<vmem>>)
      tpu.yield
    }) : () -> ()
    %dma_start3A_53 = arith.constant 0 : i32
    %dma_start3A_54 = arith.constant 0 : i32
    %dma_start3A_55 = tpu.memref_slice %arg3[%dma_start3A_53, %dma_start3A_54] : memref<10000x128xf32, #tpu.memory_space<hbm>> -> memref<10000x128xf32, #tpu.memory_space<hbm>>
    tpu.enqueue_indirect_dma source(%dma_start3A_55 : memref<10000x128xf32, #tpu.memory_space<hbm>>) target(%arg14 : memref<128x128xf32, #tpu.memory_space<vmem>>) offsets(%arg18 : memref<128xi32, #tpu.memory_space<vmem>>) semaphore(%arg22 : memref<!tpu.dma_semaphore, #tpu.memory_space<semaphore_mem>>)
    %scan3A_56 = arith.constant 0 : i32
    %scan3A_57 = arith.constant 0 : i32
    %scan3A_58 = arith.constant 20 : i32
    %scan3A_59 = arith.addi %scan3A_57, %scan3A_58 : i32
    %scan3A_60 = arith.constant 1 : i32
    %scan3A_61 = scf.for %scan3A_66 = %scan3A_57 to %scan3A_59 step %scan3A_60 iter_args(%scan3A_67 = %scan3A_56) -> (i32)  : i32 {
      %mul3A_68 = arith.constant 2 : i32
      %mul3A_69 = arith.muli %mul3A_68, %scan3A_66 : i32
      %add3A_70 = arith.constant 0 : i32
      %add3A_71 = arith.addi %mul3A_69, %add3A_70 : i32
      %dma_wait3A = arith.constant 0 : i32
      %dma_wait3A_72 = arith.constant 0 : i32
      %dma_wait3A_73 = tpu.memref_slice %arg3[%dma_wait3A, %dma_wait3A_72] : memref<10000x128xf32, #tpu.memory_space<hbm>> -> memref<10000x128xf32, #tpu.memory_space<hbm>>
      tpu.wait_indirect_dma semaphore(%arg21 : memref<!tpu.dma_semaphore, #tpu.memory_space<semaphore_mem>>) src(%dma_wait3A_73 : memref<10000x128xf32, #tpu.memory_space<hbm>>) dst(%arg13 : memref<128x128xf32, #tpu.memory_space<vmem>>)
      %scan3A_74 = arith.constant 0 : i32
      %scan3A_75 = arith.constant 0 : i32
      %scan3A_76 = arith.constant 64 : i32
      %scan3A_77 = arith.addi %scan3A_75, %scan3A_76 : i32
      %scan3A_78 = arith.constant 1 : i32
      %scan3A_79 = scf.for %scan3A_116 = %scan3A_75 to %scan3A_77 step %scan3A_78 iter_args(%scan3A_117 = %scan3A_74) -> (i32)  : i32 {
        %mul3A_118 = arith.constant 2 : i32
        %mul3A_119 = arith.muli %mul3A_118, %scan3A_116 : i32
        %add3A_120 = arith.constant 0 : i32
        %add3A_121 = arith.addi %mul3A_119, %add3A_120 : i32
        %broadcast_in_dim3A = vector.broadcast %add3A_121 : i32 to vector<16xi32>
        %gather3A = tpu.vector_load_idx %arg19[%broadcast_in_dim3A] : memref<128xf32, #tpu.memory_space<vmem>>[vector<16xi32>], vector<16xf32>,
        %get3A = arith.index_cast %add3A_121 : i32 to index
        %get3A_122 = arith.constant 0 : index
        %get3A_123 = tpu.vector_load %arg13[%get3A, %get3A_122] {strides = array<i32>} : memref<128x128xf32, #tpu.memory_space<vmem>>, vector<16xf32>,
        %mul3A_124 = arith.mulf %get3A_123, %gather3A : vector<16xf32>
        %swap3A = arith.index_cast %add3A_121 : i32 to index
        %swap3A_125 = arith.constant 0 : index
        %swap3A_126 = tpu.vector_load %arg13[%swap3A, %swap3A_125] {strides = array<i32>} : memref<128x128xf32, #tpu.memory_space<vmem>>, vector<16xf32>,
        tpu.vector_store %arg13[%swap3A, %swap3A_125], %mul3A_124 {strides = array<i32>} : memref<128x128xf32, #tpu.memory_space<vmem>>, vector<16xf32>,
        %get3A_127 = arith.index_cast %add3A_121 : i32 to index
        %get3A_128 = arith.constant 16 : index
        %get3A_129 = tpu.vector_load %arg13[%get3A_127, %get3A_128] {strides = array<i32>} : memref<128x128xf32, #tpu.memory_space<vmem>>, vector<16xf32>,
        %mul3A_130 = arith.mulf %get3A_129, %gather3A : vector<16xf32>
        %swap3A_131 = arith.index_cast %add3A_121 : i32 to index
        %swap3A_132 = arith.constant 16 : index
        %swap3A_133 = tpu.vector_load %arg13[%swap3A_131, %swap3A_132] {strides = array<i32>} : memref<128x128xf32, #tpu.memory_space<vmem>>, vector<16xf32>,
        tpu.vector_store %arg13[%swap3A_131, %swap3A_132], %mul3A_130 {strides = array<i32>} : memref<128x128xf32, #tpu.memory_space<vmem>>, vector<16xf32>,
        %get3A_134 = arith.index_cast %add3A_121 : i32 to index
        %get3A_135 = arith.constant 32 : index
        %get3A_136 = tpu.vector_load %arg13[%get3A_134, %get3A_135] {strides = array<i32>} : memref<128x128xf32, #tpu.memory_space<vmem>>, vector<16xf32>,
        %mul3A_137 = arith.mulf %get3A_136, %gather3A : vector<16xf32>
        %swap3A_138 = arith.index_cast %add3A_121 : i32 to index
        %swap3A_139 = arith.constant 32 : index
        %swap3A_140 = tpu.vector_load %arg13[%swap3A_138, %swap3A_139] {strides = array<i32>} : memref<128x128xf32, #tpu.memory_space<vmem>>, vector<16xf32>,
        tpu.vector_store %arg13[%swap3A_138, %swap3A_139], %mul3A_137 {strides = array<i32>} : memref<128x128xf32, #tpu.memory_space<vmem>>, vector<16xf32>,
        %get3A_141 = arith.index_cast %add3A_121 : i32 to index
        %get3A_142 = arith.constant 48 : index
        %get3A_143 = tpu.vector_load %arg13[%get3A_141, %get3A_142] {strides = array<i32>} : memref<128x128xf32, #tpu.memory_space<vmem>>, vector<16xf32>,
        %mul3A_144 = arith.mulf %get3A_143, %gather3A : vector<16xf32>
        %swap3A_145 = arith.index_cast %add3A_121 : i32 to index
        %swap3A_146 = arith.constant 48 : index
        %swap3A_147 = tpu.vector_load %arg13[%swap3A_145, %swap3A_146] {strides = array<i32>} : memref<128x128xf32, #tpu.memory_space<vmem>>, vector<16xf32>,
        tpu.vector_store %arg13[%swap3A_145, %swap3A_146], %mul3A_144 {strides = array<i32>} : memref<128x128xf32, #tpu.memory_space<vmem>>, vector<16xf32>,
        %get3A_148 = arith.index_cast %add3A_121 : i32 to index
        %get3A_149 = arith.constant 64 : index
        %get3A_150 = tpu.vector_load %arg13[%get3A_148, %get3A_149] {strides = array<i32>} : memref<128x128xf32, #tpu.memory_space<vmem>>, vector<16xf32>,
        %mul3A_151 = arith.mulf %get3A_150, %gather3A : vector<16xf32>
        %swap3A_152 = arith.index_cast %add3A_121 : i32 to index
        %swap3A_153 = arith.constant 64 : index
        %swap3A_154 = tpu.vector_load %arg13[%swap3A_152, %swap3A_153] {strides = array<i32>} : memref<128x128xf32, #tpu.memory_space<vmem>>, vector<16xf32>,
        tpu.vector_store %arg13[%swap3A_152, %swap3A_153], %mul3A_151 {strides = array<i32>} : memref<128x128xf32, #tpu.memory_space<vmem>>, vector<16xf32>,
        %get3A_155 = arith.index_cast %add3A_121 : i32 to index
        %get3A_156 = arith.constant 80 : index
        %get3A_157 = tpu.vector_load %arg13[%get3A_155, %get3A_156] {strides = array<i32>} : memref<128x128xf32, #tpu.memory_space<vmem>>, vector<16xf32>,
        %mul3A_158 = arith.mulf %get3A_157, %gather3A : vector<16xf32>
        %swap3A_159 = arith.index_cast %add3A_121 : i32 to index
        %swap3A_160 = arith.constant 80 : index
        %swap3A_161 = tpu.vector_load %arg13[%swap3A_159, %swap3A_160] {strides = array<i32>} : memref<128x128xf32, #tpu.memory_space<vmem>>, vector<16xf32>,
        tpu.vector_store %arg13[%swap3A_159, %swap3A_160], %mul3A_158 {strides = array<i32>} : memref<128x128xf32, #tpu.memory_space<vmem>>, vector<16xf32>,
        %get3A_162 = arith.index_cast %add3A_121 : i32 to index
        %get3A_163 = arith.constant 96 : index
        %get3A_164 = tpu.vector_load %arg13[%get3A_162, %get3A_163] {strides = array<i32>} : memref<128x128xf32, #tpu.memory_space<vmem>>, vector<16xf32>,
        %mul3A_165 = arith.mulf %get3A_164, %gather3A : vector<16xf32>
        %swap3A_166 = arith.index_cast %add3A_121 : i32 to index
        %swap3A_167 = arith.constant 96 : index
        %swap3A_168 = tpu.vector_load %arg13[%swap3A_166, %swap3A_167] {strides = array<i32>} : memref<128x128xf32, #tpu.memory_space<vmem>>, vector<16xf32>,
        tpu.vector_store %arg13[%swap3A_166, %swap3A_167], %mul3A_165 {strides = array<i32>} : memref<128x128xf32, #tpu.memory_space<vmem>>, vector<16xf32>,
        %get3A_169 = arith.index_cast %add3A_121 : i32 to index
        %get3A_170 = arith.constant 112 : index
        %get3A_171 = tpu.vector_load %arg13[%get3A_169, %get3A_170] {strides = array<i32>} : memref<128x128xf32, #tpu.memory_space<vmem>>, vector<16xf32>,
        %mul3A_172 = arith.mulf %get3A_171, %gather3A : vector<16xf32>
        %swap3A_173 = arith.index_cast %add3A_121 : i32 to index
        %swap3A_174 = arith.constant 112 : index
        %swap3A_175 = tpu.vector_load %arg13[%swap3A_173, %swap3A_174] {strides = array<i32>} : memref<128x128xf32, #tpu.memory_space<vmem>>, vector<16xf32>,
        tpu.vector_store %arg13[%swap3A_173, %swap3A_174], %mul3A_172 {strides = array<i32>} : memref<128x128xf32, #tpu.memory_space<vmem>>, vector<16xf32>,
        %mul3A_176 = arith.constant 2 : i32
        %mul3A_177 = arith.muli %mul3A_176, %scan3A_116 : i32
        %add3A_178 = arith.constant 1 : i32
        %add3A_179 = arith.addi %mul3A_177, %add3A_178 : i32
        %broadcast_in_dim3A_180 = vector.broadcast %add3A_179 : i32 to vector<16xi32>
        %gather3A_181 = tpu.vector_load_idx %arg19[%broadcast_in_dim3A_180] : memref<128xf32, #tpu.memory_space<vmem>>[vector<16xi32>], vector<16xf32>,
        %get3A_182 = arith.index_cast %add3A_179 : i32 to index
        %get3A_183 = arith.constant 0 : index
        %get3A_184 = tpu.vector_load %arg13[%get3A_182, %get3A_183] {strides = array<i32>} : memref<128x128xf32, #tpu.memory_space<vmem>>, vector<16xf32>,
        %mul3A_185 = arith.mulf %get3A_184, %gather3A_181 : vector<16xf32>
        %swap3A_186 = arith.index_cast %add3A_179 : i32 to index
        %swap3A_187 = arith.constant 0 : index
        %swap3A_188 = tpu.vector_load %arg13[%swap3A_186, %swap3A_187] {strides = array<i32>} : memref<128x128xf32, #tpu.memory_space<vmem>>, vector<16xf32>,
        tpu.vector_store %arg13[%swap3A_186, %swap3A_187], %mul3A_185 {strides = array<i32>} : memref<128x128xf32, #tpu.memory_space<vmem>>, vector<16xf32>,
        %get3A_189 = arith.index_cast %add3A_179 : i32 to index
        %get3A_190 = arith.constant 16 : index
        %get3A_191 = tpu.vector_load %arg13[%get3A_189, %get3A_190] {strides = array<i32>} : memref<128x128xf32, #tpu.memory_space<vmem>>, vector<16xf32>,
        %mul3A_192 = arith.mulf %get3A_191, %gather3A_181 : vector<16xf32>
        %swap3A_193 = arith.index_cast %add3A_179 : i32 to index
        %swap3A_194 = arith.constant 16 : index
        %swap3A_195 = tpu.vector_load %arg13[%swap3A_193, %swap3A_194] {strides = array<i32>} : memref<128x128xf32, #tpu.memory_space<vmem>>, vector<16xf32>,
        tpu.vector_store %arg13[%swap3A_193, %swap3A_194], %mul3A_192 {strides = array<i32>} : memref<128x128xf32, #tpu.memory_space<vmem>>, vector<16xf32>,
        %get3A_196 = arith.index_cast %add3A_179 : i32 to index
        %get3A_197 = arith.constant 32 : index
        %get3A_198 = tpu.vector_load %arg13[%get3A_196, %get3A_197] {strides = array<i32>} : memref<128x128xf32, #tpu.memory_space<vmem>>, vector<16xf32>,
        %mul3A_199 = arith.mulf %get3A_198, %gather3A_181 : vector<16xf32>
        %swap3A_200 = arith.index_cast %add3A_179 : i32 to index
        %swap3A_201 = arith.constant 32 : index
        %swap3A_202 = tpu.vector_load %arg13[%swap3A_200, %swap3A_201] {strides = array<i32>} : memref<128x128xf32, #tpu.memory_space<vmem>>, vector<16xf32>,
        tpu.vector_store %arg13[%swap3A_200, %swap3A_201], %mul3A_199 {strides = array<i32>} : memref<128x128xf32, #tpu.memory_space<vmem>>, vector<16xf32>,
        %get3A_203 = arith.index_cast %add3A_179 : i32 to index
        %get3A_204 = arith.constant 48 : index
        %get3A_205 = tpu.vector_load %arg13[%get3A_203, %get3A_204] {strides = array<i32>} : memref<128x128xf32, #tpu.memory_space<vmem>>, vector<16xf32>,
        %mul3A_206 = arith.mulf %get3A_205, %gather3A_181 : vector<16xf32>
        %swap3A_207 = arith.index_cast %add3A_179 : i32 to index
        %swap3A_208 = arith.constant 48 : index
        %swap3A_209 = tpu.vector_load %arg13[%swap3A_207, %swap3A_208] {strides = array<i32>} : memref<128x128xf32, #tpu.memory_space<vmem>>, vector<16xf32>,
        tpu.vector_store %arg13[%swap3A_207, %swap3A_208], %mul3A_206 {strides = array<i32>} : memref<128x128xf32, #tpu.memory_space<vmem>>, vector<16xf32>,
        %get3A_210 = arith.index_cast %add3A_179 : i32 to index
        %get3A_211 = arith.constant 64 : index
        %get3A_212 = tpu.vector_load %arg13[%get3A_210, %get3A_211] {strides = array<i32>} : memref<128x128xf32, #tpu.memory_space<vmem>>, vector<16xf32>,
        %mul3A_213 = arith.mulf %get3A_212, %gather3A_181 : vector<16xf32>
        %swap3A_214 = arith.index_cast %add3A_179 : i32 to index
        %swap3A_215 = arith.constant 64 : index
        %swap3A_216 = tpu.vector_load %arg13[%swap3A_214, %swap3A_215] {strides = array<i32>} : memref<128x128xf32, #tpu.memory_space<vmem>>, vector<16xf32>,
        tpu.vector_store %arg13[%swap3A_214, %swap3A_215], %mul3A_213 {strides = array<i32>} : memref<128x128xf32, #tpu.memory_space<vmem>>, vector<16xf32>,
        %get3A_217 = arith.index_cast %add3A_179 : i32 to index
        %get3A_218 = arith.constant 80 : index
        %get3A_219 = tpu.vector_load %arg13[%get3A_217, %get3A_218] {strides = array<i32>} : memref<128x128xf32, #tpu.memory_space<vmem>>, vector<16xf32>,
        %mul3A_220 = arith.mulf %get3A_219, %gather3A_181 : vector<16xf32>
        %swap3A_221 = arith.index_cast %add3A_179 : i32 to index
        %swap3A_222 = arith.constant 80 : index
        %swap3A_223 = tpu.vector_load %arg13[%swap3A_221, %swap3A_222] {strides = array<i32>} : memref<128x128xf32, #tpu.memory_space<vmem>>, vector<16xf32>,
        tpu.vector_store %arg13[%swap3A_221, %swap3A_222], %mul3A_220 {strides = array<i32>} : memref<128x128xf32, #tpu.memory_space<vmem>>, vector<16xf32>,
        %get3A_224 = arith.index_cast %add3A_179 : i32 to index
        %get3A_225 = arith.constant 96 : index
        %get3A_226 = tpu.vector_load %arg13[%get3A_224, %get3A_225] {strides = array<i32>} : memref<128x128xf32, #tpu.memory_space<vmem>>, vector<16xf32>,
        %mul3A_227 = arith.mulf %get3A_226, %gather3A_181 : vector<16xf32>
        %swap3A_228 = arith.index_cast %add3A_179 : i32 to index
        %swap3A_229 = arith.constant 96 : index
        %swap3A_230 = tpu.vector_load %arg13[%swap3A_228, %swap3A_229] {strides = array<i32>} : memref<128x128xf32, #tpu.memory_space<vmem>>, vector<16xf32>,
        tpu.vector_store %arg13[%swap3A_228, %swap3A_229], %mul3A_227 {strides = array<i32>} : memref<128x128xf32, #tpu.memory_space<vmem>>, vector<16xf32>,
        %get3A_231 = arith.index_cast %add3A_179 : i32 to index
        %get3A_232 = arith.constant 112 : index
        %get3A_233 = tpu.vector_load %arg13[%get3A_231, %get3A_232] {strides = array<i32>} : memref<128x128xf32, #tpu.memory_space<vmem>>, vector<16xf32>,
        %mul3A_234 = arith.mulf %get3A_233, %gather3A_181 : vector<16xf32>
        %swap3A_235 = arith.index_cast %add3A_179 : i32 to index
        %swap3A_236 = arith.constant 112 : index
        %swap3A_237 = tpu.vector_load %arg13[%swap3A_235, %swap3A_236] {strides = array<i32>} : memref<128x128xf32, #tpu.memory_space<vmem>>, vector<16xf32>,
        tpu.vector_store %arg13[%swap3A_235, %swap3A_236], %mul3A_234 {strides = array<i32>} : memref<128x128xf32, #tpu.memory_space<vmem>>, vector<16xf32>,
        %scan3A_238 = arith.constant 0 : i32
        scf.yield %scan3A_238 : i32
      }
      %scan3A_80 = arith.constant 64 : i32
      %add3A_81 = arith.constant 2 : i32
      %add3A_82 = arith.addi %add3A_71, %add3A_81 : i32
      %ge3A = arith.constant 40 : i32
      %ge3A_83 = arith.cmpi sge, %add3A_82, %ge3A : i32
      %not3A = arith.constant true
      %not3A_84 = arith.xori %ge3A_83, %not3A : i1
      %convert_element_type3A = arith.extui %not3A_84 : i1 to i32
      %cond3A = arith.constant 0 : i32
      %cond3A_85 = arith.cmpi ne, %convert_element_type3A, %cond3A : i32
      scf.if %cond3A_85 {
        %dma_start3A_116 = arith.constant 0 : i32
        %dma_start3A_117 = tpu.memref_slice %arg16[%add3A_71, %dma_start3A_116] : memref<40x128xi32, #tpu.memory_space<vmem>> -> memref<1x128xi32, #tpu.memory_space<vmem>>
        %dma_start3A_118 = tpu.memref_squeeze %dma_start3A_117 : memref<1x128xi32, #tpu.memory_space<vmem>> -> memref<128xi32, #tpu.memory_space<vmem>>
        %dma_start3A_119 = arith.constant 0 : i32
        %dma_start3A_120 = arith.constant 0 : i32
        %dma_start3A_121 = tpu.memref_slice %arg12[%dma_start3A_119, %dma_start3A_120] : memref<10240x128xf32, #tpu.memory_space<vmem_shared>> -> memref<10240x128xf32, #tpu.memory_space<vmem_shared>>
        tpu.enqueue_indirect_dma source(%arg13 : memref<128x128xf32, #tpu.memory_space<vmem>>) target(%dma_start3A_121 : memref<10240x128xf32, #tpu.memory_space<vmem_shared>>) offsets(%dma_start3A_118 : memref<128xi32, #tpu.memory_space<vmem>>) semaphore(%arg23 : memref<!tpu.dma_semaphore, #tpu.memory_space<semaphore_mem>>) {add = true}
        %add3A_122 = arith.constant 2 : i32
        %add3A_123 = arith.addi %add3A_71, %add3A_122 : i32
        %mul3A_124 = arith.constant 40 : i32
        %mul3A_125 = arith.muli %add3A, %mul3A_124 : i32
        %add3A_126 = arith.addi %mul3A_125, %add3A_123 : i32
        "tpu.region"() ({
          %run_scoped3A = tpu.sem_alloc : memref<!tpu.dma_semaphore, #tpu.memory_space<semaphore_mem>>
          %dma_start3A_136 = arith.constant 0 : i32
          %dma_start3A_137 = tpu.memref_slice %arg8[%add3A_126, %dma_start3A_136] : memref<1280x128xi32, #tpu.memory_space<hbm>> -> memref<1x128xi32, #tpu.memory_space<hbm>>
          %dma_start3A_138 = tpu.memref_squeeze %dma_start3A_137 : memref<1x128xi32, #tpu.memory_space<hbm>> -> memref<128xi32, #tpu.memory_space<hbm>>
          %dma_start3A_139 = arith.constant 0 : i32
          %dma_start3A_140 = tpu.memref_slice %arg8[%add3A_126, %dma_start3A_139] : memref<1280x128xi32, #tpu.memory_space<hbm>> -> memref<1x128xi32, #tpu.memory_space<hbm>>
          %dma_start3A_141 = tpu.memref_squeeze %dma_start3A_140 : memref<1x128xi32, #tpu.memory_space<hbm>> -> memref<128xi32, #tpu.memory_space<hbm>>
          tpu.enqueue_dma source(%dma_start3A_141 : memref<128xi32, #tpu.memory_space<hbm>>) target(%arg17 : memref<128xi32, #tpu.memory_space<vmem>>) target_semaphore(%run_scoped3A : memref<!tpu.dma_semaphore, #tpu.memory_space<semaphore_mem>>)
          %dma_wait3A_142 = arith.constant 0 : i32
          %dma_wait3A_143 = tpu.memref_slice %arg8[%add3A_126, %dma_wait3A_142] : memref<1280x128xi32, #tpu.memory_space<hbm>> -> memref<1x128xi32, #tpu.memory_space<hbm>>
          %dma_wait3A_144 = tpu.memref_squeeze %dma_wait3A_143 : memref<1x128xi32, #tpu.memory_space<hbm>> -> memref<128xi32, #tpu.memory_space<hbm>>
          %dma_wait3A_145 = arith.constant 0 : i32
          %dma_wait3A_146 = tpu.memref_slice %arg8[%add3A_126, %dma_wait3A_145] : memref<1280x128xi32, #tpu.memory_space<hbm>> -> memref<1x128xi32, #tpu.memory_space<hbm>>
          %dma_wait3A_147 = tpu.memref_squeeze %dma_wait3A_146 : memref<1x128xi32, #tpu.memory_space<hbm>> -> memref<128xi32, #tpu.memory_space<hbm>>
          tpu.wait_dma2 semaphore(%run_scoped3A : memref<!tpu.dma_semaphore, #tpu.memory_space<semaphore_mem>>) src(%dma_wait3A_147 : memref<128xi32, #tpu.memory_space<hbm>>) dst(%arg17 : memref<128xi32, #tpu.memory_space<vmem>>)
          tpu.yield
        }) : () -> ()
        "tpu.region"() ({
          %run_scoped3A = tpu.sem_alloc : memref<!tpu.dma_semaphore, #tpu.memory_space<semaphore_mem>>
          %dma_start3A_136 = arith.constant 0 : i32
          %dma_start3A_137 = tpu.memref_slice %arg10[%add3A_126, %dma_start3A_136] : memref<1280x128xf32, #tpu.memory_space<hbm>> -> memref<1x128xf32, #tpu.memory_space<hbm>>
          %dma_start3A_138 = tpu.memref_squeeze %dma_start3A_137 : memref<1x128xf32, #tpu.memory_space<hbm>> -> memref<128xf32, #tpu.memory_space<hbm>>
          %dma_start3A_139 = arith.constant 0 : i32
          %dma_start3A_140 = tpu.memref_slice %arg10[%add3A_126, %dma_start3A_139] : memref<1280x128xf32, #tpu.memory_space<hbm>> -> memref<1x128xf32, #tpu.memory_space<hbm>>
          %dma_start3A_141 = tpu.memref_squeeze %dma_start3A_140 : memref<1x128xf32, #tpu.memory_space<hbm>> -> memref<128xf32, #tpu.memory_space<hbm>>
          tpu.enqueue_dma source(%dma_start3A_141 : memref<128xf32, #tpu.memory_space<hbm>>) target(%arg19 : memref<128xf32, #tpu.memory_space<vmem>>) target_semaphore(%run_scoped3A : memref<!tpu.dma_semaphore, #tpu.memory_space<semaphore_mem>>)
          %dma_wait3A_142 = arith.constant 0 : i32
          %dma_wait3A_143 = tpu.memref_slice %arg10[%add3A_126, %dma_wait3A_142] : memref<1280x128xf32, #tpu.memory_space<hbm>> -> memref<1x128xf32, #tpu.memory_space<hbm>>
          %dma_wait3A_144 = tpu.memref_squeeze %dma_wait3A_143 : memref<1x128xf32, #tpu.memory_space<hbm>> -> memref<128xf32, #tpu.memory_space<hbm>>
          %dma_wait3A_145 = arith.constant 0 : i32
          %dma_wait3A_146 = tpu.memref_slice %arg10[%add3A_126, %dma_wait3A_145] : memref<1280x128xf32, #tpu.memory_space<hbm>> -> memref<1x128xf32, #tpu.memory_space<hbm>>
          %dma_wait3A_147 = tpu.memref_squeeze %dma_wait3A_146 : memref<1x128xf32, #tpu.memory_space<hbm>> -> memref<128xf32, #tpu.memory_space<hbm>>
          tpu.wait_dma2 semaphore(%run_scoped3A : memref<!tpu.dma_semaphore, #tpu.memory_space<semaphore_mem>>) src(%dma_wait3A_147 : memref<128xf32, #tpu.memory_space<hbm>>) dst(%arg19 : memref<128xf32, #tpu.memory_space<vmem>>)
          tpu.yield
        }) : () -> ()
        %dma_wait3A_127 = arith.constant 0 : i32
        %dma_wait3A_128 = tpu.memref_slice %arg16[%add3A_123, %dma_wait3A_127] : memref<40x128xi32, #tpu.memory_space<vmem>> -> memref<1x128xi32, #tpu.memory_space<vmem>>
        %dma_wait3A_129 = tpu.memref_squeeze %dma_wait3A_128 : memref<1x128xi32, #tpu.memory_space<vmem>> -> memref<128xi32, #tpu.memory_space<vmem>>
        %dma_wait3A_130 = arith.constant 0 : i32
        %dma_wait3A_131 = arith.constant 0 : i32
        %dma_wait3A_132 = tpu.memref_slice %arg12[%dma_wait3A_130, %dma_wait3A_131] : memref<10240x128xf32, #tpu.memory_space<vmem_shared>> -> memref<10240x128xf32, #tpu.memory_space<vmem_shared>>
        tpu.wait_indirect_dma semaphore(%arg23 : memref<!tpu.dma_semaphore, #tpu.memory_space<semaphore_mem>>) src(%arg13 : memref<128x128xf32, #tpu.memory_space<vmem>>) dst(%dma_wait3A_132 : memref<10240x128xf32, #tpu.memory_space<vmem_shared>>)
        %dma_start3A_133 = arith.constant 0 : i32
        %dma_start3A_134 = arith.constant 0 : i32
        %dma_start3A_135 = tpu.memref_slice %arg3[%dma_start3A_133, %dma_start3A_134] : memref<10000x128xf32, #tpu.memory_space<hbm>> -> memref<10000x128xf32, #tpu.memory_space<hbm>>
        tpu.enqueue_indirect_dma source(%dma_start3A_135 : memref<10000x128xf32, #tpu.memory_space<hbm>>) target(%arg13 : memref<128x128xf32, #tpu.memory_space<vmem>>) offsets(%arg17 : memref<128xi32, #tpu.memory_space<vmem>>) semaphore(%arg21 : memref<!tpu.dma_semaphore, #tpu.memory_space<semaphore_mem>>)
      } else {
      }
      %convert_element_type3A_86 = arith.extui %ge3A_83 : i1 to i32
      %cond3A_87 = arith.constant 0 : i32
      %cond3A_88 = arith.cmpi ne, %convert_element_type3A_86, %cond3A_87 : i32
      scf.if %cond3A_88 {
        "tpu.region"() ({
          %run_scoped3A = tpu.sem_alloc : memref<!tpu.dma_semaphore, #tpu.memory_space<semaphore_mem>>
          %dma_start3A_116 = arith.constant 0 : i32
          %dma_start3A_117 = tpu.memref_slice %arg16[%add3A_71, %dma_start3A_116] : memref<40x128xi32, #tpu.memory_space<vmem>> -> memref<1x128xi32, #tpu.memory_space<vmem>>
          %dma_start3A_118 = tpu.memref_squeeze %dma_start3A_117 : memref<1x128xi32, #tpu.memory_space<vmem>> -> memref<128xi32, #tpu.memory_space<vmem>>
          %dma_start3A_119 = arith.constant 0 : i32
          %dma_start3A_120 = arith.constant 0 : i32
          %dma_start3A_121 = tpu.memref_slice %arg12[%dma_start3A_119, %dma_start3A_120] : memref<10240x128xf32, #tpu.memory_space<vmem_shared>> -> memref<10240x128xf32, #tpu.memory_space<vmem_shared>>
          tpu.enqueue_indirect_dma source(%arg13 : memref<128x128xf32, #tpu.memory_space<vmem>>) target(%dma_start3A_121 : memref<10240x128xf32, #tpu.memory_space<vmem_shared>>) offsets(%dma_start3A_118 : memref<128xi32, #tpu.memory_space<vmem>>) semaphore(%run_scoped3A : memref<!tpu.dma_semaphore, #tpu.memory_space<semaphore_mem>>) {add = true}
          %dma_wait3A_122 = arith.constant 0 : i32
          %dma_wait3A_123 = tpu.memref_slice %arg16[%add3A_71, %dma_wait3A_122] : memref<40x128xi32, #tpu.memory_space<vmem>> -> memref<1x128xi32, #tpu.memory_space<vmem>>
          %dma_wait3A_124 = tpu.memref_squeeze %dma_wait3A_123 : memref<1x128xi32, #tpu.memory_space<vmem>> -> memref<128xi32, #tpu.memory_space<vmem>>
          %dma_wait3A_125 = arith.constant 0 : i32
          %dma_wait3A_126 = arith.constant 0 : i32
          %dma_wait3A_127 = tpu.memref_slice %arg12[%dma_wait3A_125, %dma_wait3A_126] : memref<10240x128xf32, #tpu.memory_space<vmem_shared>> -> memref<10240x128xf32, #tpu.memory_space<vmem_shared>>
          tpu.wait_indirect_dma semaphore(%run_scoped3A : memref<!tpu.dma_semaphore, #tpu.memory_space<semaphore_mem>>) src(%arg13 : memref<128x128xf32, #tpu.memory_space<vmem>>) dst(%dma_wait3A_127 : memref<10240x128xf32, #tpu.memory_space<vmem_shared>>)
          tpu.yield
        }) : () -> ()
      } else {
      }
      %mul3A_89 = arith.constant 2 : i32
      %mul3A_90 = arith.muli %mul3A_89, %scan3A_66 : i32
      %add3A_91 = arith.constant 1 : i32
      %add3A_92 = arith.addi %mul3A_90, %add3A_91 : i32
      %dma_wait3A_93 = arith.constant 0 : i32
      %dma_wait3A_94 = arith.constant 0 : i32
      %dma_wait3A_95 = tpu.memref_slice %arg3[%dma_wait3A_93, %dma_wait3A_94] : memref<10000x128xf32, #tpu.memory_space<hbm>> -> memref<10000x128xf32, #tpu.memory_space<hbm>>
      tpu.wait_indirect_dma semaphore(%arg22 : memref<!tpu.dma_semaphore, #tpu.memory_space<semaphore_mem>>) src(%dma_wait3A_95 : memref<10000x128xf32, #tpu.memory_space<hbm>>) dst(%arg14 : memref<128x128xf32, #tpu.memory_space<vmem>>)
      %scan3A_96 = arith.constant 0 : i32
      %scan3A_97 = arith.constant 0 : i32
      %scan3A_98 = arith.constant 64 : i32
      %scan3A_99 = arith.addi %scan3A_97, %scan3A_98 : i32
      %scan3A_100 = arith.constant 1 : i32
      %scan3A_101 = scf.for %scan3A_116 = %scan3A_97 to %scan3A_99 step %scan3A_100 iter_args(%scan3A_117 = %scan3A_96) -> (i32)  : i32 {
        %mul3A_118 = arith.constant 2 : i32
        %mul3A_119 = arith.muli %mul3A_118, %scan3A_116 : i32
        %add3A_120 = arith.constant 0 : i32
        %add3A_121 = arith.addi %mul3A_119, %add3A_120 : i32
        %broadcast_in_dim3A = vector.broadcast %add3A_121 : i32 to vector<16xi32>
        %gather3A = tpu.vector_load_idx %arg20[%broadcast_in_dim3A] : memref<128xf32, #tpu.memory_space<vmem>>[vector<16xi32>], vector<16xf32>,
        %get3A = arith.index_cast %add3A_121 : i32 to index
        %get3A_122 = arith.constant 0 : index
        %get3A_123 = tpu.vector_load %arg14[%get3A, %get3A_122] {strides = array<i32>} : memref<128x128xf32, #tpu.memory_space<vmem>>, vector<16xf32>,
        %mul3A_124 = arith.mulf %get3A_123, %gather3A : vector<16xf32>
        %swap3A = arith.index_cast %add3A_121 : i32 to index
        %swap3A_125 = arith.constant 0 : index
        %swap3A_126 = tpu.vector_load %arg14[%swap3A, %swap3A_125] {strides = array<i32>} : memref<128x128xf32, #tpu.memory_space<vmem>>, vector<16xf32>,
        tpu.vector_store %arg14[%swap3A, %swap3A_125], %mul3A_124 {strides = array<i32>} : memref<128x128xf32, #tpu.memory_space<vmem>>, vector<16xf32>,
        %get3A_127 = arith.index_cast %add3A_121 : i32 to index
        %get3A_128 = arith.constant 16 : index
        %get3A_129 = tpu.vector_load %arg14[%get3A_127, %get3A_128] {strides = array<i32>} : memref<128x128xf32, #tpu.memory_space<vmem>>, vector<16xf32>,
        %mul3A_130 = arith.mulf %get3A_129, %gather3A : vector<16xf32>
        %swap3A_131 = arith.index_cast %add3A_121 : i32 to index
        %swap3A_132 = arith.constant 16 : index
        %swap3A_133 = tpu.vector_load %arg14[%swap3A_131, %swap3A_132] {strides = array<i32>} : memref<128x128xf32, #tpu.memory_space<vmem>>, vector<16xf32>,
        tpu.vector_store %arg14[%swap3A_131, %swap3A_132], %mul3A_130 {strides = array<i32>} : memref<128x128xf32, #tpu.memory_space<vmem>>, vector<16xf32>,
        %get3A_134 = arith.index_cast %add3A_121 : i32 to index
        %get3A_135 = arith.constant 32 : index
        %get3A_136 = tpu.vector_load %arg14[%get3A_134, %get3A_135] {strides = array<i32>} : memref<128x128xf32, #tpu.memory_space<vmem>>, vector<16xf32>,
        %mul3A_137 = arith.mulf %get3A_136, %gather3A : vector<16xf32>
        %swap3A_138 = arith.index_cast %add3A_121 : i32 to index
        %swap3A_139 = arith.constant 32 : index
        %swap3A_140 = tpu.vector_load %arg14[%swap3A_138, %swap3A_139] {strides = array<i32>} : memref<128x128xf32, #tpu.memory_space<vmem>>, vector<16xf32>,
        tpu.vector_store %arg14[%swap3A_138, %swap3A_139], %mul3A_137 {strides = array<i32>} : memref<128x128xf32, #tpu.memory_space<vmem>>, vector<16xf32>,
        %get3A_141 = arith.index_cast %add3A_121 : i32 to index
        %get3A_142 = arith.constant 48 : index
        %get3A_143 = tpu.vector_load %arg14[%get3A_141, %get3A_142] {strides = array<i32>} : memref<128x128xf32, #tpu.memory_space<vmem>>, vector<16xf32>,
        %mul3A_144 = arith.mulf %get3A_143, %gather3A : vector<16xf32>
        %swap3A_145 = arith.index_cast %add3A_121 : i32 to index
        %swap3A_146 = arith.constant 48 : index
        %swap3A_147 = tpu.vector_load %arg14[%swap3A_145, %swap3A_146] {strides = array<i32>} : memref<128x128xf32, #tpu.memory_space<vmem>>, vector<16xf32>,
        tpu.vector_store %arg14[%swap3A_145, %swap3A_146], %mul3A_144 {strides = array<i32>} : memref<128x128xf32, #tpu.memory_space<vmem>>, vector<16xf32>,
        %get3A_148 = arith.index_cast %add3A_121 : i32 to index
        %get3A_149 = arith.constant 64 : index
        %get3A_150 = tpu.vector_load %arg14[%get3A_148, %get3A_149] {strides = array<i32>} : memref<128x128xf32, #tpu.memory_space<vmem>>, vector<16xf32>,
        %mul3A_151 = arith.mulf %get3A_150, %gather3A : vector<16xf32>
        %swap3A_152 = arith.index_cast %add3A_121 : i32 to index
        %swap3A_153 = arith.constant 64 : index
        %swap3A_154 = tpu.vector_load %arg14[%swap3A_152, %swap3A_153] {strides = array<i32>} : memref<128x128xf32, #tpu.memory_space<vmem>>, vector<16xf32>,
        tpu.vector_store %arg14[%swap3A_152, %swap3A_153], %mul3A_151 {strides = array<i32>} : memref<128x128xf32, #tpu.memory_space<vmem>>, vector<16xf32>,
        %get3A_155 = arith.index_cast %add3A_121 : i32 to index
        %get3A_156 = arith.constant 80 : index
        %get3A_157 = tpu.vector_load %arg14[%get3A_155, %get3A_156] {strides = array<i32>} : memref<128x128xf32, #tpu.memory_space<vmem>>, vector<16xf32>,
        %mul3A_158 = arith.mulf %get3A_157, %gather3A : vector<16xf32>
        %swap3A_159 = arith.index_cast %add3A_121 : i32 to index
        %swap3A_160 = arith.constant 80 : index
        %swap3A_161 = tpu.vector_load %arg14[%swap3A_159, %swap3A_160] {strides = array<i32>} : memref<128x128xf32, #tpu.memory_space<vmem>>, vector<16xf32>,
        tpu.vector_store %arg14[%swap3A_159, %swap3A_160], %mul3A_158 {strides = array<i32>} : memref<128x128xf32, #tpu.memory_space<vmem>>, vector<16xf32>,
        %get3A_162 = arith.index_cast %add3A_121 : i32 to index
        %get3A_163 = arith.constant 96 : index
        %get3A_164 = tpu.vector_load %arg14[%get3A_162, %get3A_163] {strides = array<i32>} : memref<128x128xf32, #tpu.memory_space<vmem>>, vector<16xf32>,
        %mul3A_165 = arith.mulf %get3A_164, %gather3A : vector<16xf32>
        %swap3A_166 = arith.index_cast %add3A_121 : i32 to index
        %swap3A_167 = arith.constant 96 : index
        %swap3A_168 = tpu.vector_load %arg14[%swap3A_166, %swap3A_167] {strides = array<i32>} : memref<128x128xf32, #tpu.memory_space<vmem>>, vector<16xf32>,
        tpu.vector_store %arg14[%swap3A_166, %swap3A_167], %mul3A_165 {strides = array<i32>} : memref<128x128xf32, #tpu.memory_space<vmem>>, vector<16xf32>,
        %get3A_169 = arith.index_cast %add3A_121 : i32 to index
        %get3A_170 = arith.constant 112 : index
        %get3A_171 = tpu.vector_load %arg14[%get3A_169, %get3A_170] {strides = array<i32>} : memref<128x128xf32, #tpu.memory_space<vmem>>, vector<16xf32>,
        %mul3A_172 = arith.mulf %get3A_171, %gather3A : vector<16xf32>
        %swap3A_173 = arith.index_cast %add3A_121 : i32 to index
        %swap3A_174 = arith.constant 112 : index
        %swap3A_175 = tpu.vector_load %arg14[%swap3A_173, %swap3A_174] {strides = array<i32>} : memref<128x128xf32, #tpu.memory_space<vmem>>, vector<16xf32>,
        tpu.vector_store %arg14[%swap3A_173, %swap3A_174], %mul3A_172 {strides = array<i32>} : memref<128x128xf32, #tpu.memory_space<vmem>>, vector<16xf32>,
        %mul3A_176 = arith.constant 2 : i32
        %mul3A_177 = arith.muli %mul3A_176, %scan3A_116 : i32
        %add3A_178 = arith.constant 1 : i32
        %add3A_179 = arith.addi %mul3A_177, %add3A_178 : i32
        %broadcast_in_dim3A_180 = vector.broadcast %add3A_179 : i32 to vector<16xi32>
        %gather3A_181 = tpu.vector_load_idx %arg20[%broadcast_in_dim3A_180] : memref<128xf32, #tpu.memory_space<vmem>>[vector<16xi32>], vector<16xf32>,
        %get3A_182 = arith.index_cast %add3A_179 : i32 to index
        %get3A_183 = arith.constant 0 : index
        %get3A_184 = tpu.vector_load %arg14[%get3A_182, %get3A_183] {strides = array<i32>} : memref<128x128xf32, #tpu.memory_space<vmem>>, vector<16xf32>,
        %mul3A_185 = arith.mulf %get3A_184, %gather3A_181 : vector<16xf32>
        %swap3A_186 = arith.index_cast %add3A_179 : i32 to index
        %swap3A_187 = arith.constant 0 : index
        %swap3A_188 = tpu.vector_load %arg14[%swap3A_186, %swap3A_187] {strides = array<i32>} : memref<128x128xf32, #tpu.memory_space<vmem>>, vector<16xf32>,
        tpu.vector_store %arg14[%swap3A_186, %swap3A_187], %mul3A_185 {strides = array<i32>} : memref<128x128xf32, #tpu.memory_space<vmem>>, vector<16xf32>,
        %get3A_189 = arith.index_cast %add3A_179 : i32 to index
        %get3A_190 = arith.constant 16 : index
        %get3A_191 = tpu.vector_load %arg14[%get3A_189, %get3A_190] {strides = array<i32>} : memref<128x128xf32, #tpu.memory_space<vmem>>, vector<16xf32>,
        %mul3A_192 = arith.mulf %get3A_191, %gather3A_181 : vector<16xf32>
        %swap3A_193 = arith.index_cast %add3A_179 : i32 to index
        %swap3A_194 = arith.constant 16 : index
        %swap3A_195 = tpu.vector_load %arg14[%swap3A_193, %swap3A_194] {strides = array<i32>} : memref<128x128xf32, #tpu.memory_space<vmem>>, vector<16xf32>,
        tpu.vector_store %arg14[%swap3A_193, %swap3A_194], %mul3A_192 {strides = array<i32>} : memref<128x128xf32, #tpu.memory_space<vmem>>, vector<16xf32>,
        %get3A_196 = arith.index_cast %add3A_179 : i32 to index
        %get3A_197 = arith.constant 32 : index
        %get3A_198 = tpu.vector_load %arg14[%get3A_196, %get3A_197] {strides = array<i32>} : memref<128x128xf32, #tpu.memory_space<vmem>>, vector<16xf32>,
        %mul3A_199 = arith.mulf %get3A_198, %gather3A_181 : vector<16xf32>
        %swap3A_200 = arith.index_cast %add3A_179 : i32 to index
        %swap3A_201 = arith.constant 32 : index
        %swap3A_202 = tpu.vector_load %arg14[%swap3A_200, %swap3A_201] {strides = array<i32>} : memref<128x128xf32, #tpu.memory_space<vmem>>, vector<16xf32>,
        tpu.vector_store %arg14[%swap3A_200, %swap3A_201], %mul3A_199 {strides = array<i32>} : memref<128x128xf32, #tpu.memory_space<vmem>>, vector<16xf32>,
        %get3A_203 = arith.index_cast %add3A_179 : i32 to index
        %get3A_204 = arith.constant 48 : index
        %get3A_205 = tpu.vector_load %arg14[%get3A_203, %get3A_204] {strides = array<i32>} : memref<128x128xf32, #tpu.memory_space<vmem>>, vector<16xf32>,
        %mul3A_206 = arith.mulf %get3A_205, %gather3A_181 : vector<16xf32>
        %swap3A_207 = arith.index_cast %add3A_179 : i32 to index
        %swap3A_208 = arith.constant 48 : index
        %swap3A_209 = tpu.vector_load %arg14[%swap3A_207, %swap3A_208] {strides = array<i32>} : memref<128x128xf32, #tpu.memory_space<vmem>>, vector<16xf32>,
        tpu.vector_store %arg14[%swap3A_207, %swap3A_208], %mul3A_206 {strides = array<i32>} : memref<128x128xf32, #tpu.memory_space<vmem>>, vector<16xf32>,
        %get3A_210 = arith.index_cast %add3A_179 : i32 to index
        %get3A_211 = arith.constant 64 : index
        %get3A_212 = tpu.vector_load %arg14[%get3A_210, %get3A_211] {strides = array<i32>} : memref<128x128xf32, #tpu.memory_space<vmem>>, vector<16xf32>,
        %mul3A_213 = arith.mulf %get3A_212, %gather3A_181 : vector<16xf32>
        %swap3A_214 = arith.index_cast %add3A_179 : i32 to index
        %swap3A_215 = arith.constant 64 : index
        %swap3A_216 = tpu.vector_load %arg14[%swap3A_214, %swap3A_215] {strides = array<i32>} : memref<128x128xf32, #tpu.memory_space<vmem>>, vector<16xf32>,
        tpu.vector_store %arg14[%swap3A_214, %swap3A_215], %mul3A_213 {strides = array<i32>} : memref<128x128xf32, #tpu.memory_space<vmem>>, vector<16xf32>,
        %get3A_217 = arith.index_cast %add3A_179 : i32 to index
        %get3A_218 = arith.constant 80 : index
        %get3A_219 = tpu.vector_load %arg14[%get3A_217, %get3A_218] {strides = array<i32>} : memref<128x128xf32, #tpu.memory_space<vmem>>, vector<16xf32>,
        %mul3A_220 = arith.mulf %get3A_219, %gather3A_181 : vector<16xf32>
        %swap3A_221 = arith.index_cast %add3A_179 : i32 to index
        %swap3A_222 = arith.constant 80 : index
        %swap3A_223 = tpu.vector_load %arg14[%swap3A_221, %swap3A_222] {strides = array<i32>} : memref<128x128xf32, #tpu.memory_space<vmem>>, vector<16xf32>,
        tpu.vector_store %arg14[%swap3A_221, %swap3A_222], %mul3A_220 {strides = array<i32>} : memref<128x128xf32, #tpu.memory_space<vmem>>, vector<16xf32>,
        %get3A_224 = arith.index_cast %add3A_179 : i32 to index
        %get3A_225 = arith.constant 96 : index
        %get3A_226 = tpu.vector_load %arg14[%get3A_224, %get3A_225] {strides = array<i32>} : memref<128x128xf32, #tpu.memory_space<vmem>>, vector<16xf32>,
        %mul3A_227 = arith.mulf %get3A_226, %gather3A_181 : vector<16xf32>
        %swap3A_228 = arith.index_cast %add3A_179 : i32 to index
        %swap3A_229 = arith.constant 96 : index
        %swap3A_230 = tpu.vector_load %arg14[%swap3A_228, %swap3A_229] {strides = array<i32>} : memref<128x128xf32, #tpu.memory_space<vmem>>, vector<16xf32>,
        tpu.vector_store %arg14[%swap3A_228, %swap3A_229], %mul3A_227 {strides = array<i32>} : memref<128x128xf32, #tpu.memory_space<vmem>>, vector<16xf32>,
        %get3A_231 = arith.index_cast %add3A_179 : i32 to index
        %get3A_232 = arith.constant 112 : index
        %get3A_233 = tpu.vector_load %arg14[%get3A_231, %get3A_232] {strides = array<i32>} : memref<128x128xf32, #tpu.memory_space<vmem>>, vector<16xf32>,
        %mul3A_234 = arith.mulf %get3A_233, %gather3A_181 : vector<16xf32>
        %swap3A_235 = arith.index_cast %add3A_179 : i32 to index
        %swap3A_236 = arith.constant 112 : index
        %swap3A_237 = tpu.vector_load %arg14[%swap3A_235, %swap3A_236] {strides = array<i32>} : memref<128x128xf32, #tpu.memory_space<vmem>>, vector<16xf32>,
        tpu.vector_store %arg14[%swap3A_235, %swap3A_236], %mul3A_234 {strides = array<i32>} : memref<128x128xf32, #tpu.memory_space<vmem>>, vector<16xf32>,
        %scan3A_238 = arith.constant 0 : i32
        scf.yield %scan3A_238 : i32
      }
      %scan3A_102 = arith.constant 64 : i32
      %add3A_103 = arith.constant 2 : i32
      %add3A_104 = arith.addi %add3A_92, %add3A_103 : i32
      %ge3A_105 = arith.constant 40 : i32
      %ge3A_106 = arith.cmpi sge, %add3A_104, %ge3A_105 : i32
      %not3A_107 = arith.constant true
      %not3A_108 = arith.xori %ge3A_106, %not3A_107 : i1
      %convert_element_type3A_109 = arith.extui %not3A_108 : i1 to i32
      %cond3A_110 = arith.constant 0 : i32
      %cond3A_111 = arith.cmpi ne, %convert_element_type3A_109, %cond3A_110 : i32
      scf.if %cond3A_111 {
        %dma_start3A_116 = arith.constant 0 : i32
        %dma_start3A_117 = tpu.memref_slice %arg16[%add3A_92, %dma_start3A_116] : memref<40x128xi32, #tpu.memory_space<vmem>> -> memref<1x128xi32, #tpu.memory_space<vmem>>
        %dma_start3A_118 = tpu.memref_squeeze %dma_start3A_117 : memref<1x128xi32, #tpu.memory_space<vmem>> -> memref<128xi32, #tpu.memory_space<vmem>>
        %dma_start3A_119 = arith.constant 0 : i32
        %dma_start3A_120 = arith.constant 0 : i32
        %dma_start3A_121 = tpu.memref_slice %arg12[%dma_start3A_119, %dma_start3A_120] : memref<10240x128xf32, #tpu.memory_space<vmem_shared>> -> memref<10240x128xf32, #tpu.memory_space<vmem_shared>>
        tpu.enqueue_indirect_dma source(%arg14 : memref<128x128xf32, #tpu.memory_space<vmem>>) target(%dma_start3A_121 : memref<10240x128xf32, #tpu.memory_space<vmem_shared>>) offsets(%dma_start3A_118 : memref<128xi32, #tpu.memory_space<vmem>>) semaphore(%arg24 : memref<!tpu.dma_semaphore, #tpu.memory_space<semaphore_mem>>) {add = true}
        %add3A_122 = arith.constant 2 : i32
        %add3A_123 = arith.addi %add3A_92, %add3A_122 : i32
        %mul3A_124 = arith.constant 40 : i32
        %mul3A_125 = arith.muli %add3A, %mul3A_124 : i32
        %add3A_126 = arith.addi %mul3A_125, %add3A_123 : i32
        "tpu.region"() ({
          %run_scoped3A = tpu.sem_alloc : memref<!tpu.dma_semaphore, #tpu.memory_space<semaphore_mem>>
          %dma_start3A_136 = arith.constant 0 : i32
          %dma_start3A_137 = tpu.memref_slice %arg8[%add3A_126, %dma_start3A_136] : memref<1280x128xi32, #tpu.memory_space<hbm>> -> memref<1x128xi32, #tpu.memory_space<hbm>>
          %dma_start3A_138 = tpu.memref_squeeze %dma_start3A_137 : memref<1x128xi32, #tpu.memory_space<hbm>> -> memref<128xi32, #tpu.memory_space<hbm>>
          %dma_start3A_139 = arith.constant 0 : i32
          %dma_start3A_140 = tpu.memref_slice %arg8[%add3A_126, %dma_start3A_139] : memref<1280x128xi32, #tpu.memory_space<hbm>> -> memref<1x128xi32, #tpu.memory_space<hbm>>
          %dma_start3A_141 = tpu.memref_squeeze %dma_start3A_140 : memref<1x128xi32, #tpu.memory_space<hbm>> -> memref<128xi32, #tpu.memory_space<hbm>>
          tpu.enqueue_dma source(%dma_start3A_141 : memref<128xi32, #tpu.memory_space<hbm>>) target(%arg18 : memref<128xi32, #tpu.memory_space<vmem>>) target_semaphore(%run_scoped3A : memref<!tpu.dma_semaphore, #tpu.memory_space<semaphore_mem>>)
          %dma_wait3A_142 = arith.constant 0 : i32
          %dma_wait3A_143 = tpu.memref_slice %arg8[%add3A_126, %dma_wait3A_142] : memref<1280x128xi32, #tpu.memory_space<hbm>> -> memref<1x128xi32, #tpu.memory_space<hbm>>
          %dma_wait3A_144 = tpu.memref_squeeze %dma_wait3A_143 : memref<1x128xi32, #tpu.memory_space<hbm>> -> memref<128xi32, #tpu.memory_space<hbm>>
          %dma_wait3A_145 = arith.constant 0 : i32
          %dma_wait3A_146 = tpu.memref_slice %arg8[%add3A_126, %dma_wait3A_145] : memref<1280x128xi32, #tpu.memory_space<hbm>> -> memref<1x128xi32, #tpu.memory_space<hbm>>
          %dma_wait3A_147 = tpu.memref_squeeze %dma_wait3A_146 : memref<1x128xi32, #tpu.memory_space<hbm>> -> memref<128xi32, #tpu.memory_space<hbm>>
          tpu.wait_dma2 semaphore(%run_scoped3A : memref<!tpu.dma_semaphore, #tpu.memory_space<semaphore_mem>>) src(%dma_wait3A_147 : memref<128xi32, #tpu.memory_space<hbm>>) dst(%arg18 : memref<128xi32, #tpu.memory_space<vmem>>)
          tpu.yield
        }) : () -> ()
        "tpu.region"() ({
          %run_scoped3A = tpu.sem_alloc : memref<!tpu.dma_semaphore, #tpu.memory_space<semaphore_mem>>
          %dma_start3A_136 = arith.constant 0 : i32
          %dma_start3A_137 = tpu.memref_slice %arg10[%add3A_126, %dma_start3A_136] : memref<1280x128xf32, #tpu.memory_space<hbm>> -> memref<1x128xf32, #tpu.memory_space<hbm>>
          %dma_start3A_138 = tpu.memref_squeeze %dma_start3A_137 : memref<1x128xf32, #tpu.memory_space<hbm>> -> memref<128xf32, #tpu.memory_space<hbm>>
          %dma_start3A_139 = arith.constant 0 : i32
          %dma_start3A_140 = tpu.memref_slice %arg10[%add3A_126, %dma_start3A_139] : memref<1280x128xf32, #tpu.memory_space<hbm>> -> memref<1x128xf32, #tpu.memory_space<hbm>>
          %dma_start3A_141 = tpu.memref_squeeze %dma_start3A_140 : memref<1x128xf32, #tpu.memory_space<hbm>> -> memref<128xf32, #tpu.memory_space<hbm>>
          tpu.enqueue_dma source(%dma_start3A_141 : memref<128xf32, #tpu.memory_space<hbm>>) target(%arg20 : memref<128xf32, #tpu.memory_space<vmem>>) target_semaphore(%run_scoped3A : memref<!tpu.dma_semaphore, #tpu.memory_space<semaphore_mem>>)
          %dma_wait3A_142 = arith.constant 0 : i32
          %dma_wait3A_143 = tpu.memref_slice %arg10[%add3A_126, %dma_wait3A_142] : memref<1280x128xf32, #tpu.memory_space<hbm>> -> memref<1x128xf32, #tpu.memory_space<hbm>>
          %dma_wait3A_144 = tpu.memref_squeeze %dma_wait3A_143 : memref<1x128xf32, #tpu.memory_space<hbm>> -> memref<128xf32, #tpu.memory_space<hbm>>
          %dma_wait3A_145 = arith.constant 0 : i32
          %dma_wait3A_146 = tpu.memref_slice %arg10[%add3A_126, %dma_wait3A_145] : memref<1280x128xf32, #tpu.memory_space<hbm>> -> memref<1x128xf32, #tpu.memory_space<hbm>>
          %dma_wait3A_147 = tpu.memref_squeeze %dma_wait3A_146 : memref<1x128xf32, #tpu.memory_space<hbm>> -> memref<128xf32, #tpu.memory_space<hbm>>
          tpu.wait_dma2 semaphore(%run_scoped3A : memref<!tpu.dma_semaphore, #tpu.memory_space<semaphore_mem>>) src(%dma_wait3A_147 : memref<128xf32, #tpu.memory_space<hbm>>) dst(%arg20 : memref<128xf32, #tpu.memory_space<vmem>>)
          tpu.yield
        }) : () -> ()
        %dma_wait3A_127 = arith.constant 0 : i32
        %dma_wait3A_128 = tpu.memref_slice %arg16[%add3A_123, %dma_wait3A_127] : memref<40x128xi32, #tpu.memory_space<vmem>> -> memref<1x128xi32, #tpu.memory_space<vmem>>
        %dma_wait3A_129 = tpu.memref_squeeze %dma_wait3A_128 : memref<1x128xi32, #tpu.memory_space<vmem>> -> memref<128xi32, #tpu.memory_space<vmem>>
        %dma_wait3A_130 = arith.constant 0 : i32
        %dma_wait3A_131 = arith.constant 0 : i32
        %dma_wait3A_132 = tpu.memref_slice %arg12[%dma_wait3A_130, %dma_wait3A_131] : memref<10240x128xf32, #tpu.memory_space<vmem_shared>> -> memref<10240x128xf32, #tpu.memory_space<vmem_shared>>
        tpu.wait_indirect_dma semaphore(%arg24 : memref<!tpu.dma_semaphore, #tpu.memory_space<semaphore_mem>>) src(%arg14 : memref<128x128xf32, #tpu.memory_space<vmem>>) dst(%dma_wait3A_132 : memref<10240x128xf32, #tpu.memory_space<vmem_shared>>)
        %dma_start3A_133 = arith.constant 0 : i32
        %dma_start3A_134 = arith.constant 0 : i32
        %dma_start3A_135 = tpu.memref_slice %arg3[%dma_start3A_133, %dma_start3A_134] : memref<10000x128xf32, #tpu.memory_space<hbm>> -> memref<10000x128xf32, #tpu.memory_space<hbm>>
        tpu.enqueue_indirect_dma source(%dma_start3A_135 : memref<10000x128xf32, #tpu.memory_space<hbm>>) target(%arg14 : memref<128x128xf32, #tpu.memory_space<vmem>>) offsets(%arg18 : memref<128xi32, #tpu.memory_space<vmem>>) semaphore(%arg22 : memref<!tpu.dma_semaphore, #tpu.memory_space<semaphore_mem>>)
      } else {
      }
      %convert_element_type3A_112 = arith.extui %ge3A_106 : i1 to i32
      %cond3A_113 = arith.constant 0 : i32
      %cond3A_114 = arith.cmpi ne, %convert_element_type3A_112, %cond3A_113 : i32
      scf.if %cond3A_114 {
        "tpu.region"() ({
          %run_scoped3A = tpu.sem_alloc : memref<!tpu.dma_semaphore, #tpu.memory_space<semaphore_mem>>
          %dma_start3A_116 = arith.constant 0 : i32
          %dma_start3A_117 = tpu.memref_slice %arg16[%add3A_92, %dma_start3A_116] : memref<40x128xi32, #tpu.memory_space<vmem>> -> memref<1x128xi32, #tpu.memory_space<vmem>>
          %dma_start3A_118 = tpu.memref_squeeze %dma_start3A_117 : memref<1x128xi32, #tpu.memory_space<vmem>> -> memref<128xi32, #tpu.memory_space<vmem>>
          %dma_start3A_119 = arith.constant 0 : i32
          %dma_start3A_120 = arith.constant 0 : i32
          %dma_start3A_121 = tpu.memref_slice %arg12[%dma_start3A_119, %dma_start3A_120] : memref<10240x128xf32, #tpu.memory_space<vmem_shared>> -> memref<10240x128xf32, #tpu.memory_space<vmem_shared>>
          tpu.enqueue_indirect_dma source(%arg14 : memref<128x128xf32, #tpu.memory_space<vmem>>) target(%dma_start3A_121 : memref<10240x128xf32, #tpu.memory_space<vmem_shared>>) offsets(%dma_start3A_118 : memref<128xi32, #tpu.memory_space<vmem>>) semaphore(%run_scoped3A : memref<!tpu.dma_semaphore, #tpu.memory_space<semaphore_mem>>) {add = true}
          %dma_wait3A_122 = arith.constant 0 : i32
          %dma_wait3A_123 = tpu.memref_slice %arg16[%add3A_92, %dma_wait3A_122] : memref<40x128xi32, #tpu.memory_space<vmem>> -> memref<1x128xi32, #tpu.memory_space<vmem>>
          %dma_wait3A_124 = tpu.memref_squeeze %dma_wait3A_123 : memref<1x128xi32, #tpu.memory_space<vmem>> -> memref<128xi32, #tpu.memory_space<vmem>>
          %dma_wait3A_125 = arith.constant 0 : i32
          %dma_wait3A_126 = arith.constant 0 : i32
          %dma_wait3A_127 = tpu.memref_slice %arg12[%dma_wait3A_125, %dma_wait3A_126] : memref<10240x128xf32, #tpu.memory_space<vmem_shared>> -> memref<10240x128xf32, #tpu.memory_space<vmem_shared>>
          tpu.wait_indirect_dma semaphore(%run_scoped3A : memref<!tpu.dma_semaphore, #tpu.memory_space<semaphore_mem>>) src(%arg14 : memref<128x128xf32, #tpu.memory_space<vmem>>) dst(%dma_wait3A_127 : memref<10240x128xf32, #tpu.memory_space<vmem_shared>>)
          tpu.yield
        }) : () -> ()
      } else {
      }
      %scan3A_115 = arith.constant 0 : i32
      scf.yield %scan3A_115 : i32
    }
    %scan3A_62 = arith.constant 20 : i32
    %barrier3A_63 = arith.constant 0 : index
    tpu.barrier barrier_id(%barrier3A_63)
    %mul3A_64 = arith.constant 640 : i32
    %mul3A_65 = arith.muli %arg1, %mul3A_64 : i32
    "tpu.region"() ({
      %run_scoped3A = tpu.sem_alloc : memref<!tpu.dma_semaphore, #tpu.memory_space<semaphore_mem>>
      %dma_start3A_66 = arith.constant 0 : i32
      %dma_start3A_67 = tpu.memref_slice %arg11[%arg0, %mul3A_65, %dma_start3A_66] : memref<2x10240x128xf32, #tpu.memory_space<hbm>> -> memref<1x640x128xf32, #tpu.memory_space<hbm>>
      %dma_start3A_68 = tpu.memref_squeeze %dma_start3A_67 : memref<1x640x128xf32, #tpu.memory_space<hbm>> -> memref<640x128xf32, #tpu.memory_space<hbm>>
      %dma_start3A_69 = arith.constant 0 : i32
      %dma_start3A_70 = tpu.memref_slice %arg12[%mul3A_65, %dma_start3A_69] : memref<10240x128xf32, #tpu.memory_space<vmem_shared>> -> memref<640x128xf32, #tpu.memory_space<vmem_shared>>
      tpu.enqueue_dma source(%dma_start3A_70 : memref<640x128xf32, #tpu.memory_space<vmem_shared>>) target(%dma_start3A_68 : memref<640x128xf32, #tpu.memory_space<hbm>>) target_semaphore(%run_scoped3A : memref<!tpu.dma_semaphore, #tpu.memory_space<semaphore_mem>>)
      %dma_wait3A = arith.constant 0 : i32
      %dma_wait3A_71 = tpu.memref_slice %arg11[%arg0, %mul3A_65, %dma_wait3A] : memref<2x10240x128xf32, #tpu.memory_space<hbm>> -> memref<1x640x128xf32, #tpu.memory_space<hbm>>
      %dma_wait3A_72 = tpu.memref_squeeze %dma_wait3A_71 : memref<1x640x128xf32, #tpu.memory_space<hbm>> -> memref<640x128xf32, #tpu.memory_space<hbm>>
      %dma_wait3A_73 = arith.constant 0 : i32
      %dma_wait3A_74 = tpu.memref_slice %arg12[%mul3A_65, %dma_wait3A_73] : memref<10240x128xf32, #tpu.memory_space<vmem_shared>> -> memref<640x128xf32, #tpu.memory_space<vmem_shared>>
      tpu.wait_dma2 semaphore(%run_scoped3A : memref<!tpu.dma_semaphore, #tpu.memory_space<semaphore_mem>>) src(%dma_wait3A_74 : memref<640x128xf32, #tpu.memory_space<vmem_shared>>) dst(%dma_wait3A_72 : memref<640x128xf32, #tpu.memory_space<hbm>>)
      tpu.yield
    }) : () -> ()
    return
  }
}

module attributes {stable_mosaic.version = 14 : i64} {
  func.func @_dense_body(%arg0: i32, %arg1: memref<400x128xf32, #tpu.memory_space<vmem>>, %arg2: memref<400x128xf32, #tpu.memory_space<vmem>>, %arg3: memref<128x128xf32, #tpu.memory_space<vmem>>, %arg4: memref<128x128xf32, #tpu.memory_space<vmem>>, %arg5: memref<128x128xf32, #tpu.memory_space<vmem>>, %arg6: memref<128x1xf32, #tpu.memory_space<vmem>>, %arg7: memref<128x1xf32, #tpu.memory_space<vmem>>, %arg8: memref<128x1xf32, #tpu.memory_space<vmem>>, %arg9: memref<128x1xf32, #tpu.memory_space<vmem>>, %arg10: memref<128x1xf32, #tpu.memory_space<vmem>>, %arg11: memref<400x128xf32, #tpu.memory_space<vmem>>, %arg12: memref<400x128xf32, #tpu.memory_space<vmem>>, %arg13: memref<400x8xf32, #tpu.memory_space<vmem>>) attributes {dimension_semantics = [#tpu.dimension_semantics<arbitrary>], iteration_bounds = array<i64: 25>, scalar_prefetch = 0 : i64, scratch_operands = 0 : i64, tpu.core_type = #tpu.core_type<tc>, window_params = [{transform_indices = @transform_0, window_bounds = array<i64: 400, 128>}, {transform_indices = @transform_1, window_bounds = array<i64: 400, 128>}, {pipeline_mode = #tpu.pipeline_mode<synchronous>, transform_indices = @transform_2, window_bounds = array<i64: 128, 128>}, {pipeline_mode = #tpu.pipeline_mode<synchronous>, transform_indices = @transform_3, window_bounds = array<i64: 128, 128>}, {pipeline_mode = #tpu.pipeline_mode<synchronous>, transform_indices = @transform_4, window_bounds = array<i64: 128, 128>}, {pipeline_mode = #tpu.pipeline_mode<synchronous>, transform_indices = @transform_5, window_bounds = array<i64: 128, 1>}, {pipeline_mode = #tpu.pipeline_mode<synchronous>, transform_indices = @transform_6, window_bounds = array<i64: 128, 1>}, {pipeline_mode = #tpu.pipeline_mode<synchronous>, transform_indices = @transform_7, window_bounds = array<i64: 128, 1>}, {pipeline_mode = #tpu.pipeline_mode<synchronous>, transform_indices = @transform_8, window_bounds = array<i64: 128, 1>}, {pipeline_mode = #tpu.pipeline_mode<synchronous>, transform_indices = @transform_9, window_bounds = array<i64: 128, 1>}, {transform_indices = @transform_10, window_bounds = array<i64: 400, 128>}, {transform_indices = @transform_11, window_bounds = array<i64: 400, 128>}, {transform_indices = @transform_12, window_bounds = array<i64: 400, 8>}]} {
    %get3A = arith.constant 0 : index
    %get3A_0 = arith.constant 0 : index
    %get3A_1 = vector.load %arg1[%get3A, %get3A_0] : memref<400x128xf32, #tpu.memory_space<vmem>>, vector<400x128xf32>
    %get3A_2 = arith.constant 0 : index
    %get3A_3 = arith.constant 0 : index
    %get3A_4 = vector.load %arg2[%get3A_2, %get3A_3] : memref<400x128xf32, #tpu.memory_space<vmem>>, vector<400x128xf32>
    %get3A_5 = arith.constant 0 : index
    %get3A_6 = arith.constant 0 : index
    %get3A_7 = vector.load %arg3[%get3A_5, %get3A_6] : memref<128x128xf32, #tpu.memory_space<vmem>>, vector<128x128xf32>
    %dot_general3A = arith.constant dense<0.000000e+00> : vector<400x128xf32>
    %dot_general3A_8 = tpu.matmul %get3A_1, %get3A_7, %dot_general3A {dimension_numbers = #tpu.dot_dimension_numbers<[1], [0], [0], [1], [0, 0, 1, 1], [], []>, transpose_lhs_hint = false} : vector<400x128xf32>, vector<128x128xf32>, vector<400x128xf32> -> vector<400x128xf32>
    %get3A_9 = arith.constant 0 : index
    %get3A_10 = arith.constant 0 : index
    %get3A_11 = vector.load %arg4[%get3A_9, %get3A_10] : memref<128x128xf32, #tpu.memory_space<vmem>>, vector<128x128xf32>
    %dot_general3A_12 = arith.constant dense<0.000000e+00> : vector<400x128xf32>
    %dot_general3A_13 = tpu.matmul %get3A_1, %get3A_11, %dot_general3A_12 {dimension_numbers = #tpu.dot_dimension_numbers<[1], [0], [0], [1], [0, 0, 1, 1], [], []>, transpose_lhs_hint = false} : vector<400x128xf32>, vector<128x128xf32>, vector<400x128xf32> -> vector<400x128xf32>
    %get3A_14 = arith.constant 0 : index
    %get3A_15 = arith.constant 0 : index
    %get3A_16 = vector.load %arg5[%get3A_14, %get3A_15] : memref<128x128xf32, #tpu.memory_space<vmem>>, vector<128x128xf32>
    %dot_general3A_17 = arith.constant dense<0.000000e+00> : vector<400x128xf32>
    %dot_general3A_18 = tpu.matmul %get3A_4, %get3A_16, %dot_general3A_17 {dimension_numbers = #tpu.dot_dimension_numbers<[1], [0], [0], [1], [0, 0, 1, 1], [], []>, transpose_lhs_hint = false} : vector<400x128xf32>, vector<128x128xf32>, vector<400x128xf32> -> vector<400x128xf32>
    %swap3A = arith.constant 0 : index
    %swap3A_19 = arith.constant 0 : index
    %swap3A_20 = vector.load %arg11[%swap3A, %swap3A_19] : memref<400x128xf32, #tpu.memory_space<vmem>>, vector<400x128xf32>
    tpu.vector_store %arg11[%swap3A, %swap3A_19], %dot_general3A_13 {strides = array<i32>} : memref<400x128xf32, #tpu.memory_space<vmem>>, vector<400x128xf32>,
    %swap3A_21 = arith.constant 0 : index
    %swap3A_22 = arith.constant 0 : index
    %swap3A_23 = vector.load %arg12[%swap3A_21, %swap3A_22] : memref<400x128xf32, #tpu.memory_space<vmem>>, vector<400x128xf32>
    tpu.vector_store %arg12[%swap3A_21, %swap3A_22], %dot_general3A_18 {strides = array<i32>} : memref<400x128xf32, #tpu.memory_space<vmem>>, vector<400x128xf32>,
    %get3A_24 = arith.constant 0 : index
    %get3A_25 = arith.constant 0 : index
    %get3A_26 = vector.load %arg6[%get3A_24, %get3A_25] : memref<128x1xf32, #tpu.memory_space<vmem>>, vector<128x1xf32>
    %dot_general3A_27 = arith.constant dense<0.000000e+00> : vector<400x1xf32>
    %dot_general3A_28 = tpu.matmul %dot_general3A_8, %get3A_26, %dot_general3A_27 {dimension_numbers = #tpu.dot_dimension_numbers<[1], [0], [0], [1], [0, 0, 1, 1], [], []>, transpose_lhs_hint = false} : vector<400x128xf32>, vector<128x1xf32>, vector<400x1xf32> -> vector<400x1xf32>
    %gt3A = arith.constant 0.000000e+00 : f32
    %gt3A_29 = vector.broadcast %gt3A : f32 to vector<400x1xf32>
    %gt3A_30 = arith.cmpf ogt, %dot_general3A_28, %gt3A_29 : vector<400x1xf32>
    %mul3A = arith.constant 2.000000e-01 : f32
    %mul3A_31 = vector.broadcast %mul3A : f32 to vector<400x1xf32>
    %mul3A_32 = arith.mulf %mul3A_31, %dot_general3A_28 : vector<400x1xf32>
    %select_n3A = arith.select %gt3A_30, %dot_general3A_28, %mul3A_32 : vector<400x1xi1>, vector<400x1xf32>
    %get3A_33 = arith.constant 0 : index
    %get3A_34 = arith.constant 0 : index
    %get3A_35 = vector.load %arg7[%get3A_33, %get3A_34] : memref<128x1xf32, #tpu.memory_space<vmem>>, vector<128x1xf32>
    %dot_general3A_36 = arith.constant dense<0.000000e+00> : vector<400x1xf32>
    %dot_general3A_37 = tpu.matmul %dot_general3A_8, %get3A_35, %dot_general3A_36 {dimension_numbers = #tpu.dot_dimension_numbers<[1], [0], [0], [1], [0, 0, 1, 1], [], []>, transpose_lhs_hint = false} : vector<400x128xf32>, vector<128x1xf32>, vector<400x1xf32> -> vector<400x1xf32>
    %get3A_38 = arith.constant 0 : index
    %get3A_39 = arith.constant 0 : index
    %get3A_40 = vector.load %arg9[%get3A_38, %get3A_39] : memref<128x1xf32, #tpu.memory_space<vmem>>, vector<128x1xf32>
    %dot_general3A_41 = arith.constant dense<0.000000e+00> : vector<400x1xf32>
    %dot_general3A_42 = tpu.matmul %dot_general3A_8, %get3A_40, %dot_general3A_41 {dimension_numbers = #tpu.dot_dimension_numbers<[1], [0], [0], [1], [0, 0, 1, 1], [], []>, transpose_lhs_hint = false} : vector<400x128xf32>, vector<128x1xf32>, vector<400x1xf32> -> vector<400x1xf32>
    %get3A_43 = arith.constant 0 : index
    %get3A_44 = arith.constant 0 : index
    %get3A_45 = vector.load %arg10[%get3A_43, %get3A_44] : memref<128x1xf32, #tpu.memory_space<vmem>>, vector<128x1xf32>
    %dot_general3A_46 = arith.constant dense<0.000000e+00> : vector<400x1xf32>
    %dot_general3A_47 = tpu.matmul %dot_general3A_13, %get3A_45, %dot_general3A_46 {dimension_numbers = #tpu.dot_dimension_numbers<[1], [0], [0], [1], [0, 0, 1, 1], [], []>, transpose_lhs_hint = false} : vector<400x128xf32>, vector<128x1xf32>, vector<400x1xf32> -> vector<400x1xf32>
    %get3A_48 = arith.constant 0 : index
    %get3A_49 = arith.constant 0 : index
    %get3A_50 = vector.load %arg8[%get3A_48, %get3A_49] : memref<128x1xf32, #tpu.memory_space<vmem>>, vector<128x1xf32>
    %dot_general3A_51 = arith.constant dense<0.000000e+00> : vector<400x1xf32>
    %dot_general3A_52 = tpu.matmul %dot_general3A_18, %get3A_50, %dot_general3A_51 {dimension_numbers = #tpu.dot_dimension_numbers<[1], [0], [0], [1], [0, 0, 1, 1], [], []>, transpose_lhs_hint = false} : vector<400x128xf32>, vector<128x1xf32>, vector<400x1xf32> -> vector<400x1xf32>
    %broadcast_in_dim3A = arith.constant 0.000000e+00 : f32
    %broadcast_in_dim3A_53 = vector.broadcast %broadcast_in_dim3A : f32 to vector<400x1xf32>
    %concatenate3A = tpu.concatenate %select_n3A, %dot_general3A_37, %dot_general3A_42, %dot_general3A_47, %dot_general3A_52, %broadcast_in_dim3A_53, %broadcast_in_dim3A_53, %broadcast_in_dim3A_53 in 1 : vector<400x1xf32>, vector<400x1xf32>, vector<400x1xf32>, vector<400x1xf32>, vector<400x1xf32>, vector<400x1xf32>, vector<400x1xf32>, vector<400x1xf32> -> vector<400x8xf32>
    %swap3A_54 = arith.constant 0 : index
    %swap3A_55 = arith.constant 0 : index
    %swap3A_56 = vector.load %arg13[%swap3A_54, %swap3A_55] : memref<400x8xf32, #tpu.memory_space<vmem>>, vector<400x8xf32>
    tpu.vector_store %arg13[%swap3A_54, %swap3A_55], %concatenate3A {strides = array<i32>} : memref<400x8xf32, #tpu.memory_space<vmem>>, vector<400x8xf32>,
    return
  }
  func.func @transform_0(%arg0: i32) -> (i32, i32) {
    %c0_i32 = arith.constant 0 : i32
    %c0_i32_0 = arith.constant 0 : i32
    return %arg0, %c0_i32 : i32, i32
  }
  func.func @transform_1(%arg0: i32) -> (i32, i32) {
    %c0_i32 = arith.constant 0 : i32
    %c0_i32_0 = arith.constant 0 : i32
    return %arg0, %c0_i32 : i32, i32
  }
  func.func @transform_2(%arg0: i32) -> (i32, i32) {
    %c0_i32 = arith.constant 0 : i32
    %c0_i32_0 = arith.constant 0 : i32
    %c0_i32_1 = arith.constant 0 : i32
    return %c0_i32, %c0_i32_0 : i32, i32
  }
  func.func @transform_3(%arg0: i32) -> (i32, i32) {
    %c0_i32 = arith.constant 0 : i32
    %c0_i32_0 = arith.constant 0 : i32
    %c0_i32_1 = arith.constant 0 : i32
    return %c0_i32, %c0_i32_0 : i32, i32
  }
  func.func @transform_4(%arg0: i32) -> (i32, i32) {
    %c0_i32 = arith.constant 0 : i32
    %c0_i32_0 = arith.constant 0 : i32
    %c0_i32_1 = arith.constant 0 : i32
    return %c0_i32, %c0_i32_0 : i32, i32
  }
  func.func @transform_5(%arg0: i32) -> (i32, i32) {
    %c0_i32 = arith.constant 0 : i32
    %c0_i32_0 = arith.constant 0 : i32
    %c0_i32_1 = arith.constant 0 : i32
    return %c0_i32, %c0_i32_0 : i32, i32
  }
  func.func @transform_6(%arg0: i32) -> (i32, i32) {
    %c0_i32 = arith.constant 0 : i32
    %c0_i32_0 = arith.constant 0 : i32
    %c0_i32_1 = arith.constant 0 : i32
    return %c0_i32, %c0_i32_0 : i32, i32
  }
  func.func @transform_7(%arg0: i32) -> (i32, i32) {
    %c0_i32 = arith.constant 0 : i32
    %c0_i32_0 = arith.constant 0 : i32
    %c0_i32_1 = arith.constant 0 : i32
    return %c0_i32, %c0_i32_0 : i32, i32
  }
  func.func @transform_8(%arg0: i32) -> (i32, i32) {
    %c0_i32 = arith.constant 0 : i32
    %c0_i32_0 = arith.constant 0 : i32
    %c0_i32_1 = arith.constant 0 : i32
    return %c0_i32, %c0_i32_0 : i32, i32
  }
  func.func @transform_9(%arg0: i32) -> (i32, i32) {
    %c0_i32 = arith.constant 0 : i32
    %c0_i32_0 = arith.constant 0 : i32
    %c0_i32_1 = arith.constant 0 : i32
    return %c0_i32, %c0_i32_0 : i32, i32
  }
  func.func @transform_10(%arg0: i32) -> (i32, i32) {
    %c0_i32 = arith.constant 0 : i32
    %c0_i32_0 = arith.constant 0 : i32
    return %arg0, %c0_i32 : i32, i32
  }
  func.func @transform_11(%arg0: i32) -> (i32, i32) {
    %c0_i32 = arith.constant 0 : i32
    %c0_i32_0 = arith.constant 0 : i32
    return %arg0, %c0_i32 : i32, i32
  }
  func.func @transform_12(%arg0: i32) -> (i32, i32) {
    %c0_i32 = arith.constant 0 : i32
    %c0_i32_0 = arith.constant 0 : i32
    return %arg0, %c0_i32 : i32, i32
  }
}

module attributes {stable_mosaic.version = 14 : i64} {
  func.func @_attr_body(%arg0: i32, %arg1: memref<4096x16xf32, #tpu.memory_space<vmem>>, %arg2: memref<16x128xf32, #tpu.memory_space<vmem>>, %arg3: memref<128x1xf32, #tpu.memory_space<vmem>>, %arg4: memref<4096x128xf32, #tpu.memory_space<vmem>>, %arg5: memref<4096x1xf32, #tpu.memory_space<vmem>>) attributes {dimension_semantics = [#tpu.dimension_semantics<arbitrary>], iteration_bounds = array<i64: 80>, scalar_prefetch = 0 : i64, scratch_operands = 0 : i64, tpu.core_type = #tpu.core_type<tc>, window_params = [{transform_indices = @transform_0, window_bounds = array<i64: 4096, 16>}, {pipeline_mode = #tpu.pipeline_mode<synchronous>, transform_indices = @transform_1, window_bounds = array<i64: 16, 128>}, {pipeline_mode = #tpu.pipeline_mode<synchronous>, transform_indices = @transform_2, window_bounds = array<i64: 128, 1>}, {transform_indices = @transform_3, window_bounds = array<i64: 4096, 128>}, {transform_indices = @transform_4, window_bounds = array<i64: 4096, 1>}]} {
    %get3A = arith.constant 0 : index
    %get3A_0 = arith.constant 0 : index
    %get3A_1 = vector.load %arg1[%get3A, %get3A_0] : memref<4096x16xf32, #tpu.memory_space<vmem>>, vector<4096x16xf32>
    %get3A_2 = arith.constant 0 : index
    %get3A_3 = arith.constant 0 : index
    %get3A_4 = vector.load %arg2[%get3A_2, %get3A_3] : memref<16x128xf32, #tpu.memory_space<vmem>>, vector<16x128xf32>
    %dot_general3A = arith.constant dense<0.000000e+00> : vector<4096x128xf32>
    %dot_general3A_5 = tpu.matmul %get3A_1, %get3A_4, %dot_general3A {dimension_numbers = #tpu.dot_dimension_numbers<[1], [0], [0], [1], [0, 0, 1, 1], [], []>, transpose_lhs_hint = false} : vector<4096x16xf32>, vector<16x128xf32>, vector<4096x128xf32> -> vector<4096x128xf32>
    %swap3A = arith.constant 0 : index
    %swap3A_6 = arith.constant 0 : index
    %swap3A_7 = vector.load %arg4[%swap3A, %swap3A_6] : memref<4096x128xf32, #tpu.memory_space<vmem>>, vector<4096x128xf32>
    tpu.vector_store %arg4[%swap3A, %swap3A_6], %dot_general3A_5 {strides = array<i32>} : memref<4096x128xf32, #tpu.memory_space<vmem>>, vector<4096x128xf32>,
    %get3A_8 = arith.constant 0 : index
    %get3A_9 = arith.constant 0 : index
    %get3A_10 = vector.load %arg3[%get3A_8, %get3A_9] : memref<128x1xf32, #tpu.memory_space<vmem>>, vector<128x1xf32>
    %dot_general3A_11 = arith.constant dense<0.000000e+00> : vector<4096x1xf32>
    %dot_general3A_12 = tpu.matmul %dot_general3A_5, %get3A_10, %dot_general3A_11 {dimension_numbers = #tpu.dot_dimension_numbers<[1], [0], [0], [1], [0, 0, 1, 1], [], []>, transpose_lhs_hint = false} : vector<4096x128xf32>, vector<128x1xf32>, vector<4096x1xf32> -> vector<4096x1xf32>
    %swap3A_13 = arith.constant 0 : index
    %swap3A_14 = arith.constant 0 : index
    %swap3A_15 = vector.load %arg5[%swap3A_13, %swap3A_14] : memref<4096x1xf32, #tpu.memory_space<vmem>>, vector<4096x1xf32>
    tpu.vector_store %arg5[%swap3A_13, %swap3A_14], %dot_general3A_12 {strides = array<i32>} : memref<4096x1xf32, #tpu.memory_space<vmem>>, vector<4096x1xf32>,
    return
  }
  func.func @transform_0(%arg0: i32) -> (i32, i32) {
    %c0_i32 = arith.constant 0 : i32
    %c0_i32_0 = arith.constant 0 : i32
    return %arg0, %c0_i32 : i32, i32
  }
  func.func @transform_1(%arg0: i32) -> (i32, i32) {
    %c0_i32 = arith.constant 0 : i32
    %c0_i32_0 = arith.constant 0 : i32
    %c0_i32_1 = arith.constant 0 : i32
    return %c0_i32, %c0_i32_0 : i32, i32
  }
  func.func @transform_2(%arg0: i32) -> (i32, i32) {
    %c0_i32 = arith.constant 0 : i32
    %c0_i32_0 = arith.constant 0 : i32
    %c0_i32_1 = arith.constant 0 : i32
    return %c0_i32, %c0_i32_0 : i32, i32
  }
  func.func @transform_3(%arg0: i32) -> (i32, i32) {
    %c0_i32 = arith.constant 0 : i32
    %c0_i32_0 = arith.constant 0 : i32
    return %arg0, %c0_i32 : i32, i32
  }
  func.func @transform_4(%arg0: i32) -> (i32, i32) {
    %c0_i32 = arith.constant 0 : i32
    %c0_i32_0 = arith.constant 0 : i32
    return %arg0, %c0_i32 : i32, i32
  }
}

module attributes {stable_mosaic.version = 14 : i64} {
  func.func @_max_body(%arg0: i32, %arg1: memref<784x128xf32, #tpu.memory_space<vmem>>, %arg2: memref<1x1xf32, #tpu.memory_space<smem>>, %arg3: memref<1x1xf32, #tpu.memory_space<smem>>) attributes {dimension_semantics = [#tpu.dimension_semantics<arbitrary>], iteration_bounds = array<i64: 5>, scalar_prefetch = 0 : i64, scratch_operands = 1 : i64, tpu.core_type = #tpu.core_type<tc>, window_params = [{transform_indices = @transform_0, window_bounds = array<i64: 784, 128>}, {transform_indices = @transform_1, window_bounds = array<i64: 1, 1>}]} {
    %eq3A = arith.constant 0 : i32
    %eq3A_0 = arith.cmpi eq, %arg0, %eq3A : i32
    %convert_element_type3A = arith.extui %eq3A_0 : i1 to i32
    %cond3A = arith.constant 0 : i32
    %cond3A_1 = arith.cmpi ne, %convert_element_type3A, %cond3A : i32
    scf.if %cond3A_1 {
      %swap3A_19 = arith.constant 0xFF800000 : f32
      %swap3A_20 = arith.constant 0 : index
      %swap3A_21 = arith.constant 0 : index
      %swap3A_22 = memref.load %arg3[%swap3A_20, %swap3A_21] : memref<1x1xf32, #tpu.memory_space<smem>>
      memref.store %swap3A_19, %arg3[%swap3A_20, %swap3A_21] : memref<1x1xf32, #tpu.memory_space<smem>>
    } else {
    }
    %get3A = arith.constant 0 : index
    %get3A_2 = arith.constant 0 : index
    %get3A_3 = memref.load %arg3[%get3A, %get3A_2] : memref<1x1xf32, #tpu.memory_space<smem>>
    %get3A_4 = arith.constant 0 : index
    %get3A_5 = arith.constant 0 : index
    %get3A_6 = vector.load %arg1[%get3A_4, %get3A_5] : memref<784x128xf32, #tpu.memory_space<vmem>>, vector<784x128xf32>
    %reduce_max3A = vector.shape_cast %get3A_6 : vector<784x128xf32> to vector<1x784x128xf32>
    %reduce_max3A_7 = arith.constant dense<0xFF800000> : vector<1xf32>
    %reduce_max3A_8 = vector.multi_reduction <maximumf>, %reduce_max3A, %reduce_max3A_7 [1, 2] : vector<1x784x128xf32> to vector<1xf32>
    %reduce_max3A_9 = vector.shape_cast %reduce_max3A_8 : vector<1xf32> to vector<1x1x1xf32>
    %reduce_max3A_10 = vector.extract %reduce_max3A_9[0, 0, 0] : f32 from vector<1x1x1xf32>
    %max3A = arith.maximumf %get3A_3, %reduce_max3A_10 : f32
    %swap3A = arith.constant 0 : index
    %swap3A_11 = arith.constant 0 : index
    %swap3A_12 = memref.load %arg3[%swap3A, %swap3A_11] : memref<1x1xf32, #tpu.memory_space<smem>>
    memref.store %max3A, %arg3[%swap3A, %swap3A_11] : memref<1x1xf32, #tpu.memory_space<smem>>
    %get3A_13 = arith.constant 0 : index
    %get3A_14 = arith.constant 0 : index
    %get3A_15 = memref.load %arg3[%get3A_13, %get3A_14] : memref<1x1xf32, #tpu.memory_space<smem>>
    %swap3A_16 = arith.constant 0 : index
    %swap3A_17 = arith.constant 0 : index
    %swap3A_18 = memref.load %arg2[%swap3A_16, %swap3A_17] : memref<1x1xf32, #tpu.memory_space<smem>>
    memref.store %get3A_15, %arg2[%swap3A_16, %swap3A_17] : memref<1x1xf32, #tpu.memory_space<smem>>
    return
  }
  func.func @transform_0(%arg0: i32) -> (i32, i32) {
    %c0_i32 = arith.constant 0 : i32
    %c0_i32_0 = arith.constant 0 : i32
    return %arg0, %c0_i32 : i32, i32
  }
  func.func @transform_1(%arg0: i32) -> (i32, i32) {
    %c0_i32 = arith.constant 0 : i32
    %c0_i32_0 = arith.constant 0 : i32
    %c0_i32_1 = arith.constant 0 : i32
    return %c0_i32, %c0_i32_0 : i32, i32
  }
}

module attributes {stable_mosaic.version = 14 : i64} {
  func.func @_exp_body(%arg0: i32, %arg1: memref<784x128xf32, #tpu.memory_space<vmem>>, %arg2: memref<1x1xf32, #tpu.memory_space<smem>>, %arg3: memref<784x128xf32, #tpu.memory_space<vmem>>, %arg4: memref<1x1xf32, #tpu.memory_space<smem>>, %arg5: memref<1x1xf32, #tpu.memory_space<smem>>) attributes {dimension_semantics = [#tpu.dimension_semantics<arbitrary>], iteration_bounds = array<i64: 5>, scalar_prefetch = 0 : i64, scratch_operands = 1 : i64, tpu.core_type = #tpu.core_type<tc>, window_params = [{transform_indices = @transform_0, window_bounds = array<i64: 784, 128>}, {transform_indices = @transform_1, window_bounds = array<i64: 1, 1>}, {transform_indices = @transform_2, window_bounds = array<i64: 784, 128>}, {transform_indices = @transform_3, window_bounds = array<i64: 1, 1>}]} {
    %eq3A = arith.constant 0 : i32
    %eq3A_0 = arith.cmpi eq, %arg0, %eq3A : i32
    %convert_element_type3A = arith.extui %eq3A_0 : i1 to i32
    %cond3A = arith.constant 0 : i32
    %cond3A_1 = arith.cmpi ne, %convert_element_type3A, %cond3A : i32
    scf.if %cond3A_1 {
      %swap3A_26 = arith.constant 0.000000e+00 : f32
      %swap3A_27 = arith.constant 0 : index
      %swap3A_28 = arith.constant 0 : index
      %swap3A_29 = memref.load %arg5[%swap3A_27, %swap3A_28] : memref<1x1xf32, #tpu.memory_space<smem>>
      memref.store %swap3A_26, %arg5[%swap3A_27, %swap3A_28] : memref<1x1xf32, #tpu.memory_space<smem>>
    } else {
    }
    %get3A = arith.constant 0 : index
    %get3A_2 = arith.constant 0 : index
    %get3A_3 = vector.load %arg1[%get3A, %get3A_2] : memref<784x128xf32, #tpu.memory_space<vmem>>, vector<784x128xf32>
    %get3A_4 = arith.constant 0 : index
    %get3A_5 = arith.constant 0 : index
    %get3A_6 = memref.load %arg2[%get3A_4, %get3A_5] : memref<1x1xf32, #tpu.memory_space<smem>>
    %sub3A = vector.broadcast %get3A_6 : f32 to vector<784x128xf32>
    %sub3A_7 = arith.subf %get3A_3, %sub3A : vector<784x128xf32>
    %exp3A = math.exp %sub3A_7 : vector<784x128xf32>
    %swap3A = arith.constant 0 : index
    %swap3A_8 = arith.constant 0 : index
    %swap3A_9 = vector.load %arg3[%swap3A, %swap3A_8] : memref<784x128xf32, #tpu.memory_space<vmem>>, vector<784x128xf32>
    tpu.vector_store %arg3[%swap3A, %swap3A_8], %exp3A {strides = array<i32>} : memref<784x128xf32, #tpu.memory_space<vmem>>, vector<784x128xf32>,
    %get3A_10 = arith.constant 0 : index
    %get3A_11 = arith.constant 0 : index
    %get3A_12 = memref.load %arg5[%get3A_10, %get3A_11] : memref<1x1xf32, #tpu.memory_space<smem>>
    %reduce_sum3A = vector.shape_cast %exp3A : vector<784x128xf32> to vector<1x784x128xf32>
    %reduce_sum3A_13 = arith.constant dense<0.000000e+00> : vector<1xf32>
    %reduce_sum3A_14 = vector.multi_reduction <add>, %reduce_sum3A, %reduce_sum3A_13 [1, 2] : vector<1x784x128xf32> to vector<1xf32>
    %reduce_sum3A_15 = vector.shape_cast %reduce_sum3A_14 : vector<1xf32> to vector<1x1x1xf32>
    %reduce_sum3A_16 = vector.extract %reduce_sum3A_15[0, 0, 0] : f32 from vector<1x1x1xf32>
    %add3A = arith.addf %get3A_12, %reduce_sum3A_16 : f32
    %swap3A_17 = arith.constant 0 : index
    %swap3A_18 = arith.constant 0 : index
    %swap3A_19 = memref.load %arg5[%swap3A_17, %swap3A_18] : memref<1x1xf32, #tpu.memory_space<smem>>
    memref.store %add3A, %arg5[%swap3A_17, %swap3A_18] : memref<1x1xf32, #tpu.memory_space<smem>>
    %get3A_20 = arith.constant 0 : index
    %get3A_21 = arith.constant 0 : index
    %get3A_22 = memref.load %arg5[%get3A_20, %get3A_21] : memref<1x1xf32, #tpu.memory_space<smem>>
    %swap3A_23 = arith.constant 0 : index
    %swap3A_24 = arith.constant 0 : index
    %swap3A_25 = memref.load %arg4[%swap3A_23, %swap3A_24] : memref<1x1xf32, #tpu.memory_space<smem>>
    memref.store %get3A_22, %arg4[%swap3A_23, %swap3A_24] : memref<1x1xf32, #tpu.memory_space<smem>>
    return
  }
  func.func @transform_0(%arg0: i32) -> (i32, i32) {
    %c0_i32 = arith.constant 0 : i32
    %c0_i32_0 = arith.constant 0 : i32
    return %arg0, %c0_i32 : i32, i32
  }
  func.func @transform_1(%arg0: i32) -> (i32, i32) {
    %c0_i32 = arith.constant 0 : i32
    %c0_i32_0 = arith.constant 0 : i32
    %c0_i32_1 = arith.constant 0 : i32
    return %c0_i32, %c0_i32_0 : i32, i32
  }
  func.func @transform_2(%arg0: i32) -> (i32, i32) {
    %c0_i32 = arith.constant 0 : i32
    %c0_i32_0 = arith.constant 0 : i32
    return %arg0, %c0_i32 : i32, i32
  }
  func.func @transform_3(%arg0: i32) -> (i32, i32) {
    %c0_i32 = arith.constant 0 : i32
    %c0_i32_0 = arith.constant 0 : i32
    %c0_i32_1 = arith.constant 0 : i32
    return %c0_i32, %c0_i32_0 : i32, i32
  }
}

module attributes {stable_mosaic.version = 14 : i64} {
  func.func @_combine_body(%arg0: i32, %arg1: memref<400x128xf32, #tpu.memory_space<vmem>>, %arg2: memref<400x128xf32, #tpu.memory_space<vmem>>, %arg3: memref<400x128xf32, #tpu.memory_space<vmem>>, %arg4: memref<400x1xf32, #tpu.memory_space<vmem>>, %arg5: memref<1x1xf32, #tpu.memory_space<smem>>, %arg6: memref<400x128xf32, #tpu.memory_space<vmem>>) attributes {dimension_semantics = [#tpu.dimension_semantics<arbitrary>], iteration_bounds = array<i64: 25>, scalar_prefetch = 0 : i64, scratch_operands = 0 : i64, tpu.core_type = #tpu.core_type<tc>, window_params = [{transform_indices = @transform_0, window_bounds = array<i64: 400, 128>}, {transform_indices = @transform_1, window_bounds = array<i64: 400, 128>}, {transform_indices = @transform_2, window_bounds = array<i64: 400, 128>}, {transform_indices = @transform_3, window_bounds = array<i64: 400, 1>}, {transform_indices = @transform_4, window_bounds = array<i64: 1, 1>}, {transform_indices = @transform_5, window_bounds = array<i64: 400, 128>}]} {
    %get3A = arith.constant 0 : index
    %get3A_0 = arith.constant 0 : index
    %get3A_1 = memref.load %arg5[%get3A, %get3A_0] : memref<1x1xf32, #tpu.memory_space<smem>>
    %div3A = arith.constant 1.000000e+00 : f32
    %div3A_2 = arith.divf %div3A, %get3A_1 : f32
    %get3A_3 = arith.constant 0 : index
    %get3A_4 = arith.constant 0 : index
    %get3A_5 = vector.load %arg1[%get3A_3, %get3A_4] : memref<400x128xf32, #tpu.memory_space<vmem>>, vector<400x128xf32>
    %get3A_6 = arith.constant 0 : index
    %get3A_7 = arith.constant 0 : index
    %get3A_8 = vector.load %arg4[%get3A_6, %get3A_7] : memref<400x1xf32, #tpu.memory_space<vmem>>, vector<400x1xf32>
    %mul3A = vector.broadcast %div3A_2 : f32 to vector<400x1xf32>
    %mul3A_9 = arith.mulf %get3A_8, %mul3A : vector<400x1xf32>
    %mul3A_10 = vector.broadcast %mul3A_9 : vector<400x1xf32> to vector<400x128xf32>
    %mul3A_11 = arith.mulf %get3A_5, %mul3A_10 : vector<400x128xf32>
    %get3A_12 = arith.constant 0 : index
    %get3A_13 = arith.constant 0 : index
    %get3A_14 = vector.load %arg2[%get3A_12, %get3A_13] : memref<400x128xf32, #tpu.memory_space<vmem>>, vector<400x128xf32>
    %get3A_15 = arith.constant 0 : index
    %get3A_16 = arith.constant 0 : index
    %get3A_17 = vector.load %arg3[%get3A_15, %get3A_16] : memref<400x128xf32, #tpu.memory_space<vmem>>, vector<400x128xf32>
    %add3A = arith.addf %get3A_14, %get3A_17 : vector<400x128xf32>
    %mul3A_18 = vector.broadcast %div3A_2 : f32 to vector<400x128xf32>
    %mul3A_19 = arith.mulf %add3A, %mul3A_18 : vector<400x128xf32>
    %add3A_20 = arith.addf %mul3A_11, %mul3A_19 : vector<400x128xf32>
    %gt3A = arith.constant 0.000000e+00 : f32
    %gt3A_21 = vector.broadcast %gt3A : f32 to vector<400x128xf32>
    %gt3A_22 = arith.cmpf ogt, %add3A_20, %gt3A_21 : vector<400x128xf32>
    %min3A = arith.constant 0.000000e+00 : f32
    %min3A_23 = vector.broadcast %min3A : f32 to vector<400x128xf32>
    %min3A_24 = arith.minimumf %add3A_20, %min3A_23 : vector<400x128xf32>
    %exp3A = math.exp %min3A_24 : vector<400x128xf32>
    %sub3A = arith.constant 1.000000e+00 : f32
    %sub3A_25 = vector.broadcast %sub3A : f32 to vector<400x128xf32>
    %sub3A_26 = arith.subf %exp3A, %sub3A_25 : vector<400x128xf32>
    %select_n3A = arith.select %gt3A_22, %add3A_20, %sub3A_26 : vector<400x128xi1>, vector<400x128xf32>
    %swap3A = arith.constant 0 : index
    %swap3A_27 = arith.constant 0 : index
    %swap3A_28 = vector.load %arg6[%swap3A, %swap3A_27] : memref<400x128xf32, #tpu.memory_space<vmem>>, vector<400x128xf32>
    tpu.vector_store %arg6[%swap3A, %swap3A_27], %select_n3A {strides = array<i32>} : memref<400x128xf32, #tpu.memory_space<vmem>>, vector<400x128xf32>,
    return
  }
  func.func @transform_0(%arg0: i32) -> (i32, i32) {
    %c0_i32 = arith.constant 0 : i32
    %c0_i32_0 = arith.constant 0 : i32
    return %arg0, %c0_i32 : i32, i32
  }
  func.func @transform_1(%arg0: i32) -> (i32, i32) {
    %c0_i32 = arith.constant 0 : i32
    %c0_i32_0 = arith.constant 0 : i32
    return %arg0, %c0_i32 : i32, i32
  }
  func.func @transform_2(%arg0: i32) -> (i32, i32) {
    %c0_i32 = arith.constant 0 : i32
    %c0_i32_0 = arith.constant 0 : i32
    return %arg0, %c0_i32 : i32, i32
  }
  func.func @transform_3(%arg0: i32) -> (i32, i32) {
    %c0_i32 = arith.constant 0 : i32
    %c0_i32_0 = arith.constant 0 : i32
    return %arg0, %c0_i32 : i32, i32
  }
  func.func @transform_4(%arg0: i32) -> (i32, i32) {
    %c0_i32 = arith.constant 0 : i32
    %c0_i32_0 = arith.constant 0 : i32
    %c0_i32_1 = arith.constant 0 : i32
    return %c0_i32, %c0_i32_0 : i32, i32
  }
  func.func @transform_5(%arg0: i32) -> (i32, i32) {
    %c0_i32 = arith.constant 0 : i32
    %c0_i32_0 = arith.constant 0 : i32
    return %arg0, %c0_i32 : i32, i32
  }
}

</mosaic_0001>

<sc_bundles>
// kernel: kernel.12.cloned.1.call-start
scs
__scs_entry_jumppad:
0x0: {  	(pc) =	sbr.rel $0x88, $3  }
0x1: {  	(tag) =	ssettag $0x0;
	lr =	simm.s32 $0x1  }
0x2: {  	[smem:$0x3F96] =	sst lr;
	_ =	strace $0xD0000000  }
0x3: {  	_ = 	snop  }
0x4: {  	_ = 	snop  }
0x5: {  	_ = 	snop  }
0x6: {  	_ = 	snop  }
0x7: {  	_ = 	snop  }
__scs_overlays_trampoline_lowered:
0x8: {  	[smem:$0x3FA5] =	sst s0  }
0x9: {  	[smem:$0x3FA6] =	sst s1  }
0xa: {  	[smem:$0x3FA7] =	sst s2  }
0xb: {  	[smem:$0x3FA8] =	sst s3  }
0xc: {  	[smem:$0x3FA9] =	sst s4  }
0xd: {  	[smem:$0x3FAA] =	sst s5  }
0xe: {  	[smem:$0x3FAB] =	sst s6  }
0xf: {  	[smem:$0x3FAC] =	sst s7  }
0x10: {  	[smem:$0x3FAD] =	sst s8  }
0x11: {  	[smem:$0x3FAE] =	sst s9;
	s0 =	simm.s32 @!p0 $0x0  }
0x12: {  	s1 =	sld [smem:$0x3F94];
	s0 =	simm.s32 @p0 $0x1  }
0x13: {  	[smem:$0x3FAF] =	sst s0;
	s0 =	simm.s32 @!p1 $0x0  }
0x14: {  	s2 =	sld [smem:$0x3F93];
	s0 =	simm.s32 @p1 $0x1  }
0x15: {  	[smem:$0x3FB0] =	sst s0;
	s0 =	simm.s32 @!p2 $0x0  }
0x16: {  	s3 =	sld [smem:$0x3FDB];
	s0 =	simm.s32 @p2 $0x1  }
0x17: {  	s4 =	simm.s32 $0x1BF5;
	[smem:$0x3FB2] =	sst s0  }
0x18: {  	s0 =	sld [smem:$0x3F95];
	_ =	swait.ge [sflag:s4], $0x0  }
0x19: {  	s7 =	sld [smem:$0x3F96]  }
0x1a: {  	s8 =	sadd.s32 $0xFFFFE003, lr  }
0x1b: {  	s9 =	sadd.s32 $0xFFFFFEF7, lr;
	s5 =	simm.s32 $0xFFFFFFFF;
	p2 =	slt.u32 s8, $0xFFFFF086  }
0x1c: {  	p1 =	slt.u32 s9, $0xF7A;
	s5 =	simm.s32 @!p2 $0x0  }
0x1d: {  	s5 =	simm.s32 @p1 $0x1;
	p0 =	seq.s32 s7, s2  }
0x1e: {  	s7 =	smul.u32 @!p0 $0xF7A, s2;
	p2 =	seq.s32 @!p0 s5, $0x0  }
0x1f: {  	s9 =	smul.u32 $0xF7A, s1;
	s8 =	simm.s32 @!p0 $0x1BF5;
	p2 =	por !p2, p0  }
0x20: {  	[sflag:s8] =	ssyncset.s32 @!p0 $0xFFFFF086;
	s6 =	sadd.s32 @!p0 s3, s7;
	s7 =	simm.s32 @!p0 $0x108  }
0x21: {  	s3 =	sadd.s32 s3, s9;
	s6 =	sadd.s32 @!p0 $0x88, s6;
	s7 =	simm.s32 @p2 $0x1082  }
0x22: {  	[simem:s7], [sflag:s8] =	dma.local @!p0 [hbm:s6], $0xF7A  }
0x23: {  	s9 =	sor.u32 $0xD0000000, s2;
	s6 =	simm.s32 $0x108;
	_ =	swait.ge @!p0 [sflag:s8], $0x0  }
0x24: {  	s3 =	sadd.s32 $0x88, s3;
	s6 =	simm.s32 @!p1 $0x1082;
	[sflag:s4] =	ssyncset.s32 $0xFFFFF086  }
0x25: {  	[simem:s6], [sflag:s4] =	dma.local [hbm:s3], $0xF7A  }
0x26: {  	[smem:$0x3F96] =	sst s1;
	(tag) =	ssettag s2;
	_ =	strace s9  }
0x27: {  	s1 =	sld [smem:$0x3FA6]  }
0x28: {  	s2 =	sld [smem:$0x3FA7]  }
0x29: {  	s4 =	sld [smem:$0x3FA9]  }
0x2a: {  	p0 =	seq.s32 s5, $0x0;
	s5 =	sld [smem:$0x3FAA]  }
0x2b: {  	s6 =	sld [smem:$0x3FAB]  }
0x2c: {  	s7 =	sld [smem:$0x3FAC]  }
0x2d: {  	s3 =	simm.s32 $0x108;
	s8 =	sld [smem:$0x3FAD]  }
0x2e: {  	s3 =	simm.s32 @!p0 $0x1082;
	s9 =	sld [smem:$0x3FAE]  }
0x2f: {  	lr =	sadd.s32 s0, s3;
	s0 =	sld [smem:$0x3FA5]  }
0x30: {  	s3 =	sld [smem:$0x3FA8]  }
0x31: {  	[smem:$0x3FB1] =	sst s10  }
0x32: {  	s10 =	sld [smem:$0x3FAF];
	_ =	sdelay $0x3  }
0x33: {  	p0 =	seq.s32 s10, $0x1;
	s10 =	sld [smem:$0x3FB1];
	_ =	sdelay $0x3  }
0x34: {  	[smem:$0x3FB1] =	sst s10  }
0x35: {  	s10 =	sld [smem:$0x3FB0];
	_ =	sdelay $0x3  }
0x36: {  	p1 =	seq.s32 s10, $0x1;
	s10 =	sld [smem:$0x3FB1];
	_ =	sdelay $0x3  }
0x37: {  	[smem:$0x3FB1] =	sst s10  }
0x38: {  	s10 =	sld [smem:$0x3FB2]  }
0x39: {  	_ = 	snop;
	(pc) =	sbr.ind lr, $3  }
0x3a: {  	_ = 	snop  }
0x3b: {  	_ = 	snop  }
0x3c: {  	p2 =	seq.s32 s10, $0x1;
	s10 =	sld [smem:$0x3FB1]  }
0x3d: {  	_ =	shalt  }
0x3e: {  	_ =	shalt  }
0x3f: {  	_ =	shalt  }
0x40: {  	_ =	shalt  }
0x41: {  	_ =	shalt  }
0x42: {  	_ =	shalt  }
0x43: {  	_ =	shalt  }
0x44: {  	_ =	shalt  }
0x45: {  	_ =	shalt  }
0x46: {  	_ =	shalt  }
0x47: {  	_ =	shalt  }
0x48: {  	_ =	shalt  }
0x49: {  	_ =	shalt  }
0x4a: {  	_ =	shalt  }
0x4b: {  	_ =	shalt  }
0x4c: {  	_ =	shalt  }
0x4d: {  	_ =	shalt  }
0x4e: {  	_ =	shalt  }
0x4f: {  	_ =	shalt  }
0x50: {  	_ =	shalt  }
0x51: {  	_ =	shalt  }
0x52: {  	_ =	shalt  }
0x53: {  	_ =	shalt  }
0x54: {  	_ =	shalt  }
0x55: {  	_ =	shalt  }
0x56: {  	_ =	shalt  }
0x57: {  	_ =	shalt  }
0x58: {  	_ =	shalt  }
0x59: {  	_ =	shalt  }
0x5a: {  	_ =	shalt  }
0x5b: {  	_ =	shalt  }
0x5c: {  	_ =	shalt  }
0x5d: {  	_ =	shalt  }
0x5e: {  	_ =	shalt  }
0x5f: {  	_ =	shalt  }
0x60: {  	_ =	shalt  }
0x61: {  	_ =	shalt  }
0x62: {  	_ =	shalt  }
0x63: {  	_ =	shalt  }
0x64: {  	_ =	shalt  }
0x65: {  	_ =	shalt  }
0x66: {  	_ =	shalt  }
0x67: {  	_ =	shalt  }
0x68: {  	_ =	shalt  }
0x69: {  	_ =	shalt  }
0x6a: {  	_ =	shalt  }
0x6b: {  	_ =	shalt  }
0x6c: {  	_ =	shalt  }
0x6d: {  	_ =	shalt  }
0x6e: {  	_ =	shalt  }
0x6f: {  	_ =	shalt  }
0x70: {  	_ =	shalt  }
0x71: {  	_ =	shalt  }
0x72: {  	_ =	shalt  }
0x73: {  	_ =	shalt  }
0x74: {  	_ =	shalt  }
0x75: {  	_ =	shalt  }
0x76: {  	_ =	shalt  }
0x77: {  	_ =	shalt  }
0x78: {  	_ =	shalt  }
0x79: {  	_ =	shalt  }
0x7a: {  	_ =	shalt  }
0x7b: {  	_ =	shalt  }
0x7c: {  	_ =	shalt  }
0x7d: {  	_ =	shalt  }
0x7e: {  	_ =	shalt  }
0x7f: {  	_ =	shalt  }
0x80: {  	_ =	shalt  }
0x81: {  	_ =	shalt  }
0x82: {  	_ =	shalt  }
0x83: {  	_ =	shalt  }
0x84: {  	_ =	shalt  }
0x85: {  	_ =	shalt  }
0x86: {  	_ =	shalt  }
0x87: {  	_ =	shalt  }
.Lfunc_end0:
.L_simem_size_0:
called_computation.1_lowered:
.L_overlay_start_0:
0x88: {  	s2 =	sld [smem:$0x3FD9]  }
0x89: {  	s3 =	sld [smem:$0x3FFE];
	_ =	sdelay $0x1  }
0x8a: {  	s1 =	srdreg.scid  }
0x8b: {  	s0 =	sand.u32 $0x1, s1  }
0x8c: {  	s17 =	sshll.u32 s0, $0xA;
	s2 =	sadd.s32 s3, s2  }
0x8d: {  	s2 =	sadd.s32 s2, s17  }
0x8e: {  	[smem:$0x3FBD] =	sst s2  }
0x8f: {  	_ = 	snop  }
0x90: {  	s2 =	sld [smem:$0x3FD0];
	(tm) =	ssettm $0x1  }
0x91: {  	s18 =	sld [smem:$0x3FFB];
	_ =	sdelay $0x3  }
0x92: {  	_ =	strace s18  }
0x93: {  	s3 =	sld [smem:$0x3FFC];
	_ =	sdelay $0x3  }
0x94: {  	_ =	strace s3  }
0x95: {  	s3 =	sld [smem:$0x3FFD];
	_ =	sdelay $0x3  }
0x96: {  	_ =	strace s3  }
0x97: {  	_ =	strace $0x8FFFFFFF  }
0x98: {  	s19 =	sld [smem:$0x3FDB];
	_ =	sdelay $0x1  }
0x99: {  	s4 =	simm.s32 $_scs_section_size  }
0x9a: {  	s5 =	simm.s32 $_size__tile_overlayer_lowered;
	s6 =	simm.s32 $_tile_overlayer_lowered  }
0x9b: {  	s22 =	simm.s32 $0x1BFF;
	s21 =	sshll.u32 s6, $0x1;
	s3 =	sadd.s32 s4, s19  }
0x9c: {  	s7 =	simm.s32 $0x0;
	s20 =	sshll.u32 s5, $0x1;
	s5 =	sadd.s32 s21, s3  }
0x9d: {  	[timem:s7], [sflag:s22] =	dma.local [hbm:s5], s20  }
0x9e: {  	_ =	swait.ge [sflag:s22], s20  }
0x9f: {  	s4 =	ssub.s32 $0x0, s20;
	[sflag:s22] =	ssyncset.done $0x0  }
0xa0: {  	[sflag:s22] =	ssyncadd.s32 s4;
	_ =	sdelay $0x1  }
0xa1: {  	s23 =	simm.s32 $0x1B8B  }
0xa2: {  	_ =	swait.ge [sflag:s23], $0x1  }
0xa3: {  	[sflag:s23] =	ssyncset.done $0x0  }
0xa4: {  	s25 =	simm.s32 $0x1B8E;
	s24 =	sld [smem:$0x3FFE];
	[sflag:s23] =	ssyncadd.s32 $0xFFFFFFFF  }
0xa5: {  	s26 =	simm.s32 $execute0_lowered;
	[smem:$0x3FD2] =	sst s25  }
0xa6: {  	s5 =	sshll.u32 s26, $0x1;
	_ =	strace $0x80000049;
	[dreg:$0x1] =	wrdreg $0xFFFFFFFF  }
0xa7: {  	s28 =	simm.s32 $_size_execute0_lowered;
	s3 =	sadd.s32 s3, s5;
	[dreg:$0x0] =	wrdreg $0x0  }
0xa8: {  	s5 =	sshll.u32 s28, $0x1;
	[dreg:$0x2] =	wrdreg s3  }
0xa9: {  	[dreg:$0x3] =	wrdreg s5  }
0xaa: {  	[dreg:$0x4] =	wrdreg $0xC0  }
0xab: {  	_ =	task [dreg:s7], $0x5FFFF  }
0xac: {  	[dreg:$0x1] =	wrdreg $0xFFFFFFFF  }
0xad: {  	[dreg:$0x0] =	wrdreg $0x60  }
0xae: {  	[dreg:$0x2] =	wrdreg s2  }
0xaf: {  	[dreg:$0x3] =	wrdreg s24  }
0xb0: {  	[dreg:$0x4] =	wrdreg $0x0  }
0xb1: {  	[dreg:$0x5] =	wrdreg $0x9  }
0xb2: {  	_ =	task.clear_ibuf [dreg:s7], $0x6FFFF;
	_ =	strace $0x90000049  }
0xb3: {  	s29 =	simm.s32 $0x9;
	_ =	strace $0x8000004B  }
0xb4: {  	_ =	swait.ge [sflag:s29], $0x1  }
0xb5: {  	[sflag:s29] =	ssyncadd.s32 $0xFFFFFFFF  }
0xb6: {  	_ =	strace $0x9000004B  }
0xb7: {  	_ =	sfence  }
0xb8: {  	s30 =	sld [smem:$0x0];
	_ =	sdelay $0x2  }
0xb9: {  	s31 =	sshll.u32 s1, $0xD;
	s1 =	sshrl.u32 s1, $0x2  }
0xba: {  	s3 =	sand.u32 $0x4000, s31;
	s1 =	sadd.s32 s1, s30  }
0xbb: {  	s0 =	sor.u32 s3, s0;
	s1 =	sshll.u32 s1, $0x11  }
0xbc: {  	s0 =	sor.u32 s1, s0  }
0xbd: {  	s0 =	sadd.s32 $0x8F2B, s0  }
0xbe: {  	[sflag:s0] =	ssyncadd.remote.s32 $0x1  }
0xbf: {  	_ =	sfence.sel $0xFFFF  }
0xc0: {  	[dreg:$0x0] =	wrdreg $0xFFFFFFFF;
	(pc) =	sbr.abs _section_cstart, $3  }
0xc1: {  	[dreg:$0x1] =	wrdreg $0xFFFFFFFF  }
0xc2: {  	_ =	task.clear_ibuf [dreg:s7], $0x2FFFF;
	_ =	strace $0x9FFFFFFF  }
0xc3: {  	(tm) =	ssettm $0x7FFFFFFF  }
tec
execute0_lowered:
.L_overlay_start_1:
0x0: {  	(tag) =	ssettag $0x1  }
0x1: {  	s1 =	rddreg [dreg:$0x0]  }
0x2: {  	s0 =	srdreg.scid;
	s2 =	rddreg [dreg:$0x1]  }
0x3: {  	s18 =	stileid.u32;
	s3 =	rddreg [dreg:$0x2]  }
0x4: {  	s0 =	sand.u32 $0x1, s0;
	s4 =	sshll.u32 s18, $0x1;
	s5 =	sadd.s32 $0x4E3000, s2  }
0x5: {  	s6 =	sadd.s32 $0xF48000, s2;
	s7 =	sadd.s32 $0x50C000, s2;
	s13 =	smul.u32 $0x14000, s18  }
0x6: {  	s8 =	sadd.s32 $0xE00, s2;
	s9 =	sadd.s32 $0x534000, s2;
	s18 =	smul.u32 $0x50000, s18  }
0x7: {  	s10 =	sadd.s32 $0xAE00, s2;
	s12 =	sor.u32 s0, s4;
	s11 =	smul.u32 $0x140000, s0  }
0x8: {  	s4 =	simm.s32 $0x0;
	s0 =	ssub.s32 $0x2, s0;
	s14 =	smul.u32 $0x500, s12  }
0x9: {  	[smem:$0x7FF] =	sst s4;
	s16 =	smul.u32 $0x280, s12;
	s29 =	sshrl.u32 s0, $0x1  }
0xa: {  	_ =	strace $0x8000004A;
	s11 =	sadd.s32 s13, s11;
	s0 =	ssub.s32 s0, s29  }
0xb: {  	s15 =	sadd.s32 s14, s2;
	s17 =	sadd.s32 s16, s2;
	s23 =	sadd.s32 s9, s16  }
0xc: {  	s24 =	sor.u32 $0x10, s16;
	s16 =	sadd.s32 s10, s16;
	[dreg:$0xc] =	wrdreg s23  }
0xd: {  	s13 =	sshrl.u32 s11, $0x3;
	s0 =	smax.u32 s0, $0x1;
	[dreg:$0xd] =	wrdreg s16  }
0xe: {  	s11 =	smul.u32 $0x50, s12;
	s30 =	sadd.s32 $0x516000, s15;
	[dreg:$0x11] =	wrdreg s0  }
0xf: {  	s19 =	sor.u32 $0x10, s14;
	s31 =	sadd.s32 $0x539000, s17;
	[dreg:$0x4] =	wrdreg s30  }
0x10: {  	s17 =	sshrl.u32 s18, $0x2;
	s18 =	sadd.s32 s7, s14;
	[dreg:$0x5] =	wrdreg s31  }
0x11: {  	s2 =	sadd.s32 s13, s2;
	s14 =	sadd.s32 s8, s14;
	[dreg:$0x7] =	wrdreg s18  }
0x12: {  	s13 =	smul.u32 $0x28, s12;
	s21 =	sadd.s32 s7, s19;
	[dreg:$0x8] =	wrdreg s14  }
0x13: {  	s12 =	smul.u32 $0x28000, s12;
	s22 =	sadd.s32 s8, s19;
	[dreg:$0xa] =	wrdreg s21  }
0x14: {  	s25 =	sadd.s32 s9, s24;
	s16 =	simm.s32 $0x1FD00;
	[dreg:$0xb] =	wrdreg s22  }
0x15: {  	s19 =	simm.s32 $0x1FC80;
	[dreg:$0xe] =	wrdreg s25;
	s2 =	sadd.s32 $0xFE00, s2  }
0x16: {  	s23 =	simm.s32 $0x2;
	s15 =	sadd.s32 s17, s3;
	[dreg:$0x10] =	wrdreg s2  }
0x17: {  	s20 =	sadd.s32 s6, s12;
	s12 =	sadd.s32 s10, s24;
	[dreg:$0x6] =	wrdreg s15  }
0x18: {  	s17 =	simm.s32 $0x80;
	s21 =	simm.s32 $0x18000;
	[dreg:$0xf] =	wrdreg s12  }
0x19: {  	s22 =	simm.s32 $0x1;
	s28 =	sadd.s32 $0x4000, s15;
	[dreg:$0x9] =	wrdreg s20  }
.Ltmp0:
0x1a: {  	s29 =	sadd.s32 $0x8000, s15;
	[dreg:$0x13] =	wrdreg s28;
	(pc) =	sbr.rel .LBB2_1-.Ltmp0, $4  }
0x1b: {  	s25 =	simm.s32 $0x4;
	s30 =	sadd.s32 $0xC000, s15;
	[dreg:$0x14] =	wrdreg s29  }
0x1c: {  	s31 =	sadd.s32 $0x10000, s15;
	s24 =	simm.s32 $0x6;
	[dreg:$0x15] =	wrdreg s30  }
0x1d: {  	s2 =	simm.s32 $0x0;
	s26 =	sadd.s32 $0x800, s20;
	[dreg:$0x16] =	wrdreg s31  }
0x1e: {  	v0 =	vimm.f32 $0.0e+00;
	s20 =	simm.s32 $0x1FD80;
	[dreg:$0x12] =	wrdreg s26;
	s26 =	simm.s32 $0x5  }
.LBB2_17:
0x1f: {  	s0 =	simm.s32 $0x1FB80;
	s26 =	simm.s32 $0x5  }
0x20: {  	[spmem:s3] =	stream.indirect.scatter.add.f32 [tilespmem:s21], [sflag:$0x5], $0x80, s0, s17, $0xb8;
	[tilespmem:$0x1FE00] =	vst v63  }
0x21: {  	_ =	swait.ge [sflag:s26], $0x4000  }
0x22: {  	[sflag:s26] =	ssyncset.done $0x0  }
0x23: {  	[sflag:s26] =	ssyncadd.s32 $0xFFFFC000  }
0x24: {  	s29 =	stileid.u32;
	[bflag:$0x0] =	sbarrier.arrive $0xFFFF  }
0x25: {  	s0 =	sshll.u32 s29, $0x6;
	s15 =	rddreg [dreg:$0x6]  }
0x26: {  	s0 =	sor.u32 $0x1C05, s0;
	s12 =	rddreg [dreg:$0x10];
	s2 =	sshrl.u32 s15, $0x3  }
0x27: {  	[hbm:s12], [sflag:s0] =	dma.local [spmem:s2], $0x2800  }
0x28: {  	_ =	swait.ge [sflag:s26], $0x2800  }
0x29: {  	s30 =	rddreg [dreg:$0x17]  }
0x2a: {  	s31 =	rddreg [dreg:$0x11];
	s2 =	sadd.s32 $0x1, s30  }
0x2b: {  	p0 =	sne.s32 s2, s31  }
.Ltmp1:
0x2c: {  	_ = 	snop;
	(pc) =	sbr.rel @!p0 .LBB2_18-.Ltmp1, $3  }
0x2d: {  	_ =	sdelay $0x1  }
0x2e: {  	[sflag:s26] =	ssyncset.done $0x0  }
0x2f: {  	[sflag:s26] =	ssyncadd.s32 $0xFFFFD800  }
.LBB2_1:
0x30: {  	[dreg:$0x17] =	wrdreg s2  }
0x31: {  	s0 =	rddreg [dreg:$0x4];
	s28 =	simm.s32 $0x1C000  }
0x32: {  	[tilespmem:s28], [sflag:$0x5] =	stream.linear.gather [hbm4b:s0+s4], $0x2800, $0x38;
	[tilespmem:$0x1FE00] =	vst v63  }
0x33: {  	_ =	swait.ge [sflag:s26], $0x2800  }
0x34: {  	[sflag:s26] =	ssyncset.done $0x0  }
0x35: {  	s30 =	simm.s32 $0x1E800;
	s29 =	rddreg [dreg:$0x5];
	[sflag:s26] =	ssyncadd.s32 $0xFFFFD800  }
0x36: {  	[tilespmem:s30], [sflag:$0x5] =	stream.linear.gather [hbm4b:s29+s4], $0x1400, $0x38;
	[tilespmem:$0x1FE00] =	vst v63  }
0x37: {  	s31 =	sand.u32 $0xFE00, s4;
	s14 =	sand.u32 $0x70, s4;
	_ =	swait.ge [sflag:s26], $0x1400  }
0x38: {  	s2 =	simm.s32 $0x40;
	s18 =	sshrl.u32 s31, $0x2;
	[sflag:s26] =	ssyncset.done $0x0  }
0x39: {  	s18 =	sor.u32 s14, s18;
	s14 =	simm.s32 $0x0;
	[sflag:s26] =	ssyncadd.s32 $0xFFFFEC00  }
.LBB2_2:
0x3a: {  	p0 =	sne.s32 s2, $0xFFC0  }
0x3b: {  	[tilespmem:s18+$0x14000] =	vst v0;
	s14 =	sadd.s32 $0x10, s14;
	s18 =	smov.u32 s2;
	s2 =	sadd.s32 $0x40, s2  }
.Ltmp2:
0x3c: {  	(pc) =	sbr.rel @p0 .LBB2_2-.Ltmp2, $4  }
0x3d: {  	_ = 	snop  }
0x3e: {  	s18 =	sand.u32 $0xFE00, s18  }
0x3f: {  	s28 =	sand.u32 $0x70, s14;
	s18 =	sshrl.u32 s18, $0x2  }
0x40: {  	s18 =	sor.u32 s28, s18  }
0x41: {  	[tilespmem:s18+$0x14000] =	vst v0;
	s2 =	simm.s32 $0x14000  }
0x42: {  	[spmem:s15] =	stream.linear.scatter [tilespmem:s2], [sflag:$0x5], $0x4000, $0x38;
	[tilespmem:$0x1FE00] =	vst v63  }
0x43: {  	_ =	swait.ge [sflag:s26], $0x4000  }
0x44: {  	[sflag:s26] =	ssyncset.done $0x0  }
0x45: {  	s0 =	rddreg [dreg:$0x13];
	[sflag:s26] =	ssyncadd.s32 $0xFFFFC000  }
0x46: {  	[spmem:s0] =	stream.linear.scatter [tilespmem:s2], [sflag:$0x5], $0x4000, $0x38;
	[tilespmem:$0x1FE00] =	vst v63  }
0x47: {  	_ =	swait.ge [sflag:s26], $0x4000  }
0x48: {  	[sflag:s26] =	ssyncset.done $0x0  }
0x49: {  	s15 =	rddreg [dreg:$0x14];
	[sflag:s26] =	ssyncadd.s32 $0xFFFFC000  }
0x4a: {  	[spmem:s15] =	stream.linear.scatter [tilespmem:s2], [sflag:$0x5], $0x4000, $0x38;
	[tilespmem:$0x1FE00] =	vst v63  }
0x4b: {  	_ =	swait.ge [sflag:s26], $0x4000  }
0x4c: {  	[sflag:s26] =	ssyncset.done $0x0  }
0x4d: {  	s18 =	rddreg [dreg:$0x15];
	[sflag:s26] =	ssyncadd.s32 $0xFFFFC000  }
0x4e: {  	[spmem:s18] =	stream.linear.scatter [tilespmem:s2], [sflag:$0x5], $0x4000, $0x38;
	[tilespmem:$0x1FE00] =	vst v63  }
0x4f: {  	_ =	swait.ge [sflag:s26], $0x4000  }
0x50: {  	[sflag:s26] =	ssyncset.done $0x0  }
0x51: {  	s30 =	rddreg [dreg:$0x16];
	[sflag:s26] =	ssyncadd.s32 $0xFFFFC000  }
0x52: {  	[spmem:s30] =	stream.linear.scatter [tilespmem:s2], [sflag:$0x5], $0x4000, $0x38;
	[tilespmem:$0x1FE00] =	vst v63  }
0x53: {  	_ =	swait.ge [sflag:s26], $0x4000  }
0x54: {  	[sflag:s26] =	ssyncset.done $0x0  }
0x55: {  	[sflag:s26] =	ssyncadd.s32 $0xFFFFC000  }
0x56: {  	[bflag:$0x0] =	sbarrier.arrive $0xFFFF  }
0x57: {  	s28 =	simm.s32 $0x0;
	s12 =	simm.s32 $0x1FC00;
	s31 =	rddreg [dreg:$0x7]  }
0x58: {  	[tilespmem:s12], [sflag:$0x5] =	stream.linear.gather [hbm4b:s31+s28], $0x80, $0x38;
	[tilespmem:$0x1FE00] =	vst v63  }
0x59: {  	_ =	swait.ge [sflag:s26], $0x80  }
0x5a: {  	[sflag:s26] =	ssyncset.done $0x0  }
0x5b: {  	s14 =	rddreg [dreg:$0x8];
	[sflag:s26] =	ssyncadd.s32 $0xFFFFFF80  }
0x5c: {  	[tilespmem:s16], [sflag:$0x5] =	stream.linear.gather [hbm4b:s14+s28], $0x80, $0x38;
	[tilespmem:$0x1FE00] =	vst v63  }
0x5d: {  	_ =	swait.ge [sflag:s26], $0x80  }
0x5e: {  	[sflag:s26] =	ssyncset.done $0x0  }
0x5f: {  	s15 =	rddreg [dreg:$0x9];
	[sflag:s26] =	ssyncadd.s32 $0xFFFFFF80  }
0x60: {  	[tilespmem:s2], [sflag:$0x5] =	stream.linear.gather [hbm4b:s15+s28], $0x4000, $0x38;
	[tilespmem:$0x1FE00] =	vst v63  }
0x61: {  	_ =	swait.ge [sflag:s26], $0x4000  }
0x62: {  	[sflag:s26] =	ssyncset.done $0x0  }
0x63: {  	[sflag:s26] =	ssyncadd.s32 $0xFFFFC000  }
0x64: {  	[tilespmem:s2], [sflag:$0x1] =	stream.indirect.gather.add.f32 [hbm:s1], $0x80, s12, s17, $0xb8;
	[tilespmem:$0x1FE00] =	vst v63  }
0x65: {  	s18 =	rddreg [dreg:$0xa]  }
0x66: {  	[tilespmem:s19], [sflag:$0x5] =	stream.linear.gather [hbm4b:s18+s28], $0x80, $0x38;
	[tilespmem:$0x1FE00] =	vst v63  }
0x67: {  	_ =	swait.ge [sflag:s26], $0x80  }
0x68: {  	[sflag:s26] =	ssyncset.done $0x0  }
0x69: {  	s30 =	rddreg [dreg:$0xb];
	[sflag:s26] =	ssyncadd.s32 $0xFFFFFF80  }
0x6a: {  	[tilespmem:s20], [sflag:$0x5] =	stream.linear.gather [hbm4b:s30+s28], $0x80, $0x38;
	[tilespmem:$0x1FE00] =	vst v63  }
0x6b: {  	_ =	swait.ge [sflag:s26], $0x80  }
0x6c: {  	[sflag:s26] =	ssyncset.done $0x0  }
0x6d: {  	s31 =	rddreg [dreg:$0x12];
	[sflag:s26] =	ssyncadd.s32 $0xFFFFFF80  }
0x6e: {  	[tilespmem:s21], [sflag:$0x5] =	stream.linear.gather [hbm4b:s31+s28], $0x4000, $0x38;
	[tilespmem:$0x1FE00] =	vst v63  }
0x6f: {  	_ =	swait.ge [sflag:s26], $0x4000  }
0x70: {  	[sflag:s26] =	ssyncset.done $0x0  }
0x71: {  	s29 =	simm.s32 $0x0;
	[sflag:s26] =	ssyncadd.s32 $0xFFFFC000  }
0x72: {  	[tilespmem:s21], [sflag:$0x2] =	stream.indirect.gather.add.f32 [hbm:s1], $0x80, s19, s17, $0xb8;
	[tilespmem:$0x1FE00] =	vst v63  }
.LBB2_4:
0x73: {  	v1 =	vmov s28  }
0x74: {  	v1 =	vand.u32 $0xFFFFFFFE, v1  }
0x75: {  	v2 =	vbroadcast v1, $0x0;
	_ =	sdelay $0x1  }
0x76: {  	_ =	swait.ge [sflag:s22], $0x4000  }
0x77: {  	[sflag:s22] =	ssyncset.done $0x0  }
0x78: {  	s30 =	simm.s32 $0x14080;
	[sflag:s22] =	ssyncadd.s32 $0xFFFFC000  }
0x79: {  	v5 =	vld [tilespmem:s30+$0xFFFFFFF0]  }
0x7a: {  	v6 =	vld.idx.msk [tilespmem:v2+s16+$0x0], $0xffff  }
0x7b: {  	v7 =	vld [tilespmem:s30+$0xFFFFFF80]  }
0x7c: {  	v8 =	vld [tilespmem:s30+$0xFFFFFFA0]  }
0x7d: {  	v4 =	vld [tilespmem:s30+$0xFFFFFFB0]  }
0x7e: {  	v3 =	vld [tilespmem:s30+$0xFFFFFFD0]  }
0x7f: {  	v10 =	vld [tilespmem:s30+$0xFFFFFF90];
	v5 =	vmul.f32 v5, v6  }
0x80: {  	v9 =	vld [tilespmem:s30+$0xFFFFFFE0];
	v7 =	vmul.f32 v7, v6  }
0x81: {  	v11 =	vld [tilespmem:s30+$0xFFFFFFC0];
	v8 =	vmul.f32 v8, v6;
	[tilespmem:s30+$0xFFFFFFF0] =	vst v5  }
0x82: {  	v4 =	vmul.f32 v4, v6;
	[tilespmem:s30+$0xFFFFFF80] =	vst v7  }
0x83: {  	s2 =	simm.s32 $0x1;
	v3 =	vmul.f32 v3, v6;
	[tilespmem:s30+$0xFFFFFFA0] =	vst v8  }
0x84: {  	v5 =	vmul.f32 v10, v6;
	[tilespmem:s30+$0xFFFFFFB0] =	vst v4;
	v7 =	vmov s2  }
0x85: {  	v1 =	vld [tilespmem:s30+$0x0];
	v4 =	vmul.f32 v9, v6;
	[tilespmem:s30+$0xFFFFFFD0] =	vst v3  }
0x86: {  	v2 =	vld [tilespmem:s30+$0x10];
	v3 =	vmul.f32 v11, v6;
	[tilespmem:s30+$0xFFFFFF90] =	vst v5  }
0x87: {  	[tilespmem:s30+$0xFFFFFFE0] =	vst v4;
	v5 =	vld [tilespmem:s30+$0x30]  }
0x88: {  	[tilespmem:s30+$0xFFFFFFC0] =	vst v3;
	v4 =	vld [tilespmem:s30+$0x70]  }
0x89: {  	s31 =	simm.s32 $0x2;
	s2 =	simm.s32 $0x14080;
	v3 =	vld.idx.msk [tilespmem:v7+s16+$0x0], $0xffff  }
.LBB2_5:
0x8a: {  	p0 =	sne.s32 s31, $0x7E  }
0x8b: {  	v6 =	vld [tilespmem:s30+$0x20];
	s2 =	sadd.s32 $0x100, s2;
	s18 =	smov.u32 s31;
	s31 =	sadd.s32 $0x2, s31  }
0x8c: {  	v7 =	vld [tilespmem:s30+$0x40]  }
0x8d: {  	v8 =	vld [tilespmem:s30+$0x50]  }
0x8e: {  	v9 =	vld [tilespmem:s30+$0x60];
	_ =	sdelay $0x1  }
0x8f: {  	v1 =	vmul.f32 v1, v3;
	v2 =	vmul.f32 v2, v3  }
0x90: {  	v5 =	vmul.f32 v5, v3;
	v6 =	vmul.f32 v6, v3  }
0x91: {  	v10 =	vmov s18;
	v7 =	vmul.f32 v7, v3;
	[tilespmem:s30+$0x0] =	vst v1;
	v8 =	vmul.f32 v8, v3  }
0x92: {  	v10 =	vand.u32 $0xFFFFFFFE, v10;
	v1 =	vld [tilespmem:s2+$0x0];
	[tilespmem:s30+$0x30] =	vst v5;
	v5 =	vmul.f32 v9, v3;
	v3 =	vmul.f32 v4, v3  }
0x93: {  	v4 =	vbroadcast v10, $0x0;
	[tilespmem:s30+$0x10] =	vst v2  }
0x94: {  	[tilespmem:s30+$0x70] =	vst v3  }
0x95: {  	v3 =	vld [tilespmem:s2+$0xFFFFFFD0];
	[tilespmem:s30+$0x20] =	vst v6  }
0x96: {  	v6 =	vld [tilespmem:s2+$0xFFFFFFB0];
	[tilespmem:s30+$0x60] =	vst v5  }
0x97: {  	v5 =	vld [tilespmem:s2+$0xFFFFFFE0];
	[tilespmem:s30+$0x40] =	vst v7  }
0x98: {  	v7 =	vld [tilespmem:s2+$0xFFFFFFF0];
	[tilespmem:s30+$0x50] =	vst v8;
	s30 =	smov.u32 s2  }
0x99: {  	v4 =	vld.idx.msk [tilespmem:v4+s16+$0x0], $0xffff  }
0x9a: {  	v8 =	vld [tilespmem:s2+$0xFFFFFF80]  }
0x9b: {  	v9 =	vld [tilespmem:s2+$0xFFFFFFA0]  }
0x9c: {  	v10 =	vld [tilespmem:s2+$0xFFFFFF90]  }
0x9d: {  	v11 =	vld [tilespmem:s2+$0xFFFFFFC0]  }
0x9e: {  	v2 =	vld [tilespmem:s2+$0x10]  }
0x9f: {  	v7 =	vmul.f32 v7, v4;
	v8 =	vmul.f32 v8, v4  }
0xa0: {  	v5 =	vmul.f32 v5, v4;
	v9 =	vmul.f32 v9, v4  }
0xa1: {  	v6 =	vmul.f32 v6, v4;
	v10 =	vmul.f32 v10, v4;
	[tilespmem:s2+$0xFFFFFFF0] =	vst v7  }
0xa2: {  	v3 =	vmul.f32 v3, v4;
	[tilespmem:s2+$0xFFFFFF80] =	vst v8;
	v7 =	vmul.f32 v11, v4  }
0xa3: {  	s14 =	sadd.s32 $0x1, s18;
	[tilespmem:s2+$0xFFFFFFA0] =	vst v9  }
0xa4: {  	[tilespmem:s2+$0xFFFFFFB0] =	vst v6;
	v6 =	vmov s14  }
.Ltmp3:
0xa5: {  	[tilespmem:s2+$0xFFFFFFD0] =	vst v3;
	(pc) =	sbr.rel @p0 .LBB2_5-.Ltmp3, $4  }
0xa6: {  	[tilespmem:s2+$0xFFFFFF90] =	vst v10  }
0xa7: {  	[tilespmem:s2+$0xFFFFFFE0] =	vst v5;
	v5 =	vld [tilespmem:s2+$0x30]  }
0xa8: {  	[tilespmem:s2+$0xFFFFFFC0] =	vst v7;
	v4 =	vld [tilespmem:s2+$0x70]  }
0xa9: {  	v3 =	vld.idx.msk [tilespmem:v6+s16+$0x0], $0xffff  }
0xaa: {  	_ =	sdelay $0x2  }
0xab: {  	v6 =	vld [tilespmem:s30+$0x20]  }
0xac: {  	v7 =	vld [tilespmem:s30+$0x60];
	v1 =	vmul.f32 v1, v3  }
0xad: {  	v8 =	vld [tilespmem:s30+$0x40];
	v5 =	vmul.f32 v5, v3  }
0xae: {  	v9 =	vld [tilespmem:s30+$0x50];
	v2 =	vmul.f32 v2, v3;
	[tilespmem:s30+$0x0] =	vst v1  }
0xaf: {  	[tilespmem:s30+$0x30] =	vst v5;
	v1 =	vmul.f32 v4, v3  }
0xb0: {  	v4 =	vmul.f32 v6, v3;
	[tilespmem:s30+$0x10] =	vst v2  }
0xb1: {  	v2 =	vmul.f32 v7, v3;
	[tilespmem:s30+$0x70] =	vst v1  }
0xb2: {  	v1 =	vmul.f32 v8, v3;
	[tilespmem:s30+$0x20] =	vst v4  }
0xb3: {  	v3 =	vmul.f32 v9, v3;
	[tilespmem:s30+$0x60] =	vst v2  }
0xb4: {  	p0 =	seq.s32 s29, $0x27;
	[tilespmem:s30+$0x40] =	vst v1  }
0xb5: {  	s2 =	simm.s32 @p0 $0x80;
	s14 =	simm.s32 @p0 $0x1E700;
	s18 =	simm.s32 @p0 $0x14000;
	[tilespmem:s30+$0x50] =	vst v3  }
0xb6: {  	[spmem:s3] =	stream.indirect.scatter.add.f32 @p0 [tilespmem:s18], [sflag:$0x6], $0x80, s14, s2, $0xb8;
	[tilespmem:$0x1FE00] =	vst v63  }
0xb7: {  	s31 =	simm.s32 @!p0 $0x14000;
	s2 =	simm.s32 @p0 $0x6  }
0xb8: {  	s30 =	sshll.u32 s29, $0x1;
	s14 =	sshll.u32 @!p0 s29, $0x8;
	_ =	swait.ge @p0 [sflag:s2], $0x4000  }
0xb9: {  	s18 =	simm.s32 @!p0 $0x80;
	s14 =	sand.u32 @!p0 $0x3FFFFF00, s14;
	[sflag:s2] =	ssyncset.done @p0 $0x0  }
0xba: {  	s14 =	sadd.s32 @!p0 $0x1C000, s14;
	[sflag:s2] =	ssyncadd.s32 @p0 $0xFFFFC000;
	s2 =	sadd.s32 @!p0 $0x2, s30  }
0xbb: {  	[spmem:s3] =	stream.indirect.scatter.add.f32 @!p0 [tilespmem:s31], [sflag:$0x3], $0x80, s14, s18, $0xb8;
	[tilespmem:$0x1FE00] =	vst v63  }
0xbc: {  	s14 =	sadd.s32 @!p0 s11, s2  }
0xbd: {  	s2 =	sshll.u32 @!p0 s2, $0x4;
	s15 =	sshll.u32 @!p0 s14, $0x4  }
0xbe: {  	s2 =	sand.u32 @!p0 $0x60, s2;
	s15 =	sand.u32 @!p0 $0xFFFFF80, s15  }
0xbf: {  	s2 =	sor.u32 @!p0 s2, s15  }
0xc0: {  	s12 =	simm.s32 @!p0 $0x0;
	s26 =	simm.s32 @!p0 $0x1FC00;
	s15 =	sadd.s32 @!p0 s7, s2  }
0xc1: {  	[tilespmem:s26], [sflag:$0x6] =	stream.linear.gather @!p0 [hbm4b:s15+s12], $0x80, $0x38;
	[tilespmem:$0x1FE00] =	vst v63  }
0xc2: {  	s15 =	simm.s32 @!p0 $0x6  }
0xc3: {  	_ =	swait.ge @!p0 [sflag:s15], $0x80  }
0xc4: {  	[sflag:s15] =	ssyncset.done @!p0 $0x0  }
0xc5: {  	s0 =	simm.s32 @!p0 $0x1FD00;
	s2 =	sadd.s32 @!p0 s8, s2;
	[sflag:s15] =	ssyncadd.s32 @!p0 $0xFFFFFF80  }
0xc6: {  	[tilespmem:s0], [sflag:$0x6] =	stream.linear.gather @!p0 [hbm4b:s2+s12], $0x80, $0x38;
	[tilespmem:$0x1FE00] =	vst v63  }
0xc7: {  	_ =	swait.ge @!p0 [sflag:s15], $0x80  }
0xc8: {  	[sflag:s15] =	ssyncset.done @!p0 $0x0  }
0xc9: {  	s0 =	simm.s32 @!p0 $0x3;
	[sflag:s15] =	ssyncadd.s32 @!p0 $0xFFFFFF80  }
0xca: {  	s2 =	sshll.u32 @!p0 s14, $0xB;
	_ =	swait.ge @!p0 [sflag:s0], $0x4000  }
0xcb: {  	s2 =	sand.u32 @!p0 $0x1FFFF000, s2;
	[sflag:s0] =	ssyncset.done @!p0 $0x0  }
0xcc: {  	[sflag:s0] =	ssyncadd.s32 @!p0 $0xFFFFC000;
	s0 =	sadd.s32 @!p0 s6, s2  }
0xcd: {  	[tilespmem:s31], [sflag:$0x6] =	stream.linear.gather @!p0 [hbm4b:s0+s12], $0x4000, $0x38;
	[tilespmem:$0x1FE00] =	vst v63  }
0xce: {  	_ =	swait.ge @!p0 [sflag:s15], $0x4000  }
0xcf: {  	[sflag:s15] =	ssyncset.done @!p0 $0x0  }
0xd0: {  	[sflag:s15] =	ssyncadd.s32 @!p0 $0xFFFFC000;
	s15 =	simm.s32 $0x0  }
0xd1: {  	v1 =	vmov s15  }
0xd2: {  	v1 =	vand.u32 $0xFFFFFFFE, v1  }
0xd3: {  	v2 =	vbroadcast v1, $0x0  }
0xd4: {  	[tilespmem:s31], [sflag:$0x1] =	stream.indirect.gather.add.f32 @!p0 [hbm:s1], $0x80, s26, s18, $0xb8;
	[tilespmem:$0x1FE00] =	vst v63  }
0xd5: {  	_ =	swait.ge [sflag:s23], $0x4000  }
0xd6: {  	[sflag:s23] =	ssyncset.done $0x0  }
0xd7: {  	s31 =	simm.s32 $0x18080;
	[sflag:s23] =	ssyncadd.s32 $0xFFFFC000  }
0xd8: {  	v5 =	vld [tilespmem:s31+$0xFFFFFFF0]  }
0xd9: {  	v6 =	vld.idx.msk [tilespmem:v2+s20+$0x0], $0xffff  }
0xda: {  	v7 =	vld [tilespmem:s31+$0xFFFFFF80]  }
0xdb: {  	v62 =	vld [tilespmem:s31+$0xFFFFFFA0]  }
0xdc: {  	v4 =	vld [tilespmem:s31+$0xFFFFFFB0]  }
0xdd: {  	v3 =	vld [tilespmem:s31+$0xFFFFFFD0]  }
0xde: {  	v10 =	vld [tilespmem:s31+$0xFFFFFF90];
	v5 =	vmul.f32 v5, v6  }
0xdf: {  	v63 =	vld [tilespmem:s31+$0xFFFFFFE0];
	v7 =	vmul.f32 v7, v6  }
0xe0: {  	v11 =	vld [tilespmem:s31+$0xFFFFFFC0];
	v8 =	vmul.f32 v62, v6;
	[tilespmem:s31+$0xFFFFFFF0] =	vst v5  }
0xe1: {  	v4 =	vmul.f32 v4, v6;
	[tilespmem:s31+$0xFFFFFF80] =	vst v7  }
0xe2: {  	s26 =	simm.s32 $0x1;
	v3 =	vmul.f32 v3, v6;
	[tilespmem:s31+$0xFFFFFFA0] =	vst v8  }
0xe3: {  	v5 =	vmul.f32 v10, v6;
	[tilespmem:s31+$0xFFFFFFB0] =	vst v4;
	v7 =	vmov s26  }
0xe4: {  	v1 =	vld [tilespmem:s31+$0x0];
	v4 =	vmul.f32 v63, v6;
	[tilespmem:s31+$0xFFFFFFD0] =	vst v3  }
0xe5: {  	v2 =	vld [tilespmem:s31+$0x10];
	v3 =	vmul.f32 v11, v6;
	[tilespmem:s31+$0xFFFFFF90] =	vst v5  }
0xe6: {  	[tilespmem:s31+$0xFFFFFFE0] =	vst v4;
	v5 =	vld [tilespmem:s31+$0x30]  }
0xe7: {  	[tilespmem:s31+$0xFFFFFFC0] =	vst v3;
	v4 =	vld [tilespmem:s31+$0x70]  }
0xe8: {  	s2 =	simm.s32 $0x2;
	s18 =	simm.s32 $0x18080;
	v3 =	vld.idx.msk [tilespmem:v7+s20+$0x0], $0xffff  }
.LBB2_7:
0xe9: {  	p1 =	sne.s32 s2, $0x7E  }
0xea: {  	v6 =	vld [tilespmem:s31+$0x20];
	s18 =	sadd.s32 $0x100, s18;
	s14 =	smov.u32 s2;
	s2 =	sadd.s32 $0x2, s2  }
0xeb: {  	v7 =	vld [tilespmem:s31+$0x40]  }
0xec: {  	v8 =	vld [tilespmem:s31+$0x50]  }
0xed: {  	v9 =	vld [tilespmem:s31+$0x60];
	_ =	sdelay $0x1  }
0xee: {  	v1 =	vmul.f32 v1, v3;
	v2 =	vmul.f32 v2, v3  }
0xef: {  	v5 =	vmul.f32 v5, v3;
	v6 =	vmul.f32 v6, v3  }
0xf0: {  	v10 =	vmov s14;
	v7 =	vmul.f32 v7, v3;
	[tilespmem:s31+$0x0] =	vst v1;
	v8 =	vmul.f32 v8, v3  }
0xf1: {  	v10 =	vand.u32 $0xFFFFFFFE, v10;
	v1 =	vld [tilespmem:s18+$0x0];
	[tilespmem:s31+$0x30] =	vst v5;
	v5 =	vmul.f32 v9, v3;
	v3 =	vmul.f32 v4, v3  }
0xf2: {  	v4 =	vbroadcast v10, $0x0;
	[tilespmem:s31+$0x10] =	vst v2  }
0xf3: {  	[tilespmem:s31+$0x70] =	vst v3  }
0xf4: {  	v3 =	vld [tilespmem:s18+$0xFFFFFFD0];
	[tilespmem:s31+$0x20] =	vst v6  }
0xf5: {  	v6 =	vld [tilespmem:s18+$0xFFFFFFB0];
	[tilespmem:s31+$0x60] =	vst v5  }
0xf6: {  	v5 =	vld [tilespmem:s18+$0xFFFFFFE0];
	[tilespmem:s31+$0x40] =	vst v7  }
0xf7: {  	v7 =	vld [tilespmem:s18+$0xFFFFFFF0];
	[tilespmem:s31+$0x50] =	vst v8;
	s31 =	smov.u32 s18  }
0xf8: {  	v4 =	vld.idx.msk [tilespmem:v4+s20+$0x0], $0xffff  }
0xf9: {  	v8 =	vld [tilespmem:s18+$0xFFFFFF80]  }
0xfa: {  	v9 =	vld [tilespmem:s18+$0xFFFFFFA0]  }
0xfb: {  	v10 =	vld [tilespmem:s18+$0xFFFFFF90]  }
0xfc: {  	v11 =	vld [tilespmem:s18+$0xFFFFFFC0]  }
0xfd: {  	v2 =	vld [tilespmem:s18+$0x10]  }
0xfe: {  	v7 =	vmul.f32 v7, v4;
	v8 =	vmul.f32 v8, v4  }
0xff: {  	v5 =	vmul.f32 v5, v4;
	v9 =	vmul.f32 v9, v4  }
0x100: {  	v6 =	vmul.f32 v6, v4;
	v10 =	vmul.f32 v10, v4;
	[tilespmem:s18+$0xFFFFFFF0] =	vst v7  }
0x101: {  	v3 =	vmul.f32 v3, v4;
	[tilespmem:s18+$0xFFFFFF80] =	vst v8;
	v7 =	vmul.f32 v11, v4  }
0x102: {  	s0 =	sadd.s32 $0x1, s14;
	[tilespmem:s18+$0xFFFFFFA0] =	vst v9  }
0x103: {  	[tilespmem:s18+$0xFFFFFFB0] =	vst v6;
	v6 =	vmov s0  }
.Ltmp4:
0x104: {  	[tilespmem:s18+$0xFFFFFFD0] =	vst v3;
	(pc) =	sbr.rel @p1 .LBB2_7-.Ltmp4, $4  }
0x105: {  	[tilespmem:s18+$0xFFFFFF90] =	vst v10  }
0x106: {  	[tilespmem:s18+$0xFFFFFFE0] =	vst v5;
	v5 =	vld [tilespmem:s18+$0x30]  }
0x107: {  	[tilespmem:s18+$0xFFFFFFC0] =	vst v7;
	v4 =	vld [tilespmem:s18+$0x70]  }
0x108: {  	v3 =	vld.idx.msk [tilespmem:v6+s20+$0x0], $0xffff  }
0x109: {  	_ =	sdelay $0x1  }
0x10a: {  	v6 =	vld [tilespmem:s31+$0x20];
	_ =	sdelay $0x1  }
0x10b: {  	v7 =	vld [tilespmem:s31+$0x60];
	v1 =	vmul.f32 v1, v3  }
0x10c: {  	v8 =	vld [tilespmem:s31+$0x40];
	v5 =	vmul.f32 v5, v3  }
0x10d: {  	v9 =	vld [tilespmem:s31+$0x50];
	v2 =	vmul.f32 v2, v3;
	[tilespmem:s31+$0x0] =	vst v1  }
0x10e: {  	v63 =	vmul.f32 v6, v3;
	[tilespmem:s31+$0x30] =	vst v5  }
0x10f: {  	v1 =	vmul.f32 v4, v3;
	[tilespmem:s31+$0x10] =	vst v2  }
.Ltmp5:
0x110: {  	v2 =	vmul.f32 v7, v3;
	[tilespmem:s31+$0x20] =	vst v63;
	(pc) =	sbr.rel @p0 .LBB2_10-.Ltmp5, $4  }
0x111: {  	[tilespmem:s31+$0x70] =	vst v1;
	v1 =	vmul.f32 v8, v3  }
0x112: {  	v3 =	vmul.f32 v9, v3;
	[tilespmem:s31+$0x60] =	vst v2  }
0x113: {  	[tilespmem:s31+$0x40] =	vst v1  }
0x114: {  	[tilespmem:s31+$0x50] =	vst v3  }
0x115: {  	s0 =	sshll.u32 s29, $0x8;
	s2 =	sadd.s32 $0x3, s30  }
0x116: {  	s0 =	sand.u32 $0x3FFFFF00, s0;
	s31 =	sadd.s32 s11, s2  }
0x117: {  	s2 =	sshll.u32 s2, $0x4;
	s0 =	sadd.s32 $0x1C080, s0;
	s12 =	sshll.u32 s31, $0x4  }
0x118: {  	[spmem:s3] =	stream.indirect.scatter.add.f32 [tilespmem:s21], [sflag:$0x4], $0x80, s0, s17, $0xb8;
	[tilespmem:$0x1FE00] =	vst v63  }
0x119: {  	s2 =	sand.u32 $0x70, s2;
	s12 =	sand.u32 $0xFFFFF80, s12  }
0x11a: {  	s2 =	sor.u32 s2, s12  }
0x11b: {  	s12 =	sadd.s32 s7, s2  }
0x11c: {  	[tilespmem:s19], [sflag:$0x6] =	stream.linear.gather [hbm4b:s12+s4], $0x80, $0x38;
	[tilespmem:$0x1FE00] =	vst v63  }
0x11d: {  	_ =	swait.ge [sflag:s24], $0x80  }
0x11e: {  	[sflag:s24] =	ssyncset.done $0x0  }
0x11f: {  	s2 =	sadd.s32 s8, s2;
	[sflag:s24] =	ssyncadd.s32 $0xFFFFFF80  }
0x120: {  	[tilespmem:s20], [sflag:$0x6] =	stream.linear.gather [hbm4b:s2+s4], $0x80, $0x38;
	[tilespmem:$0x1FE00] =	vst v63  }
0x121: {  	_ =	swait.ge [sflag:s24], $0x80  }
0x122: {  	[sflag:s24] =	ssyncset.done $0x0  }
0x123: {  	[sflag:s24] =	ssyncadd.s32 $0xFFFFFF80  }
0x124: {  	s0 =	sshll.u32 s31, $0xB;
	_ =	swait.ge [sflag:s25], $0x4000  }
0x125: {  	s0 =	sand.u32 $0x1FFFF800, s0;
	[sflag:s25] =	ssyncset.done $0x0  }
0x126: {  	s0 =	sadd.s32 s6, s0;
	[sflag:s25] =	ssyncadd.s32 $0xFFFFC000  }
0x127: {  	[tilespmem:s21], [sflag:$0x6] =	stream.linear.gather [hbm4b:s0+s4], $0x4000, $0x38;
	[tilespmem:$0x1FE00] =	vst v63  }
.Ltmp6:
0x128: {  	_ = 	snop;
	(pc) =	sbr.rel .LBB2_4-.Ltmp6, $4  }
0x129: {  	_ =	swait.ge [sflag:s24], $0x4000  }
0x12a: {  	[sflag:s24] =	ssyncset.done $0x0  }
0x12b: {  	s29 =	sadd.s32 $0x1, s29;
	[sflag:s24] =	ssyncadd.s32 $0xFFFFC000  }
0x12c: {  	[tilespmem:s21], [sflag:$0x2] =	stream.indirect.gather.add.f32 [hbm:s1], $0x80, s19, s17, $0xb8;
	[tilespmem:$0x1FE00] =	vst v63  }
.LBB2_10:
0x12d: {  	s0 =	simm.s32 $0x1E780;
	s2 =	simm.s32 $0x5  }
0x12e: {  	[spmem:s3] =	stream.indirect.scatter.add.f32 [tilespmem:s21], [sflag:$0x5], $0x80, s0, s17, $0xb8;
	[tilespmem:$0x1FE00] =	vst v63  }
0x12f: {  	_ =	swait.ge [sflag:s2], $0x4000  }
0x130: {  	s28 =	simm.s32 $0x0;
	[sflag:s2] =	ssyncset.done $0x0  }
0x131: {  	s12 =	simm.s32 $0x1FC00;
	s15 =	rddreg [dreg:$0xc];
	[sflag:s2] =	ssyncadd.s32 $0xFFFFC000  }
0x132: {  	[tilespmem:s12], [sflag:$0x5] =	stream.linear.gather [hbm4b:s15+s28], $0x80, $0x38;
	[tilespmem:$0x1FE00] =	vst v63  }
0x133: {  	_ =	swait.ge [sflag:s2], $0x80  }
0x134: {  	[sflag:s2] =	ssyncset.done $0x0  }
0x135: {  	s18 =	rddreg [dreg:$0xd];
	[sflag:s2] =	ssyncadd.s32 $0xFFFFFF80  }
0x136: {  	[tilespmem:s16], [sflag:$0x5] =	stream.linear.gather [hbm4b:s18+s28], $0x80, $0x38;
	[tilespmem:$0x1FE00] =	vst v63  }
0x137: {  	_ =	swait.ge [sflag:s2], $0x80  }
0x138: {  	[sflag:s2] =	ssyncset.done $0x0  }
0x139: {  	s26 =	simm.s32 $0x14000;
	[sflag:s2] =	ssyncadd.s32 $0xFFFFFF80  }
0x13a: {  	[tilespmem:s26], [sflag:$0x1] =	stream.indirect.gather [hbm4b:s5+s17], $0x80, s12, s17, $0xb8;
	[tilespmem:$0x1FE00] =	vst v63  }
0x13b: {  	s30 =	rddreg [dreg:$0xe]  }
0x13c: {  	[tilespmem:s19], [sflag:$0x5] =	stream.linear.gather [hbm4b:s30+s28], $0x80, $0x38;
	[tilespmem:$0x1FE00] =	vst v63  }
0x13d: {  	_ =	swait.ge [sflag:s2], $0x80  }
0x13e: {  	[sflag:s2] =	ssyncset.done $0x0  }
0x13f: {  	s31 =	rddreg [dreg:$0xf];
	[sflag:s2] =	ssyncadd.s32 $0xFFFFFF80  }
0x140: {  	[tilespmem:s20], [sflag:$0x5] =	stream.linear.gather [hbm4b:s31+s28], $0x80, $0x38;
	[tilespmem:$0x1FE00] =	vst v63  }
0x141: {  	_ =	swait.ge [sflag:s2], $0x80  }
0x142: {  	[sflag:s2] =	ssyncset.done $0x0  }
0x143: {  	s29 =	simm.s32 $0x0;
	[sflag:s2] =	ssyncadd.s32 $0xFFFFFF80  }
0x144: {  	[tilespmem:s21], [sflag:$0x2] =	stream.indirect.gather [hbm4b:s5+s17], $0x80, s19, s17, $0xb8;
	[tilespmem:$0x1FE00] =	vst v63  }
.LBB2_11:
0x145: {  	v1 =	vmov s28  }
0x146: {  	v1 =	vand.u32 $0xFFFFFFFE, v1  }
0x147: {  	v2 =	vbroadcast v1, $0x0;
	_ =	sdelay $0x1  }
0x148: {  	_ =	swait.ge [sflag:s22], $0x4000  }
0x149: {  	[sflag:s22] =	ssyncset.done $0x0  }
0x14a: {  	s30 =	simm.s32 $0x14080;
	[sflag:s22] =	ssyncadd.s32 $0xFFFFC000  }
0x14b: {  	v5 =	vld [tilespmem:s30+$0xFFFFFFF0]  }
0x14c: {  	v6 =	vld.idx.msk [tilespmem:v2+s16+$0x0], $0xffff  }
0x14d: {  	v7 =	vld [tilespmem:s30+$0xFFFFFF80]  }
0x14e: {  	v8 =	vld [tilespmem:s30+$0xFFFFFFA0]  }
0x14f: {  	v4 =	vld [tilespmem:s30+$0xFFFFFFB0]  }
0x150: {  	v3 =	vld [tilespmem:s30+$0xFFFFFFD0]  }
0x151: {  	v10 =	vld [tilespmem:s30+$0xFFFFFF90];
	v5 =	vmul.f32 v5, v6  }
0x152: {  	v9 =	vld [tilespmem:s30+$0xFFFFFFE0];
	v7 =	vmul.f32 v7, v6  }
0x153: {  	v11 =	vld [tilespmem:s30+$0xFFFFFFC0];
	v8 =	vmul.f32 v8, v6;
	[tilespmem:s30+$0xFFFFFFF0] =	vst v5  }
0x154: {  	v4 =	vmul.f32 v4, v6;
	[tilespmem:s30+$0xFFFFFF80] =	vst v7  }
0x155: {  	s0 =	simm.s32 $0x1;
	v3 =	vmul.f32 v3, v6;
	[tilespmem:s30+$0xFFFFFFA0] =	vst v8  }
0x156: {  	v5 =	vmul.f32 v10, v6;
	[tilespmem:s30+$0xFFFFFFB0] =	vst v4;
	v7 =	vmov s0  }
0x157: {  	v1 =	vld [tilespmem:s30+$0x0];
	v4 =	vmul.f32 v9, v6;
	[tilespmem:s30+$0xFFFFFFD0] =	vst v3  }
0x158: {  	v2 =	vld [tilespmem:s30+$0x10];
	v3 =	vmul.f32 v11, v6;
	[tilespmem:s30+$0xFFFFFF90] =	vst v5  }
0x159: {  	[tilespmem:s30+$0xFFFFFFE0] =	vst v4;
	v5 =	vld [tilespmem:s30+$0x30]  }
0x15a: {  	[tilespmem:s30+$0xFFFFFFC0] =	vst v3;
	v4 =	vld [tilespmem:s30+$0x70]  }
0x15b: {  	s2 =	simm.s32 $0x2;
	s18 =	simm.s32 $0x14080;
	v3 =	vld.idx.msk [tilespmem:v7+s16+$0x0], $0xffff  }
.LBB2_12:
0x15c: {  	p0 =	sne.s32 s2, $0x7E  }
0x15d: {  	v6 =	vld [tilespmem:s30+$0x20];
	s18 =	sadd.s32 $0x100, s18;
	s14 =	smov.u32 s2;
	s2 =	sadd.s32 $0x2, s2  }
0x15e: {  	v7 =	vld [tilespmem:s30+$0x40]  }
0x15f: {  	v8 =	vld [tilespmem:s30+$0x50]  }
0x160: {  	v9 =	vld [tilespmem:s30+$0x60];
	_ =	sdelay $0x1  }
0x161: {  	v1 =	vmul.f32 v1, v3;
	v2 =	vmul.f32 v2, v3  }
0x162: {  	v5 =	vmul.f32 v5, v3;
	v6 =	vmul.f32 v6, v3  }
0x163: {  	v10 =	vmov s14;
	v7 =	vmul.f32 v7, v3;
	[tilespmem:s30+$0x0] =	vst v1;
	v8 =	vmul.f32 v8, v3  }
0x164: {  	v10 =	vand.u32 $0xFFFFFFFE, v10;
	v1 =	vld [tilespmem:s18+$0x0];
	[tilespmem:s30+$0x30] =	vst v5;
	v5 =	vmul.f32 v9, v3;
	v3 =	vmul.f32 v4, v3  }
0x165: {  	v4 =	vbroadcast v10, $0x0;
	[tilespmem:s30+$0x10] =	vst v2  }
0x166: {  	[tilespmem:s30+$0x70] =	vst v3  }
0x167: {  	v3 =	vld [tilespmem:s18+$0xFFFFFFD0];
	[tilespmem:s30+$0x20] =	vst v6  }
0x168: {  	v6 =	vld [tilespmem:s18+$0xFFFFFFB0];
	[tilespmem:s30+$0x60] =	vst v5  }
0x169: {  	v5 =	vld [tilespmem:s18+$0xFFFFFFE0];
	[tilespmem:s30+$0x40] =	vst v7  }
0x16a: {  	v7 =	vld [tilespmem:s18+$0xFFFFFFF0];
	[tilespmem:s30+$0x50] =	vst v8;
	s30 =	smov.u32 s18  }
0x16b: {  	v4 =	vld.idx.msk [tilespmem:v4+s16+$0x0], $0xffff  }
0x16c: {  	v8 =	vld [tilespmem:s18+$0xFFFFFF80]  }
0x16d: {  	v9 =	vld [tilespmem:s18+$0xFFFFFFA0]  }
0x16e: {  	v10 =	vld [tilespmem:s18+$0xFFFFFF90]  }
0x16f: {  	v11 =	vld [tilespmem:s18+$0xFFFFFFC0]  }
0x170: {  	v2 =	vld [tilespmem:s18+$0x10]  }
0x171: {  	v7 =	vmul.f32 v7, v4;
	v8 =	vmul.f32 v8, v4  }
0x172: {  	v5 =	vmul.f32 v5, v4;
	v9 =	vmul.f32 v9, v4  }
0x173: {  	v6 =	vmul.f32 v6, v4;
	v10 =	vmul.f32 v10, v4;
	[tilespmem:s18+$0xFFFFFFF0] =	vst v7  }
0x174: {  	v3 =	vmul.f32 v3, v4;
	[tilespmem:s18+$0xFFFFFF80] =	vst v8;
	v7 =	vmul.f32 v11, v4  }
0x175: {  	s0 =	sadd.s32 $0x1, s14;
	[tilespmem:s18+$0xFFFFFFA0] =	vst v9  }
0x176: {  	[tilespmem:s18+$0xFFFFFFB0] =	vst v6;
	v6 =	vmov s0  }
.Ltmp7:
0x177: {  	[tilespmem:s18+$0xFFFFFFD0] =	vst v3;
	(pc) =	sbr.rel @p0 .LBB2_12-.Ltmp7, $4  }
0x178: {  	[tilespmem:s18+$0xFFFFFF90] =	vst v10  }
0x179: {  	[tilespmem:s18+$0xFFFFFFE0] =	vst v5;
	v5 =	vld [tilespmem:s18+$0x30]  }
0x17a: {  	[tilespmem:s18+$0xFFFFFFC0] =	vst v7;
	v4 =	vld [tilespmem:s18+$0x70]  }
0x17b: {  	v3 =	vld.idx.msk [tilespmem:v6+s16+$0x0], $0xffff  }
0x17c: {  	_ =	sdelay $0x2  }
0x17d: {  	v6 =	vld [tilespmem:s30+$0x20]  }
0x17e: {  	v7 =	vld [tilespmem:s30+$0x60];
	v1 =	vmul.f32 v1, v3  }
0x17f: {  	v8 =	vld [tilespmem:s30+$0x40];
	v5 =	vmul.f32 v5, v3  }
0x180: {  	v9 =	vld [tilespmem:s30+$0x50];
	v2 =	vmul.f32 v2, v3;
	[tilespmem:s30+$0x0] =	vst v1  }
0x181: {  	[tilespmem:s30+$0x30] =	vst v5;
	v1 =	vmul.f32 v4, v3  }
0x182: {  	v4 =	vmul.f32 v6, v3;
	[tilespmem:s30+$0x10] =	vst v2  }
0x183: {  	v2 =	vmul.f32 v7, v3;
	[tilespmem:s30+$0x70] =	vst v1  }
0x184: {  	v1 =	vmul.f32 v8, v3;
	[tilespmem:s30+$0x20] =	vst v4  }
0x185: {  	v3 =	vmul.f32 v9, v3;
	[tilespmem:s30+$0x60] =	vst v2  }
0x186: {  	p0 =	seq.s32 s29, $0x13;
	[tilespmem:s30+$0x40] =	vst v1  }
0x187: {  	s0 =	simm.s32 @p0 $0x80;
	s2 =	simm.s32 @p0 $0x1FB00;
	s12 =	simm.s32 @p0 $0x14000;
	[tilespmem:s30+$0x50] =	vst v3  }
0x188: {  	[spmem:s3] =	stream.indirect.scatter.add.f32 @p0 [tilespmem:s12], [sflag:$0x6], $0x80, s2, s0, $0xb8;
	[tilespmem:$0x1FE00] =	vst v63  }
0x189: {  	s0 =	simm.s32 @p0 $0x6  }
0x18a: {  	_ =	swait.ge @p0 [sflag:s0], $0x4000  }
0x18b: {  	s2 =	sshll.u32 @!p0 s29, $0x8;
	[sflag:s0] =	ssyncset.done @p0 $0x0  }
0x18c: {  	s30 =	sshll.u32 s29, $0x1;
	[sflag:s0] =	ssyncadd.s32 @p0 $0xFFFFC000;
	s0 =	sand.u32 @!p0 $0x3FFFFF00, s2  }
0x18d: {  	s12 =	simm.s32 @!p0 $0x14000;
	s2 =	simm.s32 @!p0 $0x80;
	s0 =	sadd.s32 @!p0 $0x1E800, s0  }
0x18e: {  	[spmem:s3] =	stream.indirect.scatter.add.f32 @!p0 [tilespmem:s12], [sflag:$0x3], $0x80, s0, s2, $0xb8;
	[tilespmem:$0x1FE00] =	vst v63  }
0x18f: {  	s0 =	sadd.s32 @!p0 $0x2, s30  }
0x190: {  	s14 =	sadd.s32 @!p0 s13, s0  }
0x191: {  	s0 =	sshll.u32 @!p0 s0, $0x4;
	s14 =	sshll.u32 @!p0 s14, $0x4  }
0x192: {  	s0 =	sand.u32 @!p0 $0x60, s0;
	s14 =	sand.u32 @!p0 $0xFFFFF80, s14  }
0x193: {  	s0 =	sor.u32 @!p0 s0, s14  }
0x194: {  	s15 =	simm.s32 @!p0 $0x0;
	s18 =	simm.s32 @!p0 $0x1FC00;
	s14 =	sadd.s32 @!p0 s9, s0  }
0x195: {  	[tilespmem:s18], [sflag:$0x6] =	stream.linear.gather @!p0 [hbm4b:s14+s15], $0x80, $0x38;
	[tilespmem:$0x1FE00] =	vst v63  }
0x196: {  	s14 =	simm.s32 @!p0 $0x6  }
0x197: {  	_ =	swait.ge @!p0 [sflag:s14], $0x80  }
0x198: {  	[sflag:s14] =	ssyncset.done @!p0 $0x0  }
0x199: {  	s26 =	simm.s32 @!p0 $0x1FD00;
	s0 =	sadd.s32 @!p0 s10, s0;
	[sflag:s14] =	ssyncadd.s32 @!p0 $0xFFFFFF80  }
0x19a: {  	[tilespmem:s26], [sflag:$0x6] =	stream.linear.gather @!p0 [hbm4b:s0+s15], $0x80, $0x38;
	[tilespmem:$0x1FE00] =	vst v63  }
0x19b: {  	_ =	swait.ge @!p0 [sflag:s14], $0x80  }
0x19c: {  	[sflag:s14] =	ssyncset.done @!p0 $0x0  }
0x19d: {  	s0 =	simm.s32 @!p0 $0x3;
	s15 =	simm.s32 $0x0;
	[sflag:s14] =	ssyncadd.s32 @!p0 $0xFFFFFF80  }
0x19e: {  	v1 =	vmov s15;
	_ =	swait.ge @!p0 [sflag:s0], $0x4000  }
0x19f: {  	v1 =	vand.u32 $0xFFFFFFFE, v1;
	[sflag:s0] =	ssyncset.done @!p0 $0x0  }
0x1a0: {  	v2 =	vbroadcast v1, $0x0;
	[sflag:s0] =	ssyncadd.s32 @!p0 $0xFFFFC000  }
0x1a1: {  	[tilespmem:s12], [sflag:$0x1] =	stream.indirect.gather @!p0 [hbm4b:s5+s2], $0x80, s18, s2, $0xb8;
	[tilespmem:$0x1FE00] =	vst v63  }
0x1a2: {  	_ =	swait.ge [sflag:s23], $0x4000  }
0x1a3: {  	[sflag:s23] =	ssyncset.done $0x0  }
0x1a4: {  	s31 =	simm.s32 $0x18080;
	[sflag:s23] =	ssyncadd.s32 $0xFFFFC000  }
0x1a5: {  	v5 =	vld [tilespmem:s31+$0xFFFFFFF0]  }
0x1a6: {  	v6 =	vld.idx.msk [tilespmem:v2+s20+$0x0], $0xffff  }
0x1a7: {  	v7 =	vld [tilespmem:s31+$0xFFFFFF80]  }
0x1a8: {  	v62 =	vld [tilespmem:s31+$0xFFFFFFA0]  }
0x1a9: {  	v4 =	vld [tilespmem:s31+$0xFFFFFFB0]  }
0x1aa: {  	v3 =	vld [tilespmem:s31+$0xFFFFFFD0]  }
0x1ab: {  	v10 =	vld [tilespmem:s31+$0xFFFFFF90];
	v5 =	vmul.f32 v5, v6  }
0x1ac: {  	v63 =	vld [tilespmem:s31+$0xFFFFFFE0];
	v7 =	vmul.f32 v7, v6  }
0x1ad: {  	v11 =	vld [tilespmem:s31+$0xFFFFFFC0];
	v8 =	vmul.f32 v62, v6;
	[tilespmem:s31+$0xFFFFFFF0] =	vst v5  }
0x1ae: {  	v4 =	vmul.f32 v4, v6;
	[tilespmem:s31+$0xFFFFFF80] =	vst v7  }
0x1af: {  	s26 =	simm.s32 $0x1;
	v3 =	vmul.f32 v3, v6;
	[tilespmem:s31+$0xFFFFFFA0] =	vst v8  }
0x1b0: {  	v5 =	vmul.f32 v10, v6;
	[tilespmem:s31+$0xFFFFFFB0] =	vst v4;
	v7 =	vmov s26  }
0x1b1: {  	v1 =	vld [tilespmem:s31+$0x0];
	v4 =	vmul.f32 v63, v6;
	[tilespmem:s31+$0xFFFFFFD0] =	vst v3  }
0x1b2: {  	v2 =	vld [tilespmem:s31+$0x10];
	v3 =	vmul.f32 v11, v6;
	[tilespmem:s31+$0xFFFFFF90] =	vst v5  }
0x1b3: {  	[tilespmem:s31+$0xFFFFFFE0] =	vst v4;
	v5 =	vld [tilespmem:s31+$0x30]  }
0x1b4: {  	[tilespmem:s31+$0xFFFFFFC0] =	vst v3;
	v4 =	vld [tilespmem:s31+$0x70]  }
0x1b5: {  	s2 =	simm.s32 $0x2;
	s18 =	simm.s32 $0x18080;
	v3 =	vld.idx.msk [tilespmem:v7+s20+$0x0], $0xffff  }
.LBB2_14:
0x1b6: {  	p1 =	sne.s32 s2, $0x7E  }
0x1b7: {  	v6 =	vld [tilespmem:s31+$0x20];
	s18 =	sadd.s32 $0x100, s18;
	s14 =	smov.u32 s2;
	s2 =	sadd.s32 $0x2, s2  }
0x1b8: {  	v7 =	vld [tilespmem:s31+$0x40]  }
0x1b9: {  	v8 =	vld [tilespmem:s31+$0x50]  }
0x1ba: {  	v9 =	vld [tilespmem:s31+$0x60];
	_ =	sdelay $0x1  }
0x1bb: {  	v1 =	vmul.f32 v1, v3;
	v2 =	vmul.f32 v2, v3  }
0x1bc: {  	v5 =	vmul.f32 v5, v3;
	v6 =	vmul.f32 v6, v3  }
0x1bd: {  	v10 =	vmov s14;
	v7 =	vmul.f32 v7, v3;
	[tilespmem:s31+$0x0] =	vst v1;
	v8 =	vmul.f32 v8, v3  }
0x1be: {  	v10 =	vand.u32 $0xFFFFFFFE, v10;
	v1 =	vld [tilespmem:s18+$0x0];
	[tilespmem:s31+$0x30] =	vst v5;
	v5 =	vmul.f32 v9, v3;
	v3 =	vmul.f32 v4, v3  }
0x1bf: {  	v4 =	vbroadcast v10, $0x0;
	[tilespmem:s31+$0x10] =	vst v2  }
0x1c0: {  	[tilespmem:s31+$0x70] =	vst v3  }
0x1c1: {  	v3 =	vld [tilespmem:s18+$0xFFFFFFD0];
	[tilespmem:s31+$0x20] =	vst v6  }
0x1c2: {  	v6 =	vld [tilespmem:s18+$0xFFFFFFB0];
	[tilespmem:s31+$0x60] =	vst v5  }
0x1c3: {  	v5 =	vld [tilespmem:s18+$0xFFFFFFE0];
	[tilespmem:s31+$0x40] =	vst v7  }
0x1c4: {  	v7 =	vld [tilespmem:s18+$0xFFFFFFF0];
	[tilespmem:s31+$0x50] =	vst v8;
	s31 =	smov.u32 s18  }
0x1c5: {  	v4 =	vld.idx.msk [tilespmem:v4+s20+$0x0], $0xffff  }
0x1c6: {  	v8 =	vld [tilespmem:s18+$0xFFFFFF80]  }
0x1c7: {  	v9 =	vld [tilespmem:s18+$0xFFFFFFA0]  }
0x1c8: {  	v10 =	vld [tilespmem:s18+$0xFFFFFF90]  }
0x1c9: {  	v11 =	vld [tilespmem:s18+$0xFFFFFFC0]  }
0x1ca: {  	v2 =	vld [tilespmem:s18+$0x10]  }
0x1cb: {  	v7 =	vmul.f32 v7, v4;
	v8 =	vmul.f32 v8, v4  }
0x1cc: {  	v5 =	vmul.f32 v5, v4;
	v9 =	vmul.f32 v9, v4  }
0x1cd: {  	v6 =	vmul.f32 v6, v4;
	v10 =	vmul.f32 v10, v4;
	[tilespmem:s18+$0xFFFFFFF0] =	vst v7  }
0x1ce: {  	v3 =	vmul.f32 v3, v4;
	[tilespmem:s18+$0xFFFFFF80] =	vst v8;
	v7 =	vmul.f32 v11, v4  }
0x1cf: {  	s0 =	sadd.s32 $0x1, s14;
	[tilespmem:s18+$0xFFFFFFA0] =	vst v9  }
0x1d0: {  	[tilespmem:s18+$0xFFFFFFB0] =	vst v6;
	v6 =	vmov s0  }
.Ltmp8:
0x1d1: {  	[tilespmem:s18+$0xFFFFFFD0] =	vst v3;
	(pc) =	sbr.rel @p1 .LBB2_14-.Ltmp8, $4  }
0x1d2: {  	[tilespmem:s18+$0xFFFFFF90] =	vst v10  }
0x1d3: {  	[tilespmem:s18+$0xFFFFFFE0] =	vst v5;
	v5 =	vld [tilespmem:s18+$0x30]  }
0x1d4: {  	[tilespmem:s18+$0xFFFFFFC0] =	vst v7;
	v4 =	vld [tilespmem:s18+$0x70]  }
0x1d5: {  	v3 =	vld.idx.msk [tilespmem:v6+s20+$0x0], $0xffff  }
0x1d6: {  	_ =	sdelay $0x1  }
0x1d7: {  	v6 =	vld [tilespmem:s31+$0x20];
	_ =	sdelay $0x1  }
0x1d8: {  	v7 =	vld [tilespmem:s31+$0x60];
	v1 =	vmul.f32 v1, v3  }
0x1d9: {  	v8 =	vld [tilespmem:s31+$0x40];
	v5 =	vmul.f32 v5, v3  }
0x1da: {  	v9 =	vld [tilespmem:s31+$0x50];
	v2 =	vmul.f32 v2, v3;
	[tilespmem:s31+$0x0] =	vst v1  }
0x1db: {  	v63 =	vmul.f32 v6, v3;
	[tilespmem:s31+$0x30] =	vst v5  }
0x1dc: {  	v1 =	vmul.f32 v4, v3;
	[tilespmem:s31+$0x10] =	vst v2  }
.Ltmp9:
0x1dd: {  	v2 =	vmul.f32 v7, v3;
	[tilespmem:s31+$0x20] =	vst v63;
	(pc) =	sbr.rel @p0 .LBB2_17-.Ltmp9, $4  }
0x1de: {  	[tilespmem:s31+$0x70] =	vst v1;
	v1 =	vmul.f32 v8, v3  }
0x1df: {  	v3 =	vmul.f32 v9, v3;
	[tilespmem:s31+$0x60] =	vst v2  }
0x1e0: {  	[tilespmem:s31+$0x40] =	vst v1  }
0x1e1: {  	[tilespmem:s31+$0x50] =	vst v3  }
0x1e2: {  	s0 =	sshll.u32 s29, $0x8  }
0x1e3: {  	s31 =	sadd.s32 $0x3, s30;
	s0 =	sand.u32 $0x3FFFFF00, s0  }
0x1e4: {  	s2 =	sadd.s32 s13, s31;
	s0 =	sadd.s32 $0x1E880, s0  }
0x1e5: {  	[spmem:s3] =	stream.indirect.scatter.add.f32 [tilespmem:s21], [sflag:$0x4], $0x80, s0, s17, $0xb8;
	[tilespmem:$0x1FE00] =	vst v63  }
0x1e6: {  	s2 =	sshll.u32 s2, $0x4;
	s0 =	sshll.u32 s31, $0x4  }
0x1e7: {  	s2 =	sand.u32 $0xFFFFF80, s2;
	s0 =	sand.u32 $0x70, s0  }
0x1e8: {  	s0 =	sor.u32 s0, s2  }
0x1e9: {  	s2 =	sadd.s32 s9, s0  }
0x1ea: {  	[tilespmem:s19], [sflag:$0x6] =	stream.linear.gather [hbm4b:s2+s4], $0x80, $0x38;
	[tilespmem:$0x1FE00] =	vst v63  }
0x1eb: {  	_ =	swait.ge [sflag:s24], $0x80  }
0x1ec: {  	[sflag:s24] =	ssyncset.done $0x0  }
0x1ed: {  	s0 =	sadd.s32 s10, s0;
	[sflag:s24] =	ssyncadd.s32 $0xFFFFFF80  }
0x1ee: {  	[tilespmem:s20], [sflag:$0x6] =	stream.linear.gather [hbm4b:s0+s4], $0x80, $0x38;
	[tilespmem:$0x1FE00] =	vst v63  }
0x1ef: {  	_ =	swait.ge [sflag:s24], $0x80  }
0x1f0: {  	[sflag:s24] =	ssyncset.done $0x0  }
.Ltmp10:
0x1f1: {  	[sflag:s24] =	ssyncadd.s32 $0xFFFFFF80;
	(pc) =	sbr.rel .LBB2_11-.Ltmp10, $4  }
0x1f2: {  	_ =	swait.ge [sflag:s25], $0x4000  }
0x1f3: {  	[sflag:s25] =	ssyncset.done $0x0  }
0x1f4: {  	s29 =	sadd.s32 $0x1, s29;
	[sflag:s25] =	ssyncadd.s32 $0xFFFFC000  }
0x1f5: {  	[tilespmem:s21], [sflag:$0x2] =	stream.indirect.gather [hbm4b:s5+s17], $0x80, s19, s17, $0xb8;
	[tilespmem:$0x1FE00] =	vst v63  }
.LBB2_18:
0x1f6: {  	_ =	sfence.sel $0x180000  }
0x1f7: {  	[bflag:$0x0] =	sbarrier.arrive $0xFFFF  }
0x1f8: {  	_ =	strace $0x9000004A  }
0x1f9: {  	s0 =	stileid.u32;
	[bflag:$0x2] =	sbarrier.arrive $0xFFFF  }
0x1fa: {  	p0 =	sne.s32 s0, $0x0;
	s0 =	rddreg [dreg:$0x3]  }
0x1fb: {  	s0 =	sadd.s32 @!p0 $0x100000, s0  }
0x1fc: {  	[sflag:s0] =	ssyncadd.tile.s32 @!p0 $0x1;
	_ =	shalt  }
.Lfunc_end2:
_tile_overlayer_lowered:
.L_overlay_start_2:
0x1fd: {  	(tag) =	ssettag $0x2  }
0x1fe: {  	s0 =	rddreg [dreg:$0x0];
	s2 =	stileid.u32  }
0x1ff: {  	s1 =	rddreg [dreg:$0x1];
	p0 =	sne.s32 s2, $0x0  }
0x200: {  	s3 =	rddreg [dreg:$0x2];
	[bflag:$0x3] =	sbarrier.arrive $0xFFFF;
	s2 =	simm.s32 @!p0 $0x1C05  }
0x201: {  	[timem:s3], [sflag:s2] =	dma.local @!p0 [hbm:s0], s1  }
0x202: {  	s0 =	simm.s32 @!p0 $0x5  }
0x203: {  	_ =	swait.ge @!p0 [sflag:s0], s1  }
0x204: {  	s1 =	ssub.s32 @!p0 $0x0, s1;
	[sflag:s0] =	ssyncset.done @!p0 $0x0  }
0x205: {  	[sflag:s0] =	ssyncadd.s32 @!p0 s1  }
0x206: {  	[bflag:$0x3] =	sbarrier.arrive $0xFFFF  }
0x207: {  	_ =	shalt  }

// kernel: kernel.9.cloned.1.call-start
scs
__scs_entry_jumppad:
0x0: {  	(pc) =	sbr.rel $0x88, $3  }
0x1: {  	(tag) =	ssettag $0x0;
	lr =	simm.s32 $0x1  }
0x2: {  	[smem:$0x3F96] =	sst lr;
	_ =	strace $0xD0000000  }
0x3: {  	_ = 	snop  }
0x4: {  	_ = 	snop  }
0x5: {  	_ = 	snop  }
0x6: {  	_ = 	snop  }
0x7: {  	_ = 	snop  }
__scs_overlays_trampoline_lowered:
0x8: {  	[smem:$0x3FA5] =	sst s0  }
0x9: {  	[smem:$0x3FA6] =	sst s1  }
0xa: {  	[smem:$0x3FA7] =	sst s2  }
0xb: {  	[smem:$0x3FA8] =	sst s3  }
0xc: {  	[smem:$0x3FA9] =	sst s4  }
0xd: {  	[smem:$0x3FAA] =	sst s5  }
0xe: {  	[smem:$0x3FAB] =	sst s6  }
0xf: {  	[smem:$0x3FAC] =	sst s7  }
0x10: {  	[smem:$0x3FAD] =	sst s8  }
0x11: {  	[smem:$0x3FAE] =	sst s9;
	s0 =	simm.s32 @!p0 $0x0  }
0x12: {  	s1 =	sld [smem:$0x3F94];
	s0 =	simm.s32 @p0 $0x1  }
0x13: {  	[smem:$0x3FAF] =	sst s0;
	s0 =	simm.s32 @!p1 $0x0  }
0x14: {  	s2 =	sld [smem:$0x3F93];
	s0 =	simm.s32 @p1 $0x1  }
0x15: {  	[smem:$0x3FB0] =	sst s0;
	s0 =	simm.s32 @!p2 $0x0  }
0x16: {  	s3 =	sld [smem:$0x3FDB];
	s0 =	simm.s32 @p2 $0x1  }
0x17: {  	s4 =	simm.s32 $0x1BF5;
	[smem:$0x3FB2] =	sst s0  }
0x18: {  	s0 =	sld [smem:$0x3F95];
	_ =	swait.ge [sflag:s4], $0x0  }
0x19: {  	s7 =	sld [smem:$0x3F96]  }
0x1a: {  	s8 =	sadd.s32 $0xFFFFE003, lr  }
0x1b: {  	s9 =	sadd.s32 $0xFFFFFEF7, lr;
	s5 =	simm.s32 $0xFFFFFFFF;
	p2 =	slt.u32 s8, $0xFFFFF086  }
0x1c: {  	p1 =	slt.u32 s9, $0xF7A;
	s5 =	simm.s32 @!p2 $0x0  }
0x1d: {  	s5 =	simm.s32 @p1 $0x1;
	p0 =	seq.s32 s7, s2  }
0x1e: {  	s7 =	smul.u32 @!p0 $0xF7A, s2;
	p2 =	seq.s32 @!p0 s5, $0x0  }
0x1f: {  	s9 =	smul.u32 $0xF7A, s1;
	s8 =	simm.s32 @!p0 $0x1BF5;
	p2 =	por !p2, p0  }
0x20: {  	[sflag:s8] =	ssyncset.s32 @!p0 $0xFFFFF086;
	s6 =	sadd.s32 @!p0 s3, s7;
	s7 =	simm.s32 @!p0 $0x108  }
0x21: {  	s3 =	sadd.s32 s3, s9;
	s6 =	sadd.s32 @!p0 $0x88, s6;
	s7 =	simm.s32 @p2 $0x1082  }
0x22: {  	[simem:s7], [sflag:s8] =	dma.local @!p0 [hbm:s6], $0xF7A  }
0x23: {  	s9 =	sor.u32 $0xD0000000, s2;
	s6 =	simm.s32 $0x108;
	_ =	swait.ge @!p0 [sflag:s8], $0x0  }
0x24: {  	s3 =	sadd.s32 $0x88, s3;
	s6 =	simm.s32 @!p1 $0x1082;
	[sflag:s4] =	ssyncset.s32 $0xFFFFF086  }
0x25: {  	[simem:s6], [sflag:s4] =	dma.local [hbm:s3], $0xF7A  }
0x26: {  	[smem:$0x3F96] =	sst s1;
	(tag) =	ssettag s2;
	_ =	strace s9  }
0x27: {  	s1 =	sld [smem:$0x3FA6]  }
0x28: {  	s2 =	sld [smem:$0x3FA7]  }
0x29: {  	s4 =	sld [smem:$0x3FA9]  }
0x2a: {  	p0 =	seq.s32 s5, $0x0;
	s5 =	sld [smem:$0x3FAA]  }
0x2b: {  	s6 =	sld [smem:$0x3FAB]  }
0x2c: {  	s7 =	sld [smem:$0x3FAC]  }
0x2d: {  	s3 =	simm.s32 $0x108;
	s8 =	sld [smem:$0x3FAD]  }
0x2e: {  	s3 =	simm.s32 @!p0 $0x1082;
	s9 =	sld [smem:$0x3FAE]  }
0x2f: {  	lr =	sadd.s32 s0, s3;
	s0 =	sld [smem:$0x3FA5]  }
0x30: {  	s3 =	sld [smem:$0x3FA8]  }
0x31: {  	[smem:$0x3FB1] =	sst s10  }
0x32: {  	s10 =	sld [smem:$0x3FAF];
	_ =	sdelay $0x3  }
0x33: {  	p0 =	seq.s32 s10, $0x1;
	s10 =	sld [smem:$0x3FB1];
	_ =	sdelay $0x3  }
0x34: {  	[smem:$0x3FB1] =	sst s10  }
0x35: {  	s10 =	sld [smem:$0x3FB0];
	_ =	sdelay $0x3  }
0x36: {  	p1 =	seq.s32 s10, $0x1;
	s10 =	sld [smem:$0x3FB1];
	_ =	sdelay $0x3  }
0x37: {  	[smem:$0x3FB1] =	sst s10  }
0x38: {  	s10 =	sld [smem:$0x3FB2]  }
0x39: {  	_ = 	snop;
	(pc) =	sbr.ind lr, $3  }
0x3a: {  	_ = 	snop  }
0x3b: {  	_ = 	snop  }
0x3c: {  	p2 =	seq.s32 s10, $0x1;
	s10 =	sld [smem:$0x3FB1]  }
0x3d: {  	_ =	shalt  }
0x3e: {  	_ =	shalt  }
0x3f: {  	_ =	shalt  }
0x40: {  	_ =	shalt  }
0x41: {  	_ =	shalt  }
0x42: {  	_ =	shalt  }
0x43: {  	_ =	shalt  }
0x44: {  	_ =	shalt  }
0x45: {  	_ =	shalt  }
0x46: {  	_ =	shalt  }
0x47: {  	_ =	shalt  }
0x48: {  	_ =	shalt  }
0x49: {  	_ =	shalt  }
0x4a: {  	_ =	shalt  }
0x4b: {  	_ =	shalt  }
0x4c: {  	_ =	shalt  }
0x4d: {  	_ =	shalt  }
0x4e: {  	_ =	shalt  }
0x4f: {  	_ =	shalt  }
0x50: {  	_ =	shalt  }
0x51: {  	_ =	shalt  }
0x52: {  	_ =	shalt  }
0x53: {  	_ =	shalt  }
0x54: {  	_ =	shalt  }
0x55: {  	_ =	shalt  }
0x56: {  	_ =	shalt  }
0x57: {  	_ =	shalt  }
0x58: {  	_ =	shalt  }
0x59: {  	_ =	shalt  }
0x5a: {  	_ =	shalt  }
0x5b: {  	_ =	shalt  }
0x5c: {  	_ =	shalt  }
0x5d: {  	_ =	shalt  }
0x5e: {  	_ =	shalt  }
0x5f: {  	_ =	shalt  }
0x60: {  	_ =	shalt  }
0x61: {  	_ =	shalt  }
0x62: {  	_ =	shalt  }
0x63: {  	_ =	shalt  }
0x64: {  	_ =	shalt  }
0x65: {  	_ =	shalt  }
0x66: {  	_ =	shalt  }
0x67: {  	_ =	shalt  }
0x68: {  	_ =	shalt  }
0x69: {  	_ =	shalt  }
0x6a: {  	_ =	shalt  }
0x6b: {  	_ =	shalt  }
0x6c: {  	_ =	shalt  }
0x6d: {  	_ =	shalt  }
0x6e: {  	_ =	shalt  }
0x6f: {  	_ =	shalt  }
0x70: {  	_ =	shalt  }
0x71: {  	_ =	shalt  }
0x72: {  	_ =	shalt  }
0x73: {  	_ =	shalt  }
0x74: {  	_ =	shalt  }
0x75: {  	_ =	shalt  }
0x76: {  	_ =	shalt  }
0x77: {  	_ =	shalt  }
0x78: {  	_ =	shalt  }
0x79: {  	_ =	shalt  }
0x7a: {  	_ =	shalt  }
0x7b: {  	_ =	shalt  }
0x7c: {  	_ =	shalt  }
0x7d: {  	_ =	shalt  }
0x7e: {  	_ =	shalt  }
0x7f: {  	_ =	shalt  }
0x80: {  	_ =	shalt  }
0x81: {  	_ =	shalt  }
0x82: {  	_ =	shalt  }
0x83: {  	_ =	shalt  }
0x84: {  	_ =	shalt  }
0x85: {  	_ =	shalt  }
0x86: {  	_ =	shalt  }
0x87: {  	_ =	shalt  }
.Lfunc_end0:
.L_simem_size_0:
called_computation_lowered:
.L_overlay_start_0:
0x88: {  	s2 =	sld [smem:$0x3FD9]  }
0x89: {  	s3 =	sld [smem:$0x3FFE];
	_ =	sdelay $0x1  }
0x8a: {  	s1 =	srdreg.scid  }
0x8b: {  	s0 =	sand.u32 $0x1, s1  }
0x8c: {  	s16 =	sshll.u32 s0, $0xA;
	s2 =	sadd.s32 s3, s2  }
0x8d: {  	s2 =	sadd.s32 s2, s16  }
0x8e: {  	[smem:$0x3FBD] =	sst s2  }
0x8f: {  	_ = 	snop  }
0x90: {  	(tm) =	ssettm $0x1  }
0x91: {  	s17 =	sld [smem:$0x3FFB];
	_ =	sdelay $0x3  }
0x92: {  	_ =	strace s17  }
0x93: {  	s2 =	sld [smem:$0x3FFC];
	_ =	sdelay $0x3  }
0x94: {  	_ =	strace s2  }
0x95: {  	s2 =	sld [smem:$0x3FFD];
	_ =	sdelay $0x3  }
0x96: {  	_ =	strace s2  }
0x97: {  	_ =	strace $0x8FFFFFFF  }
0x98: {  	s18 =	sld [smem:$0x3FDB];
	_ =	sdelay $0x1  }
0x99: {  	s19 =	simm.s32 $_scs_section_size  }
0x9a: {  	s4 =	simm.s32 $_size__tile_overlayer_lowered;
	s5 =	simm.s32 $_tile_overlayer_lowered  }
0x9b: {  	s22 =	simm.s32 $0x1BFF;
	s21 =	sshll.u32 s5, $0x1;
	s2 =	sadd.s32 s19, s18  }
0x9c: {  	s6 =	simm.s32 $0x0;
	s20 =	sshll.u32 s4, $0x1;
	s4 =	sadd.s32 s21, s2  }
0x9d: {  	[timem:s6], [sflag:s22] =	dma.local [hbm:s4], s20  }
0x9e: {  	_ =	swait.ge [sflag:s22], s20  }
0x9f: {  	s3 =	ssub.s32 $0x0, s20;
	[sflag:s22] =	ssyncset.done $0x0  }
0xa0: {  	[sflag:s22] =	ssyncadd.s32 s3;
	_ =	sdelay $0x1  }
0xa1: {  	s23 =	simm.s32 $0x1B8B  }
0xa2: {  	_ =	swait.ge [sflag:s23], $0x1  }
0xa3: {  	[sflag:s23] =	ssyncset.done $0x0  }
0xa4: {  	s25 =	simm.s32 $0x1B8E;
	s24 =	sld [smem:$0x3FFE];
	[sflag:s23] =	ssyncadd.s32 $0xFFFFFFFF  }
0xa5: {  	s26 =	simm.s32 $execute0_lowered;
	[smem:$0x3FD2] =	sst s25  }
0xa6: {  	s4 =	sshll.u32 s26, $0x1;
	_ =	strace $0x80000046;
	[dreg:$0x1] =	wrdreg $0xFFFFFFFF  }
0xa7: {  	s28 =	simm.s32 $_size_execute0_lowered;
	s2 =	sadd.s32 s2, s4;
	[dreg:$0x0] =	wrdreg $0x0  }
0xa8: {  	s4 =	sshll.u32 s28, $0x1;
	[dreg:$0x2] =	wrdreg s2  }
0xa9: {  	[dreg:$0x3] =	wrdreg s4  }
0xaa: {  	[dreg:$0x4] =	wrdreg $0xC0  }
0xab: {  	_ =	task [dreg:s6], $0x5FFFF  }
0xac: {  	[dreg:$0x1] =	wrdreg $0xFFFFFFFF  }
0xad: {  	[dreg:$0x0] =	wrdreg $0x60  }
0xae: {  	[dreg:$0x2] =	wrdreg s24  }
0xaf: {  	[dreg:$0x3] =	wrdreg $0x9  }
0xb0: {  	_ =	task.clear_ibuf [dreg:s6], $0x4FFFF;
	_ =	strace $0x90000046  }
0xb1: {  	s29 =	simm.s32 $0x9;
	_ =	strace $0x80000048  }
0xb2: {  	_ =	swait.ge [sflag:s29], $0x1  }
0xb3: {  	[sflag:s29] =	ssyncadd.s32 $0xFFFFFFFF  }
0xb4: {  	_ =	strace $0x90000048  }
0xb5: {  	_ =	sfence  }
0xb6: {  	s30 =	sld [smem:$0x0];
	_ =	sdelay $0x2  }
0xb7: {  	s31 =	sshll.u32 s1, $0xD;
	s1 =	sshrl.u32 s1, $0x2  }
0xb8: {  	s3 =	sand.u32 $0x4000, s31;
	s1 =	sadd.s32 s1, s30  }
0xb9: {  	s0 =	sor.u32 s3, s0;
	s1 =	sshll.u32 s1, $0x11  }
0xba: {  	s0 =	sor.u32 s1, s0  }
0xbb: {  	s0 =	sadd.s32 $0x8F2B, s0  }
0xbc: {  	[sflag:s0] =	ssyncadd.remote.s32 $0x1  }
0xbd: {  	_ =	sfence.sel $0xFFFF  }
0xbe: {  	[dreg:$0x0] =	wrdreg $0xFFFFFFFF;
	(pc) =	sbr.abs _section_cstart, $3  }
0xbf: {  	[dreg:$0x1] =	wrdreg $0xFFFFFFFF  }
0xc0: {  	_ =	task.clear_ibuf [dreg:s6], $0x2FFFF;
	_ =	strace $0x9FFFFFFF  }
0xc1: {  	(tm) =	ssettm $0x7FFFFFFF  }
tec
execute0_lowered:
.L_overlay_start_1:
0x0: {  	(tag) =	ssettag $0x1  }
0x1: {  	s0 =	rddreg [dreg:$0x0];
	s1 =	simm.s32 $0x0;
	s31 =	srdreg.scid  }
0x2: {  	s11 =	stileid.u32;
	s18 =	simm.s32 $0x2780;
	s19 =	simm.s32 $0x4F00  }
0x3: {  	s20 =	simm.s32 $0x7680;
	s21 =	simm.s32 $0x9E00;
	s22 =	simm.s32 $0x9E80  }
0x4: {  	s23 =	simm.s32 $0x9F00;
	s24 =	simm.s32 $0x9F80;
	[smem:$0x7FF] =	sst s1  }
0x5: {  	s17 =	simm.s32 $0x1;
	s2 =	sadd.s32 $0x50B400, s0;
	s3 =	sadd.s32 $0x50AE00, s0  }
0x6: {  	s25 =	simm.s32 $0x0;
	s4 =	sadd.s32 $0x50A800, s0;
	s5 =	sadd.s32 $0x50A200, s0  }
0x7: {  	s7 =	sadd.s32 $0xE00, s0;
	s8 =	sadd.s32 $0x520000, s0;
	s9 =	sadd.s32 $0x52A000, s0  }
0x8: {  	_ =	strace $0x80000047;
	[dreg:$0x2] =	wrdreg s2;
	s2 =	sand.u32 $0x1, s31  }
0x9: {  	v0 =	vlaneseq.u32;
	s10 =	sadd.s32 $0x53E000, s0;
	s12 =	sshll.u32 s11, $0x1;
	s6 =	ssub.s32 $0x2, s2  }
0xa: {  	s11 =	sadd.s32 $0x543000, s0;
	v0 =	vmul.u32 $0xFFFFFFFF, v0;
	s2 =	sor.u32 s2, s12;
	s13 =	sshrl.u32 s6, $0x1  }
0xb: {  	s14 =	sadd.s32 $0x14E00, s0;
	s15 =	smul.u32 $0x1400, s2;
	s6 =	ssub.s32 s6, s13  }
0xc: {  	s12 =	sadd.s32 $0xAE00, s0;
	v0 =	vadd.s32 $0x1388, v0;
	s13 =	smul.u32 $0x2800, s2;
	s16 =	smax.u32 s6, $0x1  }
.LBB2_1:
0xd: {  	s0 =	rddreg [dreg:$0x2]  }
0xe: {  	[tilespmem:s1], [sflag:$0x1] =	stream.linear.gather [hbm4b:s0+s1], $0x2780, $0x38;
	[tilespmem:$0xA000] =	vst v63  }
0xf: {  	_ =	swait.ge [sflag:s17], $0x2780  }
0x10: {  	[sflag:s17] =	ssyncset.done $0x0  }
0x11: {  	[sflag:s17] =	ssyncadd.s32 $0xFFFFD880  }
0x12: {  	[tilespmem:s18], [sflag:$0x1] =	stream.linear.gather [hbm4b:s3+s1], $0x2780, $0x38;
	[tilespmem:$0xA000] =	vst v63  }
0x13: {  	_ =	swait.ge [sflag:s17], $0x2780  }
0x14: {  	[sflag:s17] =	ssyncset.done $0x0  }
0x15: {  	[sflag:s17] =	ssyncadd.s32 $0xFFFFD880  }
0x16: {  	[tilespmem:s19], [sflag:$0x1] =	stream.linear.gather [hbm4b:s4+s1], $0x2780, $0x38;
	[tilespmem:$0xA000] =	vst v63  }
0x17: {  	_ =	swait.ge [sflag:s17], $0x2780  }
0x18: {  	[sflag:s17] =	ssyncset.done $0x0  }
0x19: {  	[sflag:s17] =	ssyncadd.s32 $0xFFFFD880  }
0x1a: {  	[tilespmem:s20], [sflag:$0x1] =	stream.linear.gather [hbm4b:s5+s1], $0x2780, $0x38;
	[tilespmem:$0xA000] =	vst v63  }
0x1b: {  	_ =	swait.ge [sflag:s17], $0x2780  }
0x1c: {  	[sflag:s17] =	ssyncset.done $0x0  }
0x1d: {  	s26 =	simm.s32 $0x0;
	s28 =	simm.s32 $0x0;
	[sflag:s17] =	ssyncadd.s32 $0xFFFFD880  }
.LBB2_2:
0x1e: {  	s0 =	sshll.u32 s28, $0x7  }
0x1f: {  	s0 =	sadd.s32 s13, s0  }
0x20: {  	s29 =	sshrl.u32 s0, $0x3  }
0x21: {  	s2 =	simm.s32 $0x0;
	s0 =	sadd.s32 s8, s29  }
0x22: {  	[tilespmem:s21], [sflag:$0x1] =	stream.linear.gather [hbm4b:s0+s2], $0x80, $0x38;
	[tilespmem:$0xA000] =	vst v63  }
0x23: {  	_ =	swait.ge [sflag:s17], $0x80  }
0x24: {  	[sflag:s17] =	ssyncset.done $0x0  }
0x25: {  	s6 =	sadd.s32 s9, s29;
	[sflag:s17] =	ssyncadd.s32 $0xFFFFFF80  }
0x26: {  	[tilespmem:s22], [sflag:$0x1] =	stream.linear.gather [hbm4b:s6+s2], $0x80, $0x38;
	[tilespmem:$0xA000] =	vst v63  }
0x27: {  	_ =	swait.ge [sflag:s17], $0x80  }
0x28: {  	[sflag:s17] =	ssyncset.done $0x0  }
0x29: {  	s6 =	sadd.s32 s7, s29;
	[sflag:s17] =	ssyncadd.s32 $0xFFFFFF80  }
0x2a: {  	[tilespmem:s23], [sflag:$0x1] =	stream.linear.gather [hbm4b:s6+s2], $0x80, $0x38;
	[tilespmem:$0xA000] =	vst v63  }
0x2b: {  	_ =	swait.ge [sflag:s17], $0x80  }
0x2c: {  	[sflag:s17] =	ssyncset.done $0x0  }
0x2d: {  	s6 =	simm.s32 $0x0;
	[sflag:s17] =	ssyncadd.s32 $0xFFFFFF80  }
0x2e: {  	v1 =	vld [tilespmem:s6+$0x9E00]  }
0x2f: {  	v2 =	vld [tilespmem:s6+$0x9E80];
	_ =	sdelay $0x6  }
0x30: {  	v1 =	vld.idx.msk [tilespmem:v1+s18+$0x0], $0xffff  }
0x31: {  	v2 =	vld.idx.msk [tilespmem:v2+s1+$0x0], $0xffff;
	_ =	sdelay $0x1  }
0x32: {  	v3 =	vld [tilespmem:s6+$0x9F00];
	_ =	sdelay $0x2  }
0x33: {  	s30 =	simm.s32 $0x10;
	v1 =	vadd.f32 v1, v2  }
0x34: {  	v2 =	vld [tilespmem:s30+$0x9E00]  }
0x35: {  	v4 =	vld [tilespmem:s30+$0x9E80];
	v1 =	vadd.f32 v3, v1;
	_ =	sdelay $0x1  }
0x36: {  	v3 =	vmul.f32 $2.000000030e-01, v1  }
0x37: {  	vm0 =	vgt.f32 v1, $0.0e+00  }
0x38: {  	p0 =	slt.u32 s26, $0x2710;
	v1 =	vsel vm0, v1, v3  }
0x39: {  	v1 =	vpsel !p0, $0xF149F2CA, v1  }
0x3a: {  	[tilespmem:s6+$0x9F80] =	vst v1  }
0x3b: {  	v1 =	vld.idx.msk [tilespmem:v2+s18+$0x0], $0xffff  }
0x3c: {  	v3 =	vld.idx.msk [tilespmem:v4+s1+$0x0], $0xffff;
	_ =	sdelay $0x1  }
0x3d: {  	v2 =	vld [tilespmem:s30+$0x9F00];
	_ =	sdelay $0x2  }
0x3e: {  	s31 =	simm.s32 $0x20;
	v3 =	vadd.f32 v1, v3  }
0x3f: {  	s0 =	smov.u32 s26;
	s6 =	simm.s32 $0xC0;
	v1 =	vld [tilespmem:s31+$0x9E00]  }
.LBB2_3:
0x40: {  	p0 =	sne.s32 s6, $0x1C0;
	v4 =	vld [tilespmem:s31+$0x9E80];
	v2 =	vadd.f32 v2, v3;
	_ =	sdelay $0x1  }
0x41: {  	v3 =	vmul.f32 $2.000000030e-01, v2  }
0x42: {  	s0 =	sadd.s32 $0x10, s0;
	vm0 =	vgt.f32 v2, $0.0e+00  }
0x43: {  	p1 =	slt.u32 s0, $0x2710;
	v2 =	vsel vm0, v2, v3  }
0x44: {  	v2 =	vpsel !p1, $0xF149F2CA, v2  }
0x45: {  	[tilespmem:s30+$0x9F80] =	vst v2;
	s30 =	smov.u32 s31  }
0x46: {  	v1 =	vld.idx.msk [tilespmem:v1+s18+$0x0], $0xffff  }
0x47: {  	v3 =	vld.idx.msk [tilespmem:v4+s1+$0x0], $0xffff;
	_ =	sdelay $0x2  }
.Ltmp0:
0x48: {  	v2 =	vld [tilespmem:s30+$0x9F00];
	(pc) =	sbr.rel @p0 .LBB2_3-.Ltmp0, $3  }
0x49: {  	_ =	sdelay $0x1  }
0x4a: {  	s31 =	sshra.s32 s6, $0x2;
	v3 =	vadd.f32 v1, v3  }
0x4b: {  	s6 =	sadd.s32 $0x40, s6;
	v1 =	vld [tilespmem:s31+$0x9E00]  }
0x4c: {  	_ = 	snop  }
0x4d: {  	v4 =	vld [tilespmem:s31+$0x9E80];
	v2 =	vadd.f32 v2, v3;
	_ =	sdelay $0x1  }
0x4e: {  	v3 =	vmul.f32 $2.000000030e-01, v2  }
0x4f: {  	s0 =	sadd.s32 $0x10, s0;
	vm0 =	vgt.f32 v2, $0.0e+00  }
0x50: {  	p0 =	slt.u32 s0, $0x2710;
	v2 =	vsel vm0, v2, v3  }
0x51: {  	v2 =	vpsel !p0, $0xF149F2CA, v2  }
0x52: {  	[tilespmem:s30+$0x9F80] =	vst v2  }
0x53: {  	v1 =	vld.idx.msk [tilespmem:v1+s18+$0x0], $0xffff  }
0x54: {  	v2 =	vld.idx.msk [tilespmem:v4+s1+$0x0], $0xffff;
	_ =	sdelay $0x1  }
0x55: {  	v3 =	vld [tilespmem:s31+$0x9F00];
	_ =	sdelay $0x2  }
0x56: {  	v1 =	vadd.f32 v1, v2;
	_ =	sdelay $0x1  }
0x57: {  	v1 =	vadd.f32 v3, v1;
	_ =	sdelay $0x1  }
0x58: {  	v2 =	vmul.f32 $2.000000030e-01, v1  }
0x59: {  	s0 =	sadd.s32 $0x10, s0;
	vm15 =	vgt.f32 v1, $0.0e+00  }
0x5a: {  	s28 =	sadd.s32 $0x1, s28;
	p6 =	slt.u32 s0, $0x2710;
	v1 =	vsel vm15, v1, v2  }
0x5b: {  	p0 =	sne.s32 s28, $0x50;
	v1 =	vpsel !p6, $0xF149F2CA, v1  }
.Ltmp1:
0x5c: {  	[tilespmem:s31+$0x9F80] =	vst v1;
	s31 =	sadd.s32 s12, s29;
	s29 =	simm.s32 $0x0;
	(pc) =	sbr.rel @p0 .LBB2_2-.Ltmp1, $4  }
0x5d: {  	[hbm4b:s31+s29] =	stream.linear.scatter [tilespmem:s24], [sflag:$0x1], $0x80, $0x38;
	[tilespmem:$0xA000] =	vst v63  }
0x5e: {  	_ =	swait.ge [sflag:s17], $0x80  }
0x5f: {  	[sflag:s17] =	ssyncset.done $0x0  }
0x60: {  	s26 =	sadd.s32 $0x80, s26;
	[sflag:s17] =	ssyncadd.s32 $0xFFFFFF80  }
0x61: {  	s6 =	simm.s32 $0x0;
	s28 =	simm.s32 $0x0  }
.LBB2_6:
0x62: {  	s0 =	sshll.u32 s28, $0x7  }
0x63: {  	s0 =	sadd.s32 s15, s0  }
0x64: {  	s30 =	sshrl.u32 s0, $0x3  }
0x65: {  	s0 =	sadd.s32 s10, s30  }
0x66: {  	[tilespmem:s21], [sflag:$0x1] =	stream.linear.gather [hbm4b:s0+s29], $0x80, $0x38;
	[tilespmem:$0xA000] =	vst v63  }
0x67: {  	_ =	swait.ge [sflag:s17], $0x80  }
0x68: {  	[sflag:s17] =	ssyncset.done $0x0  }
0x69: {  	s2 =	sadd.s32 s11, s30;
	[sflag:s17] =	ssyncadd.s32 $0xFFFFFF80  }
0x6a: {  	[tilespmem:s22], [sflag:$0x1] =	stream.linear.gather [hbm4b:s2+s29], $0x80, $0x38;
	[tilespmem:$0xA000] =	vst v63  }
0x6b: {  	_ =	swait.ge [sflag:s17], $0x80  }
0x6c: {  	[sflag:s17] =	ssyncset.done $0x0  }
0x6d: {  	s26 =	simm.s32 $0x0;
	[sflag:s17] =	ssyncadd.s32 $0xFFFFFF80  }
0x6e: {  	v1 =	vld [tilespmem:s26+$0x9E00]  }
0x6f: {  	v2 =	vld [tilespmem:s26+$0x9E80];
	_ =	sdelay $0x6  }
0x70: {  	v1 =	vld.idx.msk [tilespmem:v1+s20+$0x0], $0xffff  }
0x71: {  	v2 =	vld.idx.msk [tilespmem:v2+s19+$0x0], $0xffff;
	_ =	sdelay $0x2  }
0x72: {  	s31 =	simm.s32 $0x10  }
0x73: {  	v3 =	vld [tilespmem:s31+$0x9E00]  }
0x74: {  	v4 =	vld [tilespmem:s31+$0x9E80];
	v1 =	vadd.f32 v1, v2;
	_ =	sdelay $0x1  }
0x75: {  	v2 =	vmul.f32 $2.000000030e-01, v1  }
0x76: {  	v5 =	vmov s6;
	vm0 =	vgt.f32 v1, $0.0e+00  }
0x77: {  	vm15 =	vlt.u32 v5, v0;
	v1 =	vsel vm0, v1, v2  }
0x78: {  	v1 =	vnsel vm15, $0xF149F2CA, v1  }
0x79: {  	[tilespmem:s26+$0x9F80] =	vst v1  }
0x7a: {  	v2 =	vld.idx.msk [tilespmem:v3+s20+$0x0], $0xffff  }
0x7b: {  	v3 =	vld.idx.msk [tilespmem:v4+s19+$0x0], $0xffff;
	_ =	sdelay $0x2  }
0x7c: {  	s0 =	simm.s32 $0x20  }
0x7d: {  	s2 =	simm.s32 $0xC0;
	s26 =	smov.u32 s6;
	v1 =	vld [tilespmem:s0+$0x9E00]  }
.LBB2_7:
0x7e: {  	p0 =	sne.s32 s2, $0x1C0;
	v4 =	vld [tilespmem:s0+$0x9E80];
	v2 =	vadd.f32 v2, v3;
	_ =	sdelay $0x1  }
0x7f: {  	s26 =	sadd.s32 $0x10, s26;
	v3 =	vmul.f32 $2.000000030e-01, v2  }
0x80: {  	v5 =	vmov s26;
	vm0 =	vgt.f32 v2, $0.0e+00  }
0x81: {  	v2 =	vsel vm0, v2, v3;
	vm0 =	vlt.u32 v5, v0  }
0x82: {  	v2 =	vnsel vm0, $0xF149F2CA, v2  }
0x83: {  	[tilespmem:s31+$0x9F80] =	vst v2;
	s31 =	smov.u32 s0  }
0x84: {  	v2 =	vld.idx.msk [tilespmem:v1+s20+$0x0], $0xffff  }
0x85: {  	v3 =	vld.idx.msk [tilespmem:v4+s19+$0x0], $0xffff  }
.Ltmp2:
0x86: {  	(pc) =	sbr.rel @p0 .LBB2_7-.Ltmp2, $3  }
0x87: {  	_ =	sdelay $0x1  }
0x88: {  	s0 =	sshra.s32 s2, $0x2  }
0x89: {  	s2 =	sadd.s32 $0x40, s2;
	v1 =	vld [tilespmem:s0+$0x9E00]  }
0x8a: {  	_ = 	snop  }
0x8b: {  	v4 =	vld [tilespmem:s0+$0x9E80];
	v2 =	vadd.f32 v2, v3;
	_ =	sdelay $0x1  }
0x8c: {  	s2 =	sadd.s32 $0x10, s26;
	v3 =	vmul.f32 $2.000000030e-01, v2  }
0x8d: {  	v5 =	vmov s2;
	vm0 =	vgt.f32 v2, $0.0e+00  }
0x8e: {  	vm13 =	vlt.u32 v5, v0;
	v2 =	vsel vm0, v2, v3  }
0x8f: {  	v2 =	vnsel vm13, $0xF149F2CA, v2  }
0x90: {  	[tilespmem:s31+$0x9F80] =	vst v2  }
0x91: {  	v1 =	vld.idx.msk [tilespmem:v1+s20+$0x0], $0xffff  }
0x92: {  	v2 =	vld.idx.msk [tilespmem:v4+s19+$0x0], $0xffff;
	_ =	sdelay $0x4  }
0x93: {  	v1 =	vadd.f32 v1, v2;
	_ =	sdelay $0x1  }
0x94: {  	s2 =	sadd.s32 $0x10, s2;
	v2 =	vmul.f32 $2.000000030e-01, v1  }
0x95: {  	v3 =	vmov s2;
	vm14 =	vgt.f32 v1, $0.0e+00  }
0x96: {  	s28 =	sadd.s32 $0x1, s28;
	vm15 =	vlt.u32 v3, v0;
	v1 =	vsel vm14, v1, v2  }
0x97: {  	p0 =	sne.s32 s28, $0x28;
	v1 =	vnsel vm15, $0xF149F2CA, v1  }
.Ltmp3:
0x98: {  	s31 =	sadd.s32 s14, s30;
	[tilespmem:s0+$0x9F80] =	vst v1;
	(pc) =	sbr.rel @p0 .LBB2_6-.Ltmp3, $4  }
0x99: {  	[hbm4b:s31+s1] =	stream.linear.scatter [tilespmem:s24], [sflag:$0x1], $0x80, $0x38;
	[tilespmem:$0xA000] =	vst v63  }
0x9a: {  	_ =	swait.ge [sflag:s17], $0x80  }
0x9b: {  	[sflag:s17] =	ssyncset.done $0x0  }
0x9c: {  	s6 =	sadd.s32 $0x80, s6;
	[sflag:s17] =	ssyncadd.s32 $0xFFFFFF80  }
0x9d: {  	s25 =	sadd.s32 $0x1, s25  }
0x9e: {  	p0 =	sne.s32 s25, s16  }
.Ltmp4:
0x9f: {  	_ = 	snop;
	(pc) =	sbr.rel @p0 .LBB2_1-.Ltmp4, $1  }
0xa0: {  	_ =	sdelay $0x3  }
0xa1: {  	_ =	sfence.sel $0x180000  }
0xa2: {  	[bflag:$0x0] =	sbarrier.arrive $0xFFFF  }
0xa3: {  	_ =	strace $0x90000047  }
0xa4: {  	s0 =	stileid.u32;
	[bflag:$0x2] =	sbarrier.arrive $0xFFFF  }
0xa5: {  	p0 =	sne.s32 s0, $0x0;
	s0 =	rddreg [dreg:$0x1]  }
0xa6: {  	s0 =	sadd.s32 @!p0 $0x100000, s0  }
0xa7: {  	[sflag:s0] =	ssyncadd.tile.s32 @!p0 $0x1;
	_ =	shalt  }
.Lfunc_end2:
_tile_overlayer_lowered:
.L_overlay_start_2:
0xa8: {  	(tag) =	ssettag $0x2  }
0xa9: {  	s0 =	rddreg [dreg:$0x0];
	s2 =	stileid.u32  }
0xaa: {  	s1 =	rddreg [dreg:$0x1];
	p0 =	sne.s32 s2, $0x0  }
0xab: {  	s3 =	rddreg [dreg:$0x2];
	[bflag:$0x3] =	sbarrier.arrive $0xFFFF;
	s2 =	simm.s32 @!p0 $0x1C01  }
0xac: {  	[timem:s3], [sflag:s2] =	dma.local @!p0 [hbm:s0], s1  }
0xad: {  	s0 =	simm.s32 @!p0 $0x1  }
0xae: {  	_ =	swait.ge @!p0 [sflag:s0], s1  }
0xaf: {  	s1 =	ssub.s32 @!p0 $0x0, s1;
	[sflag:s0] =	ssyncset.done @!p0 $0x0  }
0xb0: {  	[sflag:s0] =	ssyncadd.s32 @!p0 s1  }
0xb1: {  	[bflag:$0x3] =	sbarrier.arrive $0xFFFF  }
0xb2: {  	_ =	shalt  }

</sc_bundles>
